<compile_context>
chip_gen: v7x
topology: tpu7x:2x2x1
jax: 0.10.2.dev20260603
libtpu: 0.0.44.dev20260713+nightly
codegen_flags: <defaults>
</compile_context>

<pallas_src>
import functools

import jax
import jax.numpy as jnp
from jax import lax
from jax.experimental import pallas as pl
from jax.experimental.pallas import tpu as pltpu
from jax.experimental.pallas import tpu_sc as plsc

N = 10000
E = 320000
D = 128
NC = 2
NS = 16
NW = NC * NS
EPW = E // NW
K = 112
NCHUNK = 90
NPAD = NCHUNK * K - EPW
NP = 10240
RPS = NP // NS

def _sc_agg_body(with_deg, h_hbm, eidx_hbm, *refs):
    if with_deg:
        out_hbm, deg_hbm = refs[0], refs[1]
        refs = refs[2:]
    else:
        out_hbm = refs[0]
        refs = refs[1:]
    (eb0, eb1, eb2, eb3,
     rows0, rows1, ones_v, zdeg, acc_sh, deg_sh,
     semi0, semi1, semi2, semi3, semg0, semg1, sems0, sems1) = refs
    ebuf = (eb0, eb1, eb2, eb3)
    rows = (rows0, rows1)
    semi = (semi0, semi1, semi2, semi3)
    semg = (semg0, semg1)
    sems = (sems0, sems1)

    c = lax.axis_index("c")
    s = lax.axis_index("s")
    wid = c * NS + s

    zero16 = jnp.zeros((16,), jnp.float32)

    def idx_issue(j, q):
        pltpu.async_copy(eidx_hbm.at[wid, j], ebuf[q], semi[q])

    def idx_wait(j, q):
        pltpu.make_async_copy(eidx_hbm.at[wid, j], ebuf[q], semi[q]).wait()

    def gather_issue(q, r):
        pltpu.async_copy(h_hbm.at[ebuf[q].at[0]], rows[r], semg[r])

    def gather_wait(q, r):
        pltpu.make_async_copy(h_hbm.at[ebuf[q].at[0]], rows[r], semg[r]).wait()

    def scatter_issue(q, r):
        pltpu.async_copy(rows[r], acc_sh.at[ebuf[q].at[1]], sems[r], add=True)
        if with_deg:
            pltpu.async_copy(ones_v, deg_sh.at[ebuf[q].at[1]], sems[r],
                             add=True)

    def scatter_wait(q, r):
        pltpu.make_async_copy(rows[r], acc_sh.at[ebuf[q].at[1]], sems[r]).wait()
        if with_deg:
            pltpu.make_async_copy(ones_v, deg_sh.at[ebuf[q].at[1]],
                                  sems[r]).wait()

    idx_issue(0, 0)
    idx_issue(1, 1)
    idx_issue(2, 2)

    def zrow(i, _):
        for jb in range(D // 16):
            rows1[i, pl.ds(jb * 16, 16)] = zero16
        return _

    lax.fori_loop(0, K, zrow, None)
    base = s * RPS
    off = 0
    while off < RPS:
        sz = min(K, RPS - off)
        pltpu.sync_copy(rows1.at[pl.ds(0, sz)], acc_sh.at[pl.ds(base + off, sz)])
        off += sz

    if with_deg:
        def zdrow(i, _):
            zdeg[pl.ds(i * 16, 16)] = zero16
            return _

        lax.fori_loop(0, 640 // 16, zdrow, None)
        pltpu.sync_copy(zdeg.at[pl.ds(0, RPS)], deg_sh.at[pl.ds(s * RPS, RPS)])
        one16 = jnp.full((16,), 1.0, jnp.float32)
        for jb in range(K // 16):
            ones_v[pl.ds(jb * 16, 16)] = one16

    idx_wait(0, 0)
    gather_issue(0, 0)
    plsc.subcore_barrier()

    def chunk_step(j, q, first):
        qn = (q + 1) % 4
        r = q % 2
        rn = qn % 2

        @pl.when(j + 1 < NCHUNK)
        def _():
            idx_wait(j + 1, qn)

        gather_wait(q, r)
        scatter_issue(q, r)
        if first:
            @pl.when(j > 0)
            def _():
                scatter_wait((q + 3) % 4, rn)
        else:
            scatter_wait((q + 3) % 4, rn)

        @pl.when(j + 1 < NCHUNK)
        def _():
            gather_issue(qn, rn)

        @pl.when(j + 3 < NCHUNK)
        def _():
            idx_issue(j + 3, (q + 3) % 4)

    def body(i, _):
        j = 4 * i
        chunk_step(j, 0, True)
        chunk_step(j + 1, 1, False)
        chunk_step(j + 2, 2, False)
        chunk_step(j + 3, 3, False)
        return _

    lax.fori_loop(0, NCHUNK // 4, body, None)
    for jj in range(4 * (NCHUNK // 4), NCHUNK):
        chunk_step(jj, jj % 4, False)
    scatter_wait((NCHUNK - 1) % 4, (NCHUNK - 1) % 2)

    plsc.subcore_barrier()

    pltpu.sync_copy(acc_sh.at[pl.ds(s * RPS, RPS)],
                    out_hbm.at[c, pl.ds(s * RPS, RPS)])
    if with_deg:
        pltpu.sync_copy(deg_sh.at[pl.ds(s * RPS, RPS)],
                        deg_hbm.at[c, pl.ds(s * RPS, RPS)])


def _sc_agg1d_body(s_hbm, eidx_hbm, out_hbm,
                   eidx_all, vals0, vals1, zdeg, acc_sh, sem0, sem1):
    c = lax.axis_index("c")
    s = lax.axis_index("s")
    wid = c * NS + s

    zero16 = jnp.zeros((16,), jnp.float32)

    idx_cp = pltpu.async_copy(eidx_hbm.at[wid], eidx_all, sem0)

    def zdrow(i, _):
        zdeg[pl.ds(i * 16, 16)] = zero16
        return _

    lax.fori_loop(0, 640 // 16, zdrow, None)
    pltpu.sync_copy(zdeg.at[pl.ds(0, RPS)], acc_sh.at[pl.ds(s * RPS, RPS)])
    idx_cp.wait()
    plsc.subcore_barrier()

    def gather(j, buf, sem):
        return pltpu.async_copy(s_hbm.at[eidx_all.at[j, 0]], buf, sem)

    def put(j, buf):
        pltpu.sync_copy(buf, acc_sh.at[eidx_all.at[j, 1]], add=True)

    def gwait(j, buf, sem):
        pltpu.make_async_copy(s_hbm.at[eidx_all.at[j, 0]], buf, sem).wait()

    gather(0, vals0, sem0)

    def body(i, _):
        j = 2 * i
        gather(j + 1, vals1, sem1)
        gwait(j, vals0, sem0)
        put(j, vals0)
        gather(j + 2, vals0, sem0)
        gwait(j + 1, vals1, sem1)
        put(j + 1, vals1)
        return _

    lax.fori_loop(0, NCHUNK // 2 - 1, body, None)
    gwait(NCHUNK - 2, vals0, sem0)
    put(NCHUNK - 2, vals0)
    gather(NCHUNK - 1, vals1, sem1)
    gwait(NCHUNK - 1, vals1, sem1)
    put(NCHUNK - 1, vals1)

    plsc.subcore_barrier()
    pltpu.sync_copy(acc_sh.at[pl.ds(s * RPS, RPS)],
                    out_hbm.at[c, pl.ds(s * RPS, RPS)])


@functools.lru_cache(maxsize=None)
def _sc_kernels():
    mesh = plsc.VectorSubcoreMesh(
        core_axis_name="c", subcore_axis_name="s",
        num_cores=NC, num_subcores=NS,
    )
    agg_scratch = (
        [pltpu.VMEM((2, K), jnp.int32)] * 4
        + [pltpu.VMEM((K, D), jnp.float32)] * 2
        + [
            pltpu.VMEM((K,), jnp.float32),
            pltpu.VMEM((640,), jnp.float32),
            pltpu.VMEM_SHARED((NP, D), jnp.float32),
            pltpu.VMEM_SHARED((NP,), jnp.float32),
        ]
        + [pltpu.SemaphoreType.DMA] * 8
    )
    sc_agg_deg = pl.kernel(
        functools.partial(_sc_agg_body, True),
        out_type=[
            jax.ShapeDtypeStruct((NC, NP, D), jnp.float32),
            jax.ShapeDtypeStruct((NC, NP), jnp.float32),
        ],
        mesh=mesh,
        scratch_types=agg_scratch,
    )
    sc_agg = pl.kernel(
        functools.partial(_sc_agg_body, False),
        out_type=jax.ShapeDtypeStruct((NC, NP, D), jnp.float32),
        mesh=mesh,
        scratch_types=agg_scratch,
    )
    sc_agg1d = pl.kernel(
        _sc_agg1d_body,
        out_type=jax.ShapeDtypeStruct((NC, NP), jnp.float32),
        mesh=mesh,
        scratch_types=[
            pltpu.VMEM((NCHUNK, 2, K), jnp.int32),
            pltpu.VMEM((K,), jnp.float32),
            pltpu.VMEM((K,), jnp.float32),
            pltpu.VMEM((640,), jnp.float32),
            pltpu.VMEM_SHARED((NP,), jnp.float32),
            pltpu.SemaphoreType.DMA,
            pltpu.SemaphoreType.DMA,
        ],
    )
    return sc_agg_deg, sc_agg, sc_agg1d


BR = 2000
_GRID = N // BR


def _dot(a, w):
    return lax.dot_general(a, w, (((1,), (1,)), ((), ())),
                           preferred_element_type=jnp.float32)


def _tc_root_body(h_ref, wr_ref, bl_ref, root_ref):
    root_ref[...] = _dot(h_ref[...], wr_ref[...]) + bl_ref[...]


def _tc_comb1_body(p_ref, degp_ref, root_ref, wl_ref, h_ref, invdeg_ref):
    deg = degp_ref[0] + degp_ref[1]
    invdeg = 1.0 / jnp.maximum(deg, 1.0)
    agg = (p_ref[0] + p_ref[1]) * invdeg
    y = _dot(agg, wl_ref[...]) + root_ref[...]
    h_ref[...] = jnp.maximum(y, 0.0)
    invdeg_ref[...] = invdeg


def _tc_comb2_body(p_ref, invdeg_ref, root_ref, wl_ref, w3l_ref, w3r_ref,
                   s_ref, t_ref):
    agg = (p_ref[0] + p_ref[1]) * invdeg_ref[...]
    y = _dot(agg, wl_ref[...]) + root_ref[...]
    h2 = jnp.maximum(y, 0.0)
    s_ref[...] = lax.dot_general(h2, w3l_ref[...], (((1,), (1,)), ((), ())),
                                 preferred_element_type=jnp.float32)
    t_ref[...] = lax.dot_general(h2, w3r_ref[...], (((1,), (1,)), ((), ())),
                                 preferred_element_type=jnp.float32)


def _tc_layer3_body(ps_ref, invdeg_ref, t_ref, b_ref, out_ref):
    agg = (ps_ref[0] + ps_ref[1]) * invdeg_ref[...]
    out_ref[...] = agg + b_ref[...] + t_ref[...]


def _row_spec():
    return pl.BlockSpec((BR, D), lambda i: (i, 0))


def _col_spec():
    return pl.BlockSpec((BR, 1), lambda i: (i, 0))


def _full_spec():
    return pl.BlockSpec((D, D), lambda i: (0, 0))


def _bias_spec():
    return pl.BlockSpec((1, D), lambda i: (0, 0))


def _part_spec():
    return pl.BlockSpec((NC, BR, D), lambda i: (0, i, 0))


def _part1d_spec():
    return pl.BlockSpec((NC, BR, 1), lambda i: (0, i, 0))


def kernel(x, edge_index, W1l, b1l, W1r, W2l, b2l, W2r, W3l, b3l, W3r):
    pad_src = jnp.broadcast_to(
        ((jnp.arange(NPAD, dtype=jnp.int32) * 89) % N)[None], (NW, NPAD))
    pad_dst = jnp.broadcast_to(
        (N + jnp.arange(NPAD, dtype=jnp.int32))[None], (NW, NPAD))
    ew = edge_index.reshape(2, NW, EPW)
    eidx = jnp.concatenate(
        [ew, jnp.stack([pad_src, pad_dst])], axis=2).reshape(
            2, NW, NCHUNK, K).transpose(1, 2, 0, 3)
    _sc_agg_deg, _sc_agg, _sc_agg1d = _sc_kernels()

    def tc_root(h, Wr, bl):
        return pl.pallas_call(
            _tc_root_body,
            grid=(_GRID,),
            in_specs=[_row_spec(), _full_spec(), _bias_spec()],
            out_specs=_row_spec(),
            out_shape=jax.ShapeDtypeStruct((N, D), jnp.float32),
        )(h, Wr, bl.reshape(1, D))

    p1 = _sc_agg_deg(x, eidx)
    root1 = tc_root(x, W1r, b1l)
    p1, degp = p1

    h1, invdeg = pl.pallas_call(
        _tc_comb1_body,
        grid=(_GRID,),
        in_specs=[_part_spec(), _part1d_spec(), _row_spec(), _full_spec()],
        out_specs=[_row_spec(), _col_spec()],
        out_shape=[jax.ShapeDtypeStruct((N, D), jnp.float32),
                   jax.ShapeDtypeStruct((N, 1), jnp.float32)],
    )(p1, degp.reshape(NC, NP, 1), root1, W1l)

    p2 = _sc_agg(h1, eidx)
    root2 = tc_root(h1, W2r, b2l)

    s, t = pl.pallas_call(
        _tc_comb2_body,
        grid=(_GRID,),
        in_specs=[_part_spec(), _col_spec(), _row_spec(), _full_spec(),
                  pl.BlockSpec((1, D), lambda i: (0, 0)),
                  pl.BlockSpec((1, D), lambda i: (0, 0))],
        out_specs=[_col_spec(), _col_spec()],
        out_shape=[jax.ShapeDtypeStruct((N, 1), jnp.float32),
                   jax.ShapeDtypeStruct((N, 1), jnp.float32)],
    )(p2, invdeg, root2, W2l, W3l, W3r)

    ps = _sc_agg1d(s.reshape(N), eidx)

    out = pl.pallas_call(
        _tc_layer3_body,
        grid=(_GRID,),
        in_specs=[_part1d_spec(), _col_spec(), _col_spec(),
                  pl.BlockSpec((1, 1), lambda i: (0, 0))],
        out_specs=_col_spec(),
        out_shape=jax.ShapeDtypeStruct((N, 1), jnp.float32),
    )(ps.reshape(NC, NP, 1), invdeg, t, b3l.reshape(1, 1))

    return out

# --- scband reference (transcript-rebuilt; emitter-appended) ---
"""Pipeline reference for scband-sage-ks-31997506355387 (READ-ONLY COPY).

The authoritative reference and input builder live on the scoring server;
editing this copy changes nothing except your own understanding.
"""

import jax, jax.numpy as jnp
import numpy as np

N = 10000
E = 320000
D_IN = 128
D_H = 128
D_OUT = 1


def _lin(key, fan_in, fan_out):
    return jax.random.normal(key, (fan_out, fan_in), dtype=jnp.float32) * (1.0 / np.sqrt(fan_in))


def setup_inputs(seed: int = 0) -> dict:
    key = jax.random.key(seed)
    ks = jax.random.split(key, 12)
    x = jax.random.normal(ks[0], (N, D_IN), dtype=jnp.float32)
    edge_index = jax.random.randint(ks[1], (2, E), 0, N, dtype=jnp.int32)
    return {
        "x": x,
        "edge_index": edge_index,
        "W1l": _lin(ks[2], D_IN, D_H),
        "b1l": jnp.zeros((D_H,), dtype=jnp.float32),
        "W1r": _lin(ks[3], D_IN, D_H),
        "W2l": _lin(ks[4], D_H, D_H),
        "b2l": jnp.zeros((D_H,), dtype=jnp.float32),
        "W2r": _lin(ks[5], D_H, D_H),
        "W3l": _lin(ks[6], D_H, D_OUT),
        "b3l": jnp.zeros((D_OUT,), dtype=jnp.float32),
        "W3r": _lin(ks[7], D_H, D_OUT),
    }


def _sage_conv(h, edge_index, Wl, bl, Wr):
    # PyG SAGEConv with mean aggregation:
    # out = lin_l(mean_{j in N(i)} x_j) + lin_r(x_i)
    src = edge_index[0]
    dst = edge_index[1]
    msg = h[src]  # gather source node features
    agg_sum = jax.ops.segment_sum(msg, dst, num_segments=N)
    deg = jax.ops.segment_sum(jnp.ones((edge_index.shape[1],), dtype=h.dtype), dst, num_segments=N)
    agg = agg_sum / jnp.clip(deg, 1.0, None)[:, None]
    return agg @ Wl.T + bl + h @ Wr.T


def reference(x, edge_index, W1l, b1l, W1r, W2l, b2l, W2r, W3l, b3l, W3r):
    h = _sage_conv(x, edge_index, W1l, b1l, W1r)
    h = jax.nn.relu(h)
    # dropout is identity in eval mode
    h = _sage_conv(h, edge_index, W2l, b2l, W2r)
    h = jax.nn.relu(h)
    h = _sage_conv(h, edge_index, W3l, b3l, W3r)
    return h

if __name__ == "__main__":
    import jax
    _d = setup_inputs()
    print(jax.jit(kernel)(*tuple(_d.values())))

</pallas_src>

<mosaic_0001>
#map = affine_map<(d0, d1) -> (0)>
#map1 = affine_map<(d0, d1) -> (0, 0, 0, 0)>
#map2 = affine_map<(d0, d1) -> (0, 0)>
module attributes {stable_mosaic.version = 14 : i64} {
  func.func @_sc_agg1d_body(%arg0: i32, %arg1: i32, %arg2: memref<10000xf32, #tpu.memory_space<hbm>>, %arg3: memref<32x90x2x112xi32, #tpu.memory_space<hbm>>, %arg4: memref<2x10240xf32, #tpu.memory_space<hbm>>, %arg5: memref<90x2x112xi32, #tpu.memory_space<vmem>>, %arg6: memref<112xf32, #tpu.memory_space<vmem>>, %arg7: memref<112xf32, #tpu.memory_space<vmem>>, %arg8: memref<640xf32, #tpu.memory_space<vmem>>, %arg9: memref<10240xf32, #tpu.memory_space<vmem_shared>>, %arg10: memref<!tpu.dma_semaphore, #tpu.memory_space<semaphore_mem>>, %arg11: memref<!tpu.dma_semaphore, #tpu.memory_space<semaphore_mem>>) attributes {dimension_semantics = [#tpu.dimension_semantics<core_parallel>, #tpu.dimension_semantics<subcore_parallel>], iteration_bounds = array<i64: 2, 16>, scalar_prefetch = 0 : i64, scratch_operands = 7 : i64, tpu.core_type = #tpu.core_type<sc_vector_subcore>, window_params = [{transform_indices = #map}, {transform_indices = #map1}, {transform_indices = #map2}]} {
    %mul3A = arith.constant 16 : i32
    %mul3A_0 = arith.muli %arg0, %mul3A : i32
    %add3A = arith.addi %mul3A_0, %arg1 : i32
    %broadcast_in_dim3A = arith.constant 0.000000e+00 : f32
    %broadcast_in_dim3A_1 = vector.broadcast %broadcast_in_dim3A : f32 to vector<16xf32>
    %dma_start3A = arith.constant 0 : i32
    %dma_start3A_2 = arith.constant 0 : i32
    %dma_start3A_3 = arith.constant 0 : i32
    %dma_start3A_4 = tpu.memref_slice %arg3[%add3A, %dma_start3A, %dma_start3A_2, %dma_start3A_3] : memref<32x90x2x112xi32, #tpu.memory_space<hbm>> -> memref<1x90x2x112xi32, #tpu.memory_space<hbm>>
    %dma_start3A_5 = tpu.memref_squeeze %dma_start3A_4 : memref<1x90x2x112xi32, #tpu.memory_space<hbm>> -> memref<90x2x112xi32, #tpu.memory_space<hbm>>
    %dma_start3A_6 = arith.constant 0 : i32
    %dma_start3A_7 = arith.constant 0 : i32
    %dma_start3A_8 = arith.constant 0 : i32
    %dma_start3A_9 = tpu.memref_slice %arg3[%add3A, %dma_start3A_6, %dma_start3A_7, %dma_start3A_8] : memref<32x90x2x112xi32, #tpu.memory_space<hbm>> -> memref<1x90x2x112xi32, #tpu.memory_space<hbm>>
    %dma_start3A_10 = tpu.memref_squeeze %dma_start3A_9 : memref<1x90x2x112xi32, #tpu.memory_space<hbm>> -> memref<90x2x112xi32, #tpu.memory_space<hbm>>
    tpu.enqueue_dma source(%dma_start3A_10 : memref<90x2x112xi32, #tpu.memory_space<hbm>>) target(%arg5 : memref<90x2x112xi32, #tpu.memory_space<vmem>>) target_semaphore(%arg10 : memref<!tpu.dma_semaphore, #tpu.memory_space<semaphore_mem>>)
    %scan3A = arith.constant 0 : i32
    %scan3A_11 = arith.constant 40 : i32
    %scan3A_12 = arith.addi %scan3A, %scan3A_11 : i32
    %scan3A_13 = arith.constant 1 : i32
    scf.for %scan3A_67 = %scan3A to %scan3A_12 step %scan3A_13  : i32 {
      %mul3A_68 = arith.constant 16 : i32
      %mul3A_69 = arith.muli %scan3A_67, %mul3A_68 : i32
      %swap3A = arith.index_cast %mul3A_69 : i32 to index
      %swap3A_70 = tpu.vector_load %arg8[%swap3A] {strides = array<i32>} : memref<640xf32, #tpu.memory_space<vmem>>, vector<16xf32>,
      %swap3A_71 = vector.shape_cast %swap3A_70 : vector<16xf32> to vector<16xf32>
      %swap3A_72 = vector.shape_cast %broadcast_in_dim3A_1 : vector<16xf32> to vector<16xf32>
      tpu.vector_store %arg8[%swap3A], %swap3A_72 {strides = array<i32>} : memref<640xf32, #tpu.memory_space<vmem>>, vector<16xf32>,
    }
    %scan3A_14 = arith.constant 40 : i32
    %mul3A_15 = arith.constant 640 : i32
    %mul3A_16 = arith.muli %arg1, %mul3A_15 : i32
    "tpu.region"() ({
      %run_scoped3A_67 = tpu.sem_alloc : memref<!tpu.dma_semaphore, #tpu.memory_space<semaphore_mem>>
      %dma_start3A_68 = arith.constant 0 : i32
      %dma_start3A_69 = tpu.memref_slice %arg8[%dma_start3A_68] : memref<640xf32, #tpu.memory_space<vmem>> -> memref<640xf32, #tpu.memory_space<vmem>>
      %dma_start3A_70 = tpu.memref_slice %arg9[%mul3A_16] : memref<10240xf32, #tpu.memory_space<vmem_shared>> -> memref<640xf32, #tpu.memory_space<vmem_shared>>
      %dma_start3A_71 = tpu.memref_slice %arg9[%mul3A_16] : memref<10240xf32, #tpu.memory_space<vmem_shared>> -> memref<640xf32, #tpu.memory_space<vmem_shared>>
      %dma_start3A_72 = arith.constant 0 : i32
      %dma_start3A_73 = tpu.memref_slice %arg8[%dma_start3A_72] : memref<640xf32, #tpu.memory_space<vmem>> -> memref<640xf32, #tpu.memory_space<vmem>>
      tpu.enqueue_dma source(%dma_start3A_73 : memref<640xf32, #tpu.memory_space<vmem>>) target(%dma_start3A_71 : memref<640xf32, #tpu.memory_space<vmem_shared>>) target_semaphore(%run_scoped3A_67 : memref<!tpu.dma_semaphore, #tpu.memory_space<semaphore_mem>>)
      %dma_wait3A_74 = arith.constant 0 : i32
      %dma_wait3A_75 = tpu.memref_slice %arg8[%dma_wait3A_74] : memref<640xf32, #tpu.memory_space<vmem>> -> memref<640xf32, #tpu.memory_space<vmem>>
      %dma_wait3A_76 = tpu.memref_slice %arg9[%mul3A_16] : memref<10240xf32, #tpu.memory_space<vmem_shared>> -> memref<640xf32, #tpu.memory_space<vmem_shared>>
      %dma_wait3A_77 = tpu.memref_slice %arg9[%mul3A_16] : memref<10240xf32, #tpu.memory_space<vmem_shared>> -> memref<640xf32, #tpu.memory_space<vmem_shared>>
      %dma_wait3A_78 = arith.constant 0 : i32
      %dma_wait3A_79 = tpu.memref_slice %arg8[%dma_wait3A_78] : memref<640xf32, #tpu.memory_space<vmem>> -> memref<640xf32, #tpu.memory_space<vmem>>
      tpu.wait_dma2 semaphore(%run_scoped3A_67 : memref<!tpu.dma_semaphore, #tpu.memory_space<semaphore_mem>>) src(%dma_wait3A_79 : memref<640xf32, #tpu.memory_space<vmem>>) dst(%dma_wait3A_77 : memref<640xf32, #tpu.memory_space<vmem_shared>>)
      tpu.yield
    }) : () -> ()
    %dma_wait3A = arith.constant 0 : i32
    %dma_wait3A_17 = arith.constant 0 : i32
    %dma_wait3A_18 = arith.constant 0 : i32
    %dma_wait3A_19 = tpu.memref_slice %arg3[%add3A, %dma_wait3A, %dma_wait3A_17, %dma_wait3A_18] : memref<32x90x2x112xi32, #tpu.memory_space<hbm>> -> memref<1x90x2x112xi32, #tpu.memory_space<hbm>>
    %dma_wait3A_20 = tpu.memref_squeeze %dma_wait3A_19 : memref<1x90x2x112xi32, #tpu.memory_space<hbm>> -> memref<90x2x112xi32, #tpu.memory_space<hbm>>
    %dma_wait3A_21 = arith.constant 0 : i32
    %dma_wait3A_22 = arith.constant 0 : i32
    %dma_wait3A_23 = arith.constant 0 : i32
    %dma_wait3A_24 = tpu.memref_slice %arg3[%add3A, %dma_wait3A_21, %dma_wait3A_22, %dma_wait3A_23] : memref<32x90x2x112xi32, #tpu.memory_space<hbm>> -> memref<1x90x2x112xi32, #tpu.memory_space<hbm>>
    %dma_wait3A_25 = tpu.memref_squeeze %dma_wait3A_24 : memref<1x90x2x112xi32, #tpu.memory_space<hbm>> -> memref<90x2x112xi32, #tpu.memory_space<hbm>>
    tpu.wait_dma2 semaphore(%arg10 : memref<!tpu.dma_semaphore, #tpu.memory_space<semaphore_mem>>) src(%dma_wait3A_25 : memref<90x2x112xi32, #tpu.memory_space<hbm>>) dst(%arg5 : memref<90x2x112xi32, #tpu.memory_space<vmem>>)
    %barrier3A = arith.constant 0 : index
    tpu.barrier barrier_id(%barrier3A)
    %dma_start3A_26 = arith.constant 0 : i32
    %dma_start3A_27 = arith.constant 0 : i32
    %dma_start3A_28 = arith.constant 0 : i32
    %dma_start3A_29 = tpu.memref_slice %arg5[%dma_start3A_26, %dma_start3A_27, %dma_start3A_28] : memref<90x2x112xi32, #tpu.memory_space<vmem>> -> memref<1x1x112xi32, #tpu.memory_space<vmem>>
    %dma_start3A_30 = tpu.memref_squeeze %dma_start3A_29 : memref<1x1x112xi32, #tpu.memory_space<vmem>> -> memref<112xi32, #tpu.memory_space<vmem>>
    %dma_start3A_31 = arith.constant 0 : i32
    %dma_start3A_32 = tpu.memref_slice %arg2[%dma_start3A_31] : memref<10000xf32, #tpu.memory_space<hbm>> -> memref<10000xf32, #tpu.memory_space<hbm>>
    tpu.enqueue_indirect_dma source(%dma_start3A_32 : memref<10000xf32, #tpu.memory_space<hbm>>) target(%arg6 : memref<112xf32, #tpu.memory_space<vmem>>) offsets(%dma_start3A_30 : memref<112xi32, #tpu.memory_space<vmem>>) semaphore(%arg10 : memref<!tpu.dma_semaphore, #tpu.memory_space<semaphore_mem>>)
    %scan3A_33 = arith.constant 0 : i32
    %scan3A_34 = arith.constant 44 : i32
    %scan3A_35 = arith.addi %scan3A_33, %scan3A_34 : i32
    %scan3A_36 = arith.constant 1 : i32
    scf.for %scan3A_67 = %scan3A_33 to %scan3A_35 step %scan3A_36  : i32 {
      %mul3A_68 = arith.constant 2 : i32
      %mul3A_69 = arith.muli %mul3A_68, %scan3A_67 : i32
      %add3A_70 = arith.constant 1 : i32
      %add3A_71 = arith.addi %mul3A_69, %add3A_70 : i32
      %dma_start3A_72 = arith.constant 0 : i32
      %dma_start3A_73 = arith.constant 0 : i32
      %dma_start3A_74 = tpu.memref_slice %arg5[%add3A_71, %dma_start3A_72, %dma_start3A_73] : memref<90x2x112xi32, #tpu.memory_space<vmem>> -> memref<1x1x112xi32, #tpu.memory_space<vmem>>
      %dma_start3A_75 = tpu.memref_squeeze %dma_start3A_74 : memref<1x1x112xi32, #tpu.memory_space<vmem>> -> memref<112xi32, #tpu.memory_space<vmem>>
      %dma_start3A_76 = arith.constant 0 : i32
      %dma_start3A_77 = tpu.memref_slice %arg2[%dma_start3A_76] : memref<10000xf32, #tpu.memory_space<hbm>> -> memref<10000xf32, #tpu.memory_space<hbm>>
      tpu.enqueue_indirect_dma source(%dma_start3A_77 : memref<10000xf32, #tpu.memory_space<hbm>>) target(%arg7 : memref<112xf32, #tpu.memory_space<vmem>>) offsets(%dma_start3A_75 : memref<112xi32, #tpu.memory_space<vmem>>) semaphore(%arg11 : memref<!tpu.dma_semaphore, #tpu.memory_space<semaphore_mem>>)
      %dma_wait3A_78 = arith.constant 0 : i32
      %dma_wait3A_79 = arith.constant 0 : i32
      %dma_wait3A_80 = tpu.memref_slice %arg5[%mul3A_69, %dma_wait3A_78, %dma_wait3A_79] : memref<90x2x112xi32, #tpu.memory_space<vmem>> -> memref<1x1x112xi32, #tpu.memory_space<vmem>>
      %dma_wait3A_81 = tpu.memref_squeeze %dma_wait3A_80 : memref<1x1x112xi32, #tpu.memory_space<vmem>> -> memref<112xi32, #tpu.memory_space<vmem>>
      %dma_wait3A_82 = arith.constant 0 : i32
      %dma_wait3A_83 = tpu.memref_slice %arg2[%dma_wait3A_82] : memref<10000xf32, #tpu.memory_space<hbm>> -> memref<10000xf32, #tpu.memory_space<hbm>>
      tpu.wait_indirect_dma semaphore(%arg10 : memref<!tpu.dma_semaphore, #tpu.memory_space<semaphore_mem>>) src(%dma_wait3A_83 : memref<10000xf32, #tpu.memory_space<hbm>>) dst(%arg6 : memref<112xf32, #tpu.memory_space<vmem>>)
      %run_scoped3A_84 = arith.constant 1 : i32
      "tpu.region"() ({
        %run_scoped3A_104 = tpu.sem_alloc : memref<!tpu.dma_semaphore, #tpu.memory_space<semaphore_mem>>
        %dma_start3A_105 = arith.constant 0 : i32
        %dma_start3A_106 = tpu.memref_slice %arg5[%mul3A_69, %run_scoped3A_84, %dma_start3A_105] : memref<90x2x112xi32, #tpu.memory_space<vmem>> -> memref<1x1x112xi32, #tpu.memory_space<vmem>>
        %dma_start3A_107 = tpu.memref_squeeze %dma_start3A_106 : memref<1x1x112xi32, #tpu.memory_space<vmem>> -> memref<112xi32, #tpu.memory_space<vmem>>
        %dma_start3A_108 = arith.constant 0 : i32
        %dma_start3A_109 = tpu.memref_slice %arg9[%dma_start3A_108] : memref<10240xf32, #tpu.memory_space<vmem_shared>> -> memref<10240xf32, #tpu.memory_space<vmem_shared>>
        tpu.enqueue_indirect_dma source(%arg6 : memref<112xf32, #tpu.memory_space<vmem>>) target(%dma_start3A_109 : memref<10240xf32, #tpu.memory_space<vmem_shared>>) offsets(%dma_start3A_107 : memref<112xi32, #tpu.memory_space<vmem>>) semaphore(%run_scoped3A_104 : memref<!tpu.dma_semaphore, #tpu.memory_space<semaphore_mem>>) {add = true}
        %dma_wait3A_110 = arith.constant 0 : i32
        %dma_wait3A_111 = tpu.memref_slice %arg5[%mul3A_69, %run_scoped3A_84, %dma_wait3A_110] : memref<90x2x112xi32, #tpu.memory_space<vmem>> -> memref<1x1x112xi32, #tpu.memory_space<vmem>>
        %dma_wait3A_112 = tpu.memref_squeeze %dma_wait3A_111 : memref<1x1x112xi32, #tpu.memory_space<vmem>> -> memref<112xi32, #tpu.memory_space<vmem>>
        %dma_wait3A_113 = arith.constant 0 : i32
        %dma_wait3A_114 = tpu.memref_slice %arg9[%dma_wait3A_113] : memref<10240xf32, #tpu.memory_space<vmem_shared>> -> memref<10240xf32, #tpu.memory_space<vmem_shared>>
        tpu.wait_indirect_dma semaphore(%run_scoped3A_104 : memref<!tpu.dma_semaphore, #tpu.memory_space<semaphore_mem>>) src(%arg6 : memref<112xf32, #tpu.memory_space<vmem>>) dst(%dma_wait3A_114 : memref<10240xf32, #tpu.memory_space<vmem_shared>>)
        tpu.yield
      }) : () -> ()
      %add3A_85 = arith.constant 2 : i32
      %add3A_86 = arith.addi %mul3A_69, %add3A_85 : i32
      %dma_start3A_87 = arith.constant 0 : i32
      %dma_start3A_88 = arith.constant 0 : i32
      %dma_start3A_89 = tpu.memref_slice %arg5[%add3A_86, %dma_start3A_87, %dma_start3A_88] : memref<90x2x112xi32, #tpu.memory_space<vmem>> -> memref<1x1x112xi32, #tpu.memory_space<vmem>>
      %dma_start3A_90 = tpu.memref_squeeze %dma_start3A_89 : memref<1x1x112xi32, #tpu.memory_space<vmem>> -> memref<112xi32, #tpu.memory_space<vmem>>
      %dma_start3A_91 = arith.constant 0 : i32
      %dma_start3A_92 = tpu.memref_slice %arg2[%dma_start3A_91] : memref<10000xf32, #tpu.memory_space<hbm>> -> memref<10000xf32, #tpu.memory_space<hbm>>
      tpu.enqueue_indirect_dma source(%dma_start3A_92 : memref<10000xf32, #tpu.memory_space<hbm>>) target(%arg6 : memref<112xf32, #tpu.memory_space<vmem>>) offsets(%dma_start3A_90 : memref<112xi32, #tpu.memory_space<vmem>>) semaphore(%arg10 : memref<!tpu.dma_semaphore, #tpu.memory_space<semaphore_mem>>)
      %add3A_93 = arith.constant 1 : i32
      %add3A_94 = arith.addi %mul3A_69, %add3A_93 : i32
      %dma_wait3A_95 = arith.constant 0 : i32
      %dma_wait3A_96 = arith.constant 0 : i32
      %dma_wait3A_97 = tpu.memref_slice %arg5[%add3A_94, %dma_wait3A_95, %dma_wait3A_96] : memref<90x2x112xi32, #tpu.memory_space<vmem>> -> memref<1x1x112xi32, #tpu.memory_space<vmem>>
      %dma_wait3A_98 = tpu.memref_squeeze %dma_wait3A_97 : memref<1x1x112xi32, #tpu.memory_space<vmem>> -> memref<112xi32, #tpu.memory_space<vmem>>
      %dma_wait3A_99 = arith.constant 0 : i32
      %dma_wait3A_100 = tpu.memref_slice %arg2[%dma_wait3A_99] : memref<10000xf32, #tpu.memory_space<hbm>> -> memref<10000xf32, #tpu.memory_space<hbm>>
      tpu.wait_indirect_dma semaphore(%arg11 : memref<!tpu.dma_semaphore, #tpu.memory_space<semaphore_mem>>) src(%dma_wait3A_100 : memref<10000xf32, #tpu.memory_space<hbm>>) dst(%arg7 : memref<112xf32, #tpu.memory_space<vmem>>)
      %add3A_101 = arith.constant 1 : i32
      %add3A_102 = arith.addi %mul3A_69, %add3A_101 : i32
      %run_scoped3A_103 = arith.constant 1 : i32
      "tpu.region"() ({
        %run_scoped3A_104 = tpu.sem_alloc : memref<!tpu.dma_semaphore, #tpu.memory_space<semaphore_mem>>
        %dma_start3A_105 = arith.constant 0 : i32
        %dma_start3A_106 = tpu.memref_slice %arg5[%add3A_102, %run_scoped3A_103, %dma_start3A_105] : memref<90x2x112xi32, #tpu.memory_space<vmem>> -> memref<1x1x112xi32, #tpu.memory_space<vmem>>
        %dma_start3A_107 = tpu.memref_squeeze %dma_start3A_106 : memref<1x1x112xi32, #tpu.memory_space<vmem>> -> memref<112xi32, #tpu.memory_space<vmem>>
        %dma_start3A_108 = arith.constant 0 : i32
        %dma_start3A_109 = tpu.memref_slice %arg9[%dma_start3A_108] : memref<10240xf32, #tpu.memory_space<vmem_shared>> -> memref<10240xf32, #tpu.memory_space<vmem_shared>>
        tpu.enqueue_indirect_dma source(%arg7 : memref<112xf32, #tpu.memory_space<vmem>>) target(%dma_start3A_109 : memref<10240xf32, #tpu.memory_space<vmem_shared>>) offsets(%dma_start3A_107 : memref<112xi32, #tpu.memory_space<vmem>>) semaphore(%run_scoped3A_104 : memref<!tpu.dma_semaphore, #tpu.memory_space<semaphore_mem>>) {add = true}
        %dma_wait3A_110 = arith.constant 0 : i32
        %dma_wait3A_111 = tpu.memref_slice %arg5[%add3A_102, %run_scoped3A_103, %dma_wait3A_110] : memref<90x2x112xi32, #tpu.memory_space<vmem>> -> memref<1x1x112xi32, #tpu.memory_space<vmem>>
        %dma_wait3A_112 = tpu.memref_squeeze %dma_wait3A_111 : memref<1x1x112xi32, #tpu.memory_space<vmem>> -> memref<112xi32, #tpu.memory_space<vmem>>
        %dma_wait3A_113 = arith.constant 0 : i32
        %dma_wait3A_114 = tpu.memref_slice %arg9[%dma_wait3A_113] : memref<10240xf32, #tpu.memory_space<vmem_shared>> -> memref<10240xf32, #tpu.memory_space<vmem_shared>>
        tpu.wait_indirect_dma semaphore(%run_scoped3A_104 : memref<!tpu.dma_semaphore, #tpu.memory_space<semaphore_mem>>) src(%arg7 : memref<112xf32, #tpu.memory_space<vmem>>) dst(%dma_wait3A_114 : memref<10240xf32, #tpu.memory_space<vmem_shared>>)
        tpu.yield
      }) : () -> ()
    }
    %scan3A_37 = arith.constant 44 : i32
    %dma_wait3A_38 = arith.constant 88 : i32
    %dma_wait3A_39 = arith.constant 0 : i32
    %dma_wait3A_40 = arith.constant 0 : i32
    %dma_wait3A_41 = tpu.memref_slice %arg5[%dma_wait3A_38, %dma_wait3A_39, %dma_wait3A_40] : memref<90x2x112xi32, #tpu.memory_space<vmem>> -> memref<1x1x112xi32, #tpu.memory_space<vmem>>
    %dma_wait3A_42 = tpu.memref_squeeze %dma_wait3A_41 : memref<1x1x112xi32, #tpu.memory_space<vmem>> -> memref<112xi32, #tpu.memory_space<vmem>>
    %dma_wait3A_43 = arith.constant 0 : i32
    %dma_wait3A_44 = tpu.memref_slice %arg2[%dma_wait3A_43] : memref<10000xf32, #tpu.memory_space<hbm>> -> memref<10000xf32, #tpu.memory_space<hbm>>
    tpu.wait_indirect_dma semaphore(%arg10 : memref<!tpu.dma_semaphore, #tpu.memory_space<semaphore_mem>>) src(%dma_wait3A_44 : memref<10000xf32, #tpu.memory_space<hbm>>) dst(%arg6 : memref<112xf32, #tpu.memory_space<vmem>>)
    %run_scoped3A = arith.constant 88 : i32
    %run_scoped3A_45 = arith.constant 1 : i32
    "tpu.region"() ({
      %run_scoped3A_67 = tpu.sem_alloc : memref<!tpu.dma_semaphore, #tpu.memory_space<semaphore_mem>>
      %dma_start3A_68 = arith.constant 0 : i32
      %dma_start3A_69 = tpu.memref_slice %arg5[%run_scoped3A, %run_scoped3A_45, %dma_start3A_68] : memref<90x2x112xi32, #tpu.memory_space<vmem>> -> memref<1x1x112xi32, #tpu.memory_space<vmem>>
      %dma_start3A_70 = tpu.memref_squeeze %dma_start3A_69 : memref<1x1x112xi32, #tpu.memory_space<vmem>> -> memref<112xi32, #tpu.memory_space<vmem>>
      %dma_start3A_71 = arith.constant 0 : i32
      %dma_start3A_72 = tpu.memref_slice %arg9[%dma_start3A_71] : memref<10240xf32, #tpu.memory_space<vmem_shared>> -> memref<10240xf32, #tpu.memory_space<vmem_shared>>
      tpu.enqueue_indirect_dma source(%arg6 : memref<112xf32, #tpu.memory_space<vmem>>) target(%dma_start3A_72 : memref<10240xf32, #tpu.memory_space<vmem_shared>>) offsets(%dma_start3A_70 : memref<112xi32, #tpu.memory_space<vmem>>) semaphore(%run_scoped3A_67 : memref<!tpu.dma_semaphore, #tpu.memory_space<semaphore_mem>>) {add = true}
      %dma_wait3A_73 = arith.constant 0 : i32
      %dma_wait3A_74 = tpu.memref_slice %arg5[%run_scoped3A, %run_scoped3A_45, %dma_wait3A_73] : memref<90x2x112xi32, #tpu.memory_space<vmem>> -> memref<1x1x112xi32, #tpu.memory_space<vmem>>
      %dma_wait3A_75 = tpu.memref_squeeze %dma_wait3A_74 : memref<1x1x112xi32, #tpu.memory_space<vmem>> -> memref<112xi32, #tpu.memory_space<vmem>>
      %dma_wait3A_76 = arith.constant 0 : i32
      %dma_wait3A_77 = tpu.memref_slice %arg9[%dma_wait3A_76] : memref<10240xf32, #tpu.memory_space<vmem_shared>> -> memref<10240xf32, #tpu.memory_space<vmem_shared>>
      tpu.wait_indirect_dma semaphore(%run_scoped3A_67 : memref<!tpu.dma_semaphore, #tpu.memory_space<semaphore_mem>>) src(%arg6 : memref<112xf32, #tpu.memory_space<vmem>>) dst(%dma_wait3A_77 : memref<10240xf32, #tpu.memory_space<vmem_shared>>)
      tpu.yield
    }) : () -> ()
    %dma_start3A_46 = arith.constant 89 : i32
    %dma_start3A_47 = arith.constant 0 : i32
    %dma_start3A_48 = arith.constant 0 : i32
    %dma_start3A_49 = tpu.memref_slice %arg5[%dma_start3A_46, %dma_start3A_47, %dma_start3A_48] : memref<90x2x112xi32, #tpu.memory_space<vmem>> -> memref<1x1x112xi32, #tpu.memory_space<vmem>>
    %dma_start3A_50 = tpu.memref_squeeze %dma_start3A_49 : memref<1x1x112xi32, #tpu.memory_space<vmem>> -> memref<112xi32, #tpu.memory_space<vmem>>
    %dma_start3A_51 = arith.constant 0 : i32
    %dma_start3A_52 = tpu.memref_slice %arg2[%dma_start3A_51] : memref<10000xf32, #tpu.memory_space<hbm>> -> memref<10000xf32, #tpu.memory_space<hbm>>
    tpu.enqueue_indirect_dma source(%dma_start3A_52 : memref<10000xf32, #tpu.memory_space<hbm>>) target(%arg7 : memref<112xf32, #tpu.memory_space<vmem>>) offsets(%dma_start3A_50 : memref<112xi32, #tpu.memory_space<vmem>>) semaphore(%arg11 : memref<!tpu.dma_semaphore, #tpu.memory_space<semaphore_mem>>)
    %dma_wait3A_53 = arith.constant 89 : i32
    %dma_wait3A_54 = arith.constant 0 : i32
    %dma_wait3A_55 = arith.constant 0 : i32
    %dma_wait3A_56 = tpu.memref_slice %arg5[%dma_wait3A_53, %dma_wait3A_54, %dma_wait3A_55] : memref<90x2x112xi32, #tpu.memory_space<vmem>> -> memref<1x1x112xi32, #tpu.memory_space<vmem>>
    %dma_wait3A_57 = tpu.memref_squeeze %dma_wait3A_56 : memref<1x1x112xi32, #tpu.memory_space<vmem>> -> memref<112xi32, #tpu.memory_space<vmem>>
    %dma_wait3A_58 = arith.constant 0 : i32
    %dma_wait3A_59 = tpu.memref_slice %arg2[%dma_wait3A_58] : memref<10000xf32, #tpu.memory_space<hbm>> -> memref<10000xf32, #tpu.memory_space<hbm>>
    tpu.wait_indirect_dma semaphore(%arg11 : memref<!tpu.dma_semaphore, #tpu.memory_space<semaphore_mem>>) src(%dma_wait3A_59 : memref<10000xf32, #tpu.memory_space<hbm>>) dst(%arg7 : memref<112xf32, #tpu.memory_space<vmem>>)
    %run_scoped3A_60 = arith.constant 89 : i32
    %run_scoped3A_61 = arith.constant 1 : i32
    "tpu.region"() ({
      %run_scoped3A_67 = tpu.sem_alloc : memref<!tpu.dma_semaphore, #tpu.memory_space<semaphore_mem>>
      %dma_start3A_68 = arith.constant 0 : i32
      %dma_start3A_69 = tpu.memref_slice %arg5[%run_scoped3A_60, %run_scoped3A_61, %dma_start3A_68] : memref<90x2x112xi32, #tpu.memory_space<vmem>> -> memref<1x1x112xi32, #tpu.memory_space<vmem>>
      %dma_start3A_70 = tpu.memref_squeeze %dma_start3A_69 : memref<1x1x112xi32, #tpu.memory_space<vmem>> -> memref<112xi32, #tpu.memory_space<vmem>>
      %dma_start3A_71 = arith.constant 0 : i32
      %dma_start3A_72 = tpu.memref_slice %arg9[%dma_start3A_71] : memref<10240xf32, #tpu.memory_space<vmem_shared>> -> memref<10240xf32, #tpu.memory_space<vmem_shared>>
      tpu.enqueue_indirect_dma source(%arg7 : memref<112xf32, #tpu.memory_space<vmem>>) target(%dma_start3A_72 : memref<10240xf32, #tpu.memory_space<vmem_shared>>) offsets(%dma_start3A_70 : memref<112xi32, #tpu.memory_space<vmem>>) semaphore(%run_scoped3A_67 : memref<!tpu.dma_semaphore, #tpu.memory_space<semaphore_mem>>) {add = true}
      %dma_wait3A_73 = arith.constant 0 : i32
      %dma_wait3A_74 = tpu.memref_slice %arg5[%run_scoped3A_60, %run_scoped3A_61, %dma_wait3A_73] : memref<90x2x112xi32, #tpu.memory_space<vmem>> -> memref<1x1x112xi32, #tpu.memory_space<vmem>>
      %dma_wait3A_75 = tpu.memref_squeeze %dma_wait3A_74 : memref<1x1x112xi32, #tpu.memory_space<vmem>> -> memref<112xi32, #tpu.memory_space<vmem>>
      %dma_wait3A_76 = arith.constant 0 : i32
      %dma_wait3A_77 = tpu.memref_slice %arg9[%dma_wait3A_76] : memref<10240xf32, #tpu.memory_space<vmem_shared>> -> memref<10240xf32, #tpu.memory_space<vmem_shared>>
      tpu.wait_indirect_dma semaphore(%run_scoped3A_67 : memref<!tpu.dma_semaphore, #tpu.memory_space<semaphore_mem>>) src(%arg7 : memref<112xf32, #tpu.memory_space<vmem>>) dst(%dma_wait3A_77 : memref<10240xf32, #tpu.memory_space<vmem_shared>>)
      tpu.yield
    }) : () -> ()
    %barrier3A_62 = arith.constant 0 : index
    tpu.barrier barrier_id(%barrier3A_62)
    %mul3A_63 = arith.constant 640 : i32
    %mul3A_64 = arith.muli %arg1, %mul3A_63 : i32
    %mul3A_65 = arith.constant 640 : i32
    %mul3A_66 = arith.muli %arg1, %mul3A_65 : i32
    "tpu.region"() ({
      %run_scoped3A_67 = tpu.sem_alloc : memref<!tpu.dma_semaphore, #tpu.memory_space<semaphore_mem>>
      %dma_start3A_68 = tpu.memref_slice %arg4[%arg0, %mul3A_66] : memref<2x10240xf32, #tpu.memory_space<hbm>> -> memref<1x640xf32, #tpu.memory_space<hbm>>
      %dma_start3A_69 = tpu.memref_squeeze %dma_start3A_68 : memref<1x640xf32, #tpu.memory_space<hbm>> -> memref<640xf32, #tpu.memory_space<hbm>>
      %dma_start3A_70 = tpu.memref_slice %arg9[%mul3A_64] : memref<10240xf32, #tpu.memory_space<vmem_shared>> -> memref<640xf32, #tpu.memory_space<vmem_shared>>
      tpu.enqueue_dma source(%dma_start3A_70 : memref<640xf32, #tpu.memory_space<vmem_shared>>) target(%dma_start3A_69 : memref<640xf32, #tpu.memory_space<hbm>>) target_semaphore(%run_scoped3A_67 : memref<!tpu.dma_semaphore, #tpu.memory_space<semaphore_mem>>)
      %dma_wait3A_71 = tpu.memref_slice %arg4[%arg0, %mul3A_66] : memref<2x10240xf32, #tpu.memory_space<hbm>> -> memref<1x640xf32, #tpu.memory_space<hbm>>
      %dma_wait3A_72 = tpu.memref_squeeze %dma_wait3A_71 : memref<1x640xf32, #tpu.memory_space<hbm>> -> memref<640xf32, #tpu.memory_space<hbm>>
      %dma_wait3A_73 = tpu.memref_slice %arg9[%mul3A_64] : memref<10240xf32, #tpu.memory_space<vmem_shared>> -> memref<640xf32, #tpu.memory_space<vmem_shared>>
      tpu.wait_dma2 semaphore(%run_scoped3A_67 : memref<!tpu.dma_semaphore, #tpu.memory_space<semaphore_mem>>) src(%dma_wait3A_73 : memref<640xf32, #tpu.memory_space<vmem_shared>>) dst(%dma_wait3A_72 : memref<640xf32, #tpu.memory_space<hbm>>)
      tpu.yield
    }) : () -> ()
    return
  }
}

#map = affine_map<(d0, d1) -> (0, 0)>
#map1 = affine_map<(d0, d1) -> (0, 0, 0, 0)>
#map2 = affine_map<(d0, d1) -> (0, 0, 0)>
module attributes {stable_mosaic.version = 14 : i64} {
  func.func @_sc_agg_body(%arg0: i32, %arg1: i32, %arg2: memref<10000x128xf32, #tpu.memory_space<hbm>>, %arg3: memref<32x90x2x112xi32, #tpu.memory_space<hbm>>, %arg4: memref<2x10240x128xf32, #tpu.memory_space<hbm>>, %arg5: memref<2x10240xf32, #tpu.memory_space<hbm>>, %arg6: memref<2x112xi32, #tpu.memory_space<vmem>>, %arg7: memref<2x112xi32, #tpu.memory_space<vmem>>, %arg8: memref<2x112xi32, #tpu.memory_space<vmem>>, %arg9: memref<2x112xi32, #tpu.memory_space<vmem>>, %arg10: memref<112x128xf32, #tpu.memory_space<vmem>>, %arg11: memref<112x128xf32, #tpu.memory_space<vmem>>, %arg12: memref<112xf32, #tpu.memory_space<vmem>>, %arg13: memref<640xf32, #tpu.memory_space<vmem>>, %arg14: memref<10240x128xf32, #tpu.memory_space<vmem_shared>>, %arg15: memref<10240xf32, #tpu.memory_space<vmem_shared>>, %arg16: memref<!tpu.dma_semaphore, #tpu.memory_space<semaphore_mem>>, %arg17: memref<!tpu.dma_semaphore, #tpu.memory_space<semaphore_mem>>, %arg18: memref<!tpu.dma_semaphore, #tpu.memory_space<semaphore_mem>>, %arg19: memref<!tpu.dma_semaphore, #tpu.memory_space<semaphore_mem>>, %arg20: memref<!tpu.dma_semaphore, #tpu.memory_space<semaphore_mem>>, %arg21: memref<!tpu.dma_semaphore, #tpu.memory_space<semaphore_mem>>, %arg22: memref<!tpu.dma_semaphore, #tpu.memory_space<semaphore_mem>>, %arg23: memref<!tpu.dma_semaphore, #tpu.memory_space<semaphore_mem>>) attributes {dimension_semantics = [#tpu.dimension_semantics<core_parallel>, #tpu.dimension_semantics<subcore_parallel>], iteration_bounds = array<i64: 2, 16>, scalar_prefetch = 0 : i64, scratch_operands = 18 : i64, tpu.core_type = #tpu.core_type<sc_vector_subcore>, window_params = [{transform_indices = #map}, {transform_indices = #map1}, {transform_indices = #map2}, {transform_indices = #map}]} {
    %mul3A = arith.constant 16 : i32
    %mul3A_0 = arith.muli %arg0, %mul3A : i32
    %add3A = arith.addi %mul3A_0, %arg1 : i32
    %broadcast_in_dim3A = arith.constant 0.000000e+00 : f32
    %broadcast_in_dim3A_1 = vector.broadcast %broadcast_in_dim3A : f32 to vector<16xf32>
    %dma_start3A = arith.constant 0 : i32
    %dma_start3A_2 = arith.constant 0 : i32
    %dma_start3A_3 = arith.constant 0 : i32
    %dma_start3A_4 = tpu.memref_slice %arg3[%add3A, %dma_start3A, %dma_start3A_2, %dma_start3A_3] : memref<32x90x2x112xi32, #tpu.memory_space<hbm>> -> memref<1x1x2x112xi32, #tpu.memory_space<hbm>>
    %dma_start3A_5 = tpu.memref_squeeze %dma_start3A_4 : memref<1x1x2x112xi32, #tpu.memory_space<hbm>> -> memref<2x112xi32, #tpu.memory_space<hbm>>
    %dma_start3A_6 = arith.constant 0 : i32
    %dma_start3A_7 = arith.constant 0 : i32
    %dma_start3A_8 = tpu.memref_slice %arg3[%add3A, %dma_start3A, %dma_start3A_6, %dma_start3A_7] : memref<32x90x2x112xi32, #tpu.memory_space<hbm>> -> memref<1x1x2x112xi32, #tpu.memory_space<hbm>>
    %dma_start3A_9 = tpu.memref_squeeze %dma_start3A_8 : memref<1x1x2x112xi32, #tpu.memory_space<hbm>> -> memref<2x112xi32, #tpu.memory_space<hbm>>
    tpu.enqueue_dma source(%dma_start3A_9 : memref<2x112xi32, #tpu.memory_space<hbm>>) target(%arg6 : memref<2x112xi32, #tpu.memory_space<vmem>>) target_semaphore(%arg16 : memref<!tpu.dma_semaphore, #tpu.memory_space<semaphore_mem>>)
    %dma_start3A_10 = arith.constant 1 : i32
    %dma_start3A_11 = arith.constant 0 : i32
    %dma_start3A_12 = arith.constant 0 : i32
    %dma_start3A_13 = tpu.memref_slice %arg3[%add3A, %dma_start3A_10, %dma_start3A_11, %dma_start3A_12] : memref<32x90x2x112xi32, #tpu.memory_space<hbm>> -> memref<1x1x2x112xi32, #tpu.memory_space<hbm>>
    %dma_start3A_14 = tpu.memref_squeeze %dma_start3A_13 : memref<1x1x2x112xi32, #tpu.memory_space<hbm>> -> memref<2x112xi32, #tpu.memory_space<hbm>>
    %dma_start3A_15 = arith.constant 0 : i32
    %dma_start3A_16 = arith.constant 0 : i32
    %dma_start3A_17 = tpu.memref_slice %arg3[%add3A, %dma_start3A_10, %dma_start3A_15, %dma_start3A_16] : memref<32x90x2x112xi32, #tpu.memory_space<hbm>> -> memref<1x1x2x112xi32, #tpu.memory_space<hbm>>
    %dma_start3A_18 = tpu.memref_squeeze %dma_start3A_17 : memref<1x1x2x112xi32, #tpu.memory_space<hbm>> -> memref<2x112xi32, #tpu.memory_space<hbm>>
    tpu.enqueue_dma source(%dma_start3A_18 : memref<2x112xi32, #tpu.memory_space<hbm>>) target(%arg7 : memref<2x112xi32, #tpu.memory_space<vmem>>) target_semaphore(%arg17 : memref<!tpu.dma_semaphore, #tpu.memory_space<semaphore_mem>>)
    %dma_start3A_19 = arith.constant 2 : i32
    %dma_start3A_20 = arith.constant 0 : i32
    %dma_start3A_21 = arith.constant 0 : i32
    %dma_start3A_22 = tpu.memref_slice %arg3[%add3A, %dma_start3A_19, %dma_start3A_20, %dma_start3A_21] : memref<32x90x2x112xi32, #tpu.memory_space<hbm>> -> memref<1x1x2x112xi32, #tpu.memory_space<hbm>>
    %dma_start3A_23 = tpu.memref_squeeze %dma_start3A_22 : memref<1x1x2x112xi32, #tpu.memory_space<hbm>> -> memref<2x112xi32, #tpu.memory_space<hbm>>
    %dma_start3A_24 = arith.constant 0 : i32
    %dma_start3A_25 = arith.constant 0 : i32
    %dma_start3A_26 = tpu.memref_slice %arg3[%add3A, %dma_start3A_19, %dma_start3A_24, %dma_start3A_25] : memref<32x90x2x112xi32, #tpu.memory_space<hbm>> -> memref<1x1x2x112xi32, #tpu.memory_space<hbm>>
    %dma_start3A_27 = tpu.memref_squeeze %dma_start3A_26 : memref<1x1x2x112xi32, #tpu.memory_space<hbm>> -> memref<2x112xi32, #tpu.memory_space<hbm>>
    tpu.enqueue_dma source(%dma_start3A_27 : memref<2x112xi32, #tpu.memory_space<hbm>>) target(%arg8 : memref<2x112xi32, #tpu.memory_space<vmem>>) target_semaphore(%arg18 : memref<!tpu.dma_semaphore, #tpu.memory_space<semaphore_mem>>)
    %scan3A = arith.constant 0 : i32
    %scan3A_28 = arith.constant 112 : i32
    %scan3A_29 = arith.addi %scan3A, %scan3A_28 : i32
    %scan3A_30 = arith.constant 1 : i32
    scf.for %scan3A_206 = %scan3A to %scan3A_29 step %scan3A_30  : i32 {
      %swap3A_207 = arith.index_cast %scan3A_206 : i32 to index
      %swap3A_208 = arith.constant 0 : index
      %swap3A_209 = tpu.vector_load %arg11[%swap3A_207, %swap3A_208] {strides = array<i32>} : memref<112x128xf32, #tpu.memory_space<vmem>>, vector<1x16xf32>,
      %swap3A_210 = vector.shape_cast %swap3A_209 : vector<1x16xf32> to vector<16xf32>
      %swap3A_211 = vector.shape_cast %broadcast_in_dim3A_1 : vector<16xf32> to vector<1x16xf32>
      tpu.vector_store %arg11[%swap3A_207, %swap3A_208], %swap3A_211 {strides = array<i32>} : memref<112x128xf32, #tpu.memory_space<vmem>>, vector<1x16xf32>,
      %swap3A_212 = arith.index_cast %scan3A_206 : i32 to index
      %swap3A_213 = arith.constant 16 : index
      %swap3A_214 = tpu.vector_load %arg11[%swap3A_212, %swap3A_213] {strides = array<i32>} : memref<112x128xf32, #tpu.memory_space<vmem>>, vector<1x16xf32>,
      %swap3A_215 = vector.shape_cast %swap3A_214 : vector<1x16xf32> to vector<16xf32>
      %swap3A_216 = vector.shape_cast %broadcast_in_dim3A_1 : vector<16xf32> to vector<1x16xf32>
      tpu.vector_store %arg11[%swap3A_212, %swap3A_213], %swap3A_216 {strides = array<i32>} : memref<112x128xf32, #tpu.memory_space<vmem>>, vector<1x16xf32>,
      %swap3A_217 = arith.index_cast %scan3A_206 : i32 to index
      %swap3A_218 = arith.constant 32 : index
      %swap3A_219 = tpu.vector_load %arg11[%swap3A_217, %swap3A_218] {strides = array<i32>} : memref<112x128xf32, #tpu.memory_space<vmem>>, vector<1x16xf32>,
      %swap3A_220 = vector.shape_cast %swap3A_219 : vector<1x16xf32> to vector<16xf32>
      %swap3A_221 = vector.shape_cast %broadcast_in_dim3A_1 : vector<16xf32> to vector<1x16xf32>
      tpu.vector_store %arg11[%swap3A_217, %swap3A_218], %swap3A_221 {strides = array<i32>} : memref<112x128xf32, #tpu.memory_space<vmem>>, vector<1x16xf32>,
      %swap3A_222 = arith.index_cast %scan3A_206 : i32 to index
      %swap3A_223 = arith.constant 48 : index
      %swap3A_224 = tpu.vector_load %arg11[%swap3A_222, %swap3A_223] {strides = array<i32>} : memref<112x128xf32, #tpu.memory_space<vmem>>, vector<1x16xf32>,
      %swap3A_225 = vector.shape_cast %swap3A_224 : vector<1x16xf32> to vector<16xf32>
      %swap3A_226 = vector.shape_cast %broadcast_in_dim3A_1 : vector<16xf32> to vector<1x16xf32>
      tpu.vector_store %arg11[%swap3A_222, %swap3A_223], %swap3A_226 {strides = array<i32>} : memref<112x128xf32, #tpu.memory_space<vmem>>, vector<1x16xf32>,
      %swap3A_227 = arith.index_cast %scan3A_206 : i32 to index
      %swap3A_228 = arith.constant 64 : index
      %swap3A_229 = tpu.vector_load %arg11[%swap3A_227, %swap3A_228] {strides = array<i32>} : memref<112x128xf32, #tpu.memory_space<vmem>>, vector<1x16xf32>,
      %swap3A_230 = vector.shape_cast %swap3A_229 : vector<1x16xf32> to vector<16xf32>
      %swap3A_231 = vector.shape_cast %broadcast_in_dim3A_1 : vector<16xf32> to vector<1x16xf32>
      tpu.vector_store %arg11[%swap3A_227, %swap3A_228], %swap3A_231 {strides = array<i32>} : memref<112x128xf32, #tpu.memory_space<vmem>>, vector<1x16xf32>,
      %swap3A_232 = arith.index_cast %scan3A_206 : i32 to index
      %swap3A_233 = arith.constant 80 : index
      %swap3A_234 = tpu.vector_load %arg11[%swap3A_232, %swap3A_233] {strides = array<i32>} : memref<112x128xf32, #tpu.memory_space<vmem>>, vector<1x16xf32>,
      %swap3A_235 = vector.shape_cast %swap3A_234 : vector<1x16xf32> to vector<16xf32>
      %swap3A_236 = vector.shape_cast %broadcast_in_dim3A_1 : vector<16xf32> to vector<1x16xf32>
      tpu.vector_store %arg11[%swap3A_232, %swap3A_233], %swap3A_236 {strides = array<i32>} : memref<112x128xf32, #tpu.memory_space<vmem>>, vector<1x16xf32>,
      %swap3A_237 = arith.index_cast %scan3A_206 : i32 to index
      %swap3A_238 = arith.constant 96 : index
      %swap3A_239 = tpu.vector_load %arg11[%swap3A_237, %swap3A_238] {strides = array<i32>} : memref<112x128xf32, #tpu.memory_space<vmem>>, vector<1x16xf32>,
      %swap3A_240 = vector.shape_cast %swap3A_239 : vector<1x16xf32> to vector<16xf32>
      %swap3A_241 = vector.shape_cast %broadcast_in_dim3A_1 : vector<16xf32> to vector<1x16xf32>
      tpu.vector_store %arg11[%swap3A_237, %swap3A_238], %swap3A_241 {strides = array<i32>} : memref<112x128xf32, #tpu.memory_space<vmem>>, vector<1x16xf32>,
      %swap3A_242 = arith.index_cast %scan3A_206 : i32 to index
      %swap3A_243 = arith.constant 112 : index
      %swap3A_244 = tpu.vector_load %arg11[%swap3A_242, %swap3A_243] {strides = array<i32>} : memref<112x128xf32, #tpu.memory_space<vmem>>, vector<1x16xf32>,
      %swap3A_245 = vector.shape_cast %swap3A_244 : vector<1x16xf32> to vector<16xf32>
      %swap3A_246 = vector.shape_cast %broadcast_in_dim3A_1 : vector<16xf32> to vector<1x16xf32>
      tpu.vector_store %arg11[%swap3A_242, %swap3A_243], %swap3A_246 {strides = array<i32>} : memref<112x128xf32, #tpu.memory_space<vmem>>, vector<1x16xf32>,
    }
    %scan3A_31 = arith.constant 112 : i32
    %mul3A_32 = arith.constant 640 : i32
    %mul3A_33 = arith.muli %arg1, %mul3A_32 : i32
    %add3A_34 = arith.constant 0 : i32
    %add3A_35 = arith.addi %mul3A_33, %add3A_34 : i32
    "tpu.region"() ({
      %run_scoped3A = tpu.sem_alloc : memref<!tpu.dma_semaphore, #tpu.memory_space<semaphore_mem>>
      %dma_start3A_206 = arith.constant 0 : i32
      %dma_start3A_207 = arith.constant 0 : i32
      %dma_start3A_208 = tpu.memref_slice %arg11[%dma_start3A_206, %dma_start3A_207] : memref<112x128xf32, #tpu.memory_space<vmem>> -> memref<112x128xf32, #tpu.memory_space<vmem>>
      %dma_start3A_209 = arith.constant 0 : i32
      %dma_start3A_210 = tpu.memref_slice %arg14[%add3A_35, %dma_start3A_209] : memref<10240x128xf32, #tpu.memory_space<vmem_shared>> -> memref<112x128xf32, #tpu.memory_space<vmem_shared>>
      %dma_start3A_211 = arith.constant 0 : i32
      %dma_start3A_212 = tpu.memref_slice %arg14[%add3A_35, %dma_start3A_211] : memref<10240x128xf32, #tpu.memory_space<vmem_shared>> -> memref<112x128xf32, #tpu.memory_space<vmem_shared>>
      %dma_start3A_213 = arith.constant 0 : i32
      %dma_start3A_214 = arith.constant 0 : i32
      %dma_start3A_215 = tpu.memref_slice %arg11[%dma_start3A_213, %dma_start3A_214] : memref<112x128xf32, #tpu.memory_space<vmem>> -> memref<112x128xf32, #tpu.memory_space<vmem>>
      tpu.enqueue_dma source(%dma_start3A_215 : memref<112x128xf32, #tpu.memory_space<vmem>>) target(%dma_start3A_212 : memref<112x128xf32, #tpu.memory_space<vmem_shared>>) target_semaphore(%run_scoped3A : memref<!tpu.dma_semaphore, #tpu.memory_space<semaphore_mem>>)
      %dma_wait3A_216 = arith.constant 0 : i32
      %dma_wait3A_217 = arith.constant 0 : i32
      %dma_wait3A_218 = tpu.memref_slice %arg11[%dma_wait3A_216, %dma_wait3A_217] : memref<112x128xf32, #tpu.memory_space<vmem>> -> memref<112x128xf32, #tpu.memory_space<vmem>>
      %dma_wait3A_219 = arith.constant 0 : i32
      %dma_wait3A_220 = tpu.memref_slice %arg14[%add3A_35, %dma_wait3A_219] : memref<10240x128xf32, #tpu.memory_space<vmem_shared>> -> memref<112x128xf32, #tpu.memory_space<vmem_shared>>
      %dma_wait3A_221 = arith.constant 0 : i32
      %dma_wait3A_222 = tpu.memref_slice %arg14[%add3A_35, %dma_wait3A_221] : memref<10240x128xf32, #tpu.memory_space<vmem_shared>> -> memref<112x128xf32, #tpu.memory_space<vmem_shared>>
      %dma_wait3A_223 = arith.constant 0 : i32
      %dma_wait3A_224 = arith.constant 0 : i32
      %dma_wait3A_225 = tpu.memref_slice %arg11[%dma_wait3A_223, %dma_wait3A_224] : memref<112x128xf32, #tpu.memory_space<vmem>> -> memref<112x128xf32, #tpu.memory_space<vmem>>
      tpu.wait_dma2 semaphore(%run_scoped3A : memref<!tpu.dma_semaphore, #tpu.memory_space<semaphore_mem>>) src(%dma_wait3A_225 : memref<112x128xf32, #tpu.memory_space<vmem>>) dst(%dma_wait3A_222 : memref<112x128xf32, #tpu.memory_space<vmem_shared>>)
      tpu.yield
    }) : () -> ()
    %add3A_36 = arith.constant 112 : i32
    %add3A_37 = arith.addi %mul3A_33, %add3A_36 : i32
    "tpu.region"() ({
      %run_scoped3A = tpu.sem_alloc : memref<!tpu.dma_semaphore, #tpu.memory_space<semaphore_mem>>
      %dma_start3A_206 = arith.constant 0 : i32
      %dma_start3A_207 = arith.constant 0 : i32
      %dma_start3A_208 = tpu.memref_slice %arg11[%dma_start3A_206, %dma_start3A_207] : memref<112x128xf32, #tpu.memory_space<vmem>> -> memref<112x128xf32, #tpu.memory_space<vmem>>
      %dma_start3A_209 = arith.constant 0 : i32
      %dma_start3A_210 = tpu.memref_slice %arg14[%add3A_37, %dma_start3A_209] : memref<10240x128xf32, #tpu.memory_space<vmem_shared>> -> memref<112x128xf32, #tpu.memory_space<vmem_shared>>
      %dma_start3A_211 = arith.constant 0 : i32
      %dma_start3A_212 = tpu.memref_slice %arg14[%add3A_37, %dma_start3A_211] : memref<10240x128xf32, #tpu.memory_space<vmem_shared>> -> memref<112x128xf32, #tpu.memory_space<vmem_shared>>
      %dma_start3A_213 = arith.constant 0 : i32
      %dma_start3A_214 = arith.constant 0 : i32
      %dma_start3A_215 = tpu.memref_slice %arg11[%dma_start3A_213, %dma_start3A_214] : memref<112x128xf32, #tpu.memory_space<vmem>> -> memref<112x128xf32, #tpu.memory_space<vmem>>
      tpu.enqueue_dma source(%dma_start3A_215 : memref<112x128xf32, #tpu.memory_space<vmem>>) target(%dma_start3A_212 : memref<112x128xf32, #tpu.memory_space<vmem_shared>>) target_semaphore(%run_scoped3A : memref<!tpu.dma_semaphore, #tpu.memory_space<semaphore_mem>>)
      %dma_wait3A_216 = arith.constant 0 : i32
      %dma_wait3A_217 = arith.constant 0 : i32
      %dma_wait3A_218 = tpu.memref_slice %arg11[%dma_wait3A_216, %dma_wait3A_217] : memref<112x128xf32, #tpu.memory_space<vmem>> -> memref<112x128xf32, #tpu.memory_space<vmem>>
      %dma_wait3A_219 = arith.constant 0 : i32
      %dma_wait3A_220 = tpu.memref_slice %arg14[%add3A_37, %dma_wait3A_219] : memref<10240x128xf32, #tpu.memory_space<vmem_shared>> -> memref<112x128xf32, #tpu.memory_space<vmem_shared>>
      %dma_wait3A_221 = arith.constant 0 : i32
      %dma_wait3A_222 = tpu.memref_slice %arg14[%add3A_37, %dma_wait3A_221] : memref<10240x128xf32, #tpu.memory_space<vmem_shared>> -> memref<112x128xf32, #tpu.memory_space<vmem_shared>>
      %dma_wait3A_223 = arith.constant 0 : i32
      %dma_wait3A_224 = arith.constant 0 : i32
      %dma_wait3A_225 = tpu.memref_slice %arg11[%dma_wait3A_223, %dma_wait3A_224] : memref<112x128xf32, #tpu.memory_space<vmem>> -> memref<112x128xf32, #tpu.memory_space<vmem>>
      tpu.wait_dma2 semaphore(%run_scoped3A : memref<!tpu.dma_semaphore, #tpu.memory_space<semaphore_mem>>) src(%dma_wait3A_225 : memref<112x128xf32, #tpu.memory_space<vmem>>) dst(%dma_wait3A_222 : memref<112x128xf32, #tpu.memory_space<vmem_shared>>)
      tpu.yield
    }) : () -> ()
    %add3A_38 = arith.constant 224 : i32
    %add3A_39 = arith.addi %mul3A_33, %add3A_38 : i32
    "tpu.region"() ({
      %run_scoped3A = tpu.sem_alloc : memref<!tpu.dma_semaphore, #tpu.memory_space<semaphore_mem>>
      %dma_start3A_206 = arith.constant 0 : i32
      %dma_start3A_207 = arith.constant 0 : i32
      %dma_start3A_208 = tpu.memref_slice %arg11[%dma_start3A_206, %dma_start3A_207] : memref<112x128xf32, #tpu.memory_space<vmem>> -> memref<112x128xf32, #tpu.memory_space<vmem>>
      %dma_start3A_209 = arith.constant 0 : i32
      %dma_start3A_210 = tpu.memref_slice %arg14[%add3A_39, %dma_start3A_209] : memref<10240x128xf32, #tpu.memory_space<vmem_shared>> -> memref<112x128xf32, #tpu.memory_space<vmem_shared>>
      %dma_start3A_211 = arith.constant 0 : i32
      %dma_start3A_212 = tpu.memref_slice %arg14[%add3A_39, %dma_start3A_211] : memref<10240x128xf32, #tpu.memory_space<vmem_shared>> -> memref<112x128xf32, #tpu.memory_space<vmem_shared>>
      %dma_start3A_213 = arith.constant 0 : i32
      %dma_start3A_214 = arith.constant 0 : i32
      %dma_start3A_215 = tpu.memref_slice %arg11[%dma_start3A_213, %dma_start3A_214] : memref<112x128xf32, #tpu.memory_space<vmem>> -> memref<112x128xf32, #tpu.memory_space<vmem>>
      tpu.enqueue_dma source(%dma_start3A_215 : memref<112x128xf32, #tpu.memory_space<vmem>>) target(%dma_start3A_212 : memref<112x128xf32, #tpu.memory_space<vmem_shared>>) target_semaphore(%run_scoped3A : memref<!tpu.dma_semaphore, #tpu.memory_space<semaphore_mem>>)
      %dma_wait3A_216 = arith.constant 0 : i32
      %dma_wait3A_217 = arith.constant 0 : i32
      %dma_wait3A_218 = tpu.memref_slice %arg11[%dma_wait3A_216, %dma_wait3A_217] : memref<112x128xf32, #tpu.memory_space<vmem>> -> memref<112x128xf32, #tpu.memory_space<vmem>>
      %dma_wait3A_219 = arith.constant 0 : i32
      %dma_wait3A_220 = tpu.memref_slice %arg14[%add3A_39, %dma_wait3A_219] : memref<10240x128xf32, #tpu.memory_space<vmem_shared>> -> memref<112x128xf32, #tpu.memory_space<vmem_shared>>
      %dma_wait3A_221 = arith.constant 0 : i32
      %dma_wait3A_222 = tpu.memref_slice %arg14[%add3A_39, %dma_wait3A_221] : memref<10240x128xf32, #tpu.memory_space<vmem_shared>> -> memref<112x128xf32, #tpu.memory_space<vmem_shared>>
      %dma_wait3A_223 = arith.constant 0 : i32
      %dma_wait3A_224 = arith.constant 0 : i32
      %dma_wait3A_225 = tpu.memref_slice %arg11[%dma_wait3A_223, %dma_wait3A_224] : memref<112x128xf32, #tpu.memory_space<vmem>> -> memref<112x128xf32, #tpu.memory_space<vmem>>
      tpu.wait_dma2 semaphore(%run_scoped3A : memref<!tpu.dma_semaphore, #tpu.memory_space<semaphore_mem>>) src(%dma_wait3A_225 : memref<112x128xf32, #tpu.memory_space<vmem>>) dst(%dma_wait3A_222 : memref<112x128xf32, #tpu.memory_space<vmem_shared>>)
      tpu.yield
    }) : () -> ()
    %add3A_40 = arith.constant 336 : i32
    %add3A_41 = arith.addi %mul3A_33, %add3A_40 : i32
    "tpu.region"() ({
      %run_scoped3A = tpu.sem_alloc : memref<!tpu.dma_semaphore, #tpu.memory_space<semaphore_mem>>
      %dma_start3A_206 = arith.constant 0 : i32
      %dma_start3A_207 = arith.constant 0 : i32
      %dma_start3A_208 = tpu.memref_slice %arg11[%dma_start3A_206, %dma_start3A_207] : memref<112x128xf32, #tpu.memory_space<vmem>> -> memref<112x128xf32, #tpu.memory_space<vmem>>
      %dma_start3A_209 = arith.constant 0 : i32
      %dma_start3A_210 = tpu.memref_slice %arg14[%add3A_41, %dma_start3A_209] : memref<10240x128xf32, #tpu.memory_space<vmem_shared>> -> memref<112x128xf32, #tpu.memory_space<vmem_shared>>
      %dma_start3A_211 = arith.constant 0 : i32
      %dma_start3A_212 = tpu.memref_slice %arg14[%add3A_41, %dma_start3A_211] : memref<10240x128xf32, #tpu.memory_space<vmem_shared>> -> memref<112x128xf32, #tpu.memory_space<vmem_shared>>
      %dma_start3A_213 = arith.constant 0 : i32
      %dma_start3A_214 = arith.constant 0 : i32
      %dma_start3A_215 = tpu.memref_slice %arg11[%dma_start3A_213, %dma_start3A_214] : memref<112x128xf32, #tpu.memory_space<vmem>> -> memref<112x128xf32, #tpu.memory_space<vmem>>
      tpu.enqueue_dma source(%dma_start3A_215 : memref<112x128xf32, #tpu.memory_space<vmem>>) target(%dma_start3A_212 : memref<112x128xf32, #tpu.memory_space<vmem_shared>>) target_semaphore(%run_scoped3A : memref<!tpu.dma_semaphore, #tpu.memory_space<semaphore_mem>>)
      %dma_wait3A_216 = arith.constant 0 : i32
      %dma_wait3A_217 = arith.constant 0 : i32
      %dma_wait3A_218 = tpu.memref_slice %arg11[%dma_wait3A_216, %dma_wait3A_217] : memref<112x128xf32, #tpu.memory_space<vmem>> -> memref<112x128xf32, #tpu.memory_space<vmem>>
      %dma_wait3A_219 = arith.constant 0 : i32
      %dma_wait3A_220 = tpu.memref_slice %arg14[%add3A_41, %dma_wait3A_219] : memref<10240x128xf32, #tpu.memory_space<vmem_shared>> -> memref<112x128xf32, #tpu.memory_space<vmem_shared>>
      %dma_wait3A_221 = arith.constant 0 : i32
      %dma_wait3A_222 = tpu.memref_slice %arg14[%add3A_41, %dma_wait3A_221] : memref<10240x128xf32, #tpu.memory_space<vmem_shared>> -> memref<112x128xf32, #tpu.memory_space<vmem_shared>>
      %dma_wait3A_223 = arith.constant 0 : i32
      %dma_wait3A_224 = arith.constant 0 : i32
      %dma_wait3A_225 = tpu.memref_slice %arg11[%dma_wait3A_223, %dma_wait3A_224] : memref<112x128xf32, #tpu.memory_space<vmem>> -> memref<112x128xf32, #tpu.memory_space<vmem>>
      tpu.wait_dma2 semaphore(%run_scoped3A : memref<!tpu.dma_semaphore, #tpu.memory_space<semaphore_mem>>) src(%dma_wait3A_225 : memref<112x128xf32, #tpu.memory_space<vmem>>) dst(%dma_wait3A_222 : memref<112x128xf32, #tpu.memory_space<vmem_shared>>)
      tpu.yield
    }) : () -> ()
    %add3A_42 = arith.constant 448 : i32
    %add3A_43 = arith.addi %mul3A_33, %add3A_42 : i32
    "tpu.region"() ({
      %run_scoped3A = tpu.sem_alloc : memref<!tpu.dma_semaphore, #tpu.memory_space<semaphore_mem>>
      %dma_start3A_206 = arith.constant 0 : i32
      %dma_start3A_207 = arith.constant 0 : i32
      %dma_start3A_208 = tpu.memref_slice %arg11[%dma_start3A_206, %dma_start3A_207] : memref<112x128xf32, #tpu.memory_space<vmem>> -> memref<112x128xf32, #tpu.memory_space<vmem>>
      %dma_start3A_209 = arith.constant 0 : i32
      %dma_start3A_210 = tpu.memref_slice %arg14[%add3A_43, %dma_start3A_209] : memref<10240x128xf32, #tpu.memory_space<vmem_shared>> -> memref<112x128xf32, #tpu.memory_space<vmem_shared>>
      %dma_start3A_211 = arith.constant 0 : i32
      %dma_start3A_212 = tpu.memref_slice %arg14[%add3A_43, %dma_start3A_211] : memref<10240x128xf32, #tpu.memory_space<vmem_shared>> -> memref<112x128xf32, #tpu.memory_space<vmem_shared>>
      %dma_start3A_213 = arith.constant 0 : i32
      %dma_start3A_214 = arith.constant 0 : i32
      %dma_start3A_215 = tpu.memref_slice %arg11[%dma_start3A_213, %dma_start3A_214] : memref<112x128xf32, #tpu.memory_space<vmem>> -> memref<112x128xf32, #tpu.memory_space<vmem>>
      tpu.enqueue_dma source(%dma_start3A_215 : memref<112x128xf32, #tpu.memory_space<vmem>>) target(%dma_start3A_212 : memref<112x128xf32, #tpu.memory_space<vmem_shared>>) target_semaphore(%run_scoped3A : memref<!tpu.dma_semaphore, #tpu.memory_space<semaphore_mem>>)
      %dma_wait3A_216 = arith.constant 0 : i32
      %dma_wait3A_217 = arith.constant 0 : i32
      %dma_wait3A_218 = tpu.memref_slice %arg11[%dma_wait3A_216, %dma_wait3A_217] : memref<112x128xf32, #tpu.memory_space<vmem>> -> memref<112x128xf32, #tpu.memory_space<vmem>>
      %dma_wait3A_219 = arith.constant 0 : i32
      %dma_wait3A_220 = tpu.memref_slice %arg14[%add3A_43, %dma_wait3A_219] : memref<10240x128xf32, #tpu.memory_space<vmem_shared>> -> memref<112x128xf32, #tpu.memory_space<vmem_shared>>
      %dma_wait3A_221 = arith.constant 0 : i32
      %dma_wait3A_222 = tpu.memref_slice %arg14[%add3A_43, %dma_wait3A_221] : memref<10240x128xf32, #tpu.memory_space<vmem_shared>> -> memref<112x128xf32, #tpu.memory_space<vmem_shared>>
      %dma_wait3A_223 = arith.constant 0 : i32
      %dma_wait3A_224 = arith.constant 0 : i32
      %dma_wait3A_225 = tpu.memref_slice %arg11[%dma_wait3A_223, %dma_wait3A_224] : memref<112x128xf32, #tpu.memory_space<vmem>> -> memref<112x128xf32, #tpu.memory_space<vmem>>
      tpu.wait_dma2 semaphore(%run_scoped3A : memref<!tpu.dma_semaphore, #tpu.memory_space<semaphore_mem>>) src(%dma_wait3A_225 : memref<112x128xf32, #tpu.memory_space<vmem>>) dst(%dma_wait3A_222 : memref<112x128xf32, #tpu.memory_space<vmem_shared>>)
      tpu.yield
    }) : () -> ()
    %add3A_44 = arith.constant 560 : i32
    %add3A_45 = arith.addi %mul3A_33, %add3A_44 : i32
    "tpu.region"() ({
      %run_scoped3A = tpu.sem_alloc : memref<!tpu.dma_semaphore, #tpu.memory_space<semaphore_mem>>
      %dma_start3A_206 = arith.constant 0 : i32
      %dma_start3A_207 = arith.constant 0 : i32
      %dma_start3A_208 = tpu.memref_slice %arg11[%dma_start3A_206, %dma_start3A_207] : memref<112x128xf32, #tpu.memory_space<vmem>> -> memref<80x128xf32, #tpu.memory_space<vmem>>
      %dma_start3A_209 = arith.constant 0 : i32
      %dma_start3A_210 = tpu.memref_slice %arg14[%add3A_45, %dma_start3A_209] : memref<10240x128xf32, #tpu.memory_space<vmem_shared>> -> memref<80x128xf32, #tpu.memory_space<vmem_shared>>
      %dma_start3A_211 = arith.constant 0 : i32
      %dma_start3A_212 = tpu.memref_slice %arg14[%add3A_45, %dma_start3A_211] : memref<10240x128xf32, #tpu.memory_space<vmem_shared>> -> memref<80x128xf32, #tpu.memory_space<vmem_shared>>
      %dma_start3A_213 = arith.constant 0 : i32
      %dma_start3A_214 = arith.constant 0 : i32
      %dma_start3A_215 = tpu.memref_slice %arg11[%dma_start3A_213, %dma_start3A_214] : memref<112x128xf32, #tpu.memory_space<vmem>> -> memref<80x128xf32, #tpu.memory_space<vmem>>
      tpu.enqueue_dma source(%dma_start3A_215 : memref<80x128xf32, #tpu.memory_space<vmem>>) target(%dma_start3A_212 : memref<80x128xf32, #tpu.memory_space<vmem_shared>>) target_semaphore(%run_scoped3A : memref<!tpu.dma_semaphore, #tpu.memory_space<semaphore_mem>>)
      %dma_wait3A_216 = arith.constant 0 : i32
      %dma_wait3A_217 = arith.constant 0 : i32
      %dma_wait3A_218 = tpu.memref_slice %arg11[%dma_wait3A_216, %dma_wait3A_217] : memref<112x128xf32, #tpu.memory_space<vmem>> -> memref<80x128xf32, #tpu.memory_space<vmem>>
      %dma_wait3A_219 = arith.constant 0 : i32
      %dma_wait3A_220 = tpu.memref_slice %arg14[%add3A_45, %dma_wait3A_219] : memref<10240x128xf32, #tpu.memory_space<vmem_shared>> -> memref<80x128xf32, #tpu.memory_space<vmem_shared>>
      %dma_wait3A_221 = arith.constant 0 : i32
      %dma_wait3A_222 = tpu.memref_slice %arg14[%add3A_45, %dma_wait3A_221] : memref<10240x128xf32, #tpu.memory_space<vmem_shared>> -> memref<80x128xf32, #tpu.memory_space<vmem_shared>>
      %dma_wait3A_223 = arith.constant 0 : i32
      %dma_wait3A_224 = arith.constant 0 : i32
      %dma_wait3A_225 = tpu.memref_slice %arg11[%dma_wait3A_223, %dma_wait3A_224] : memref<112x128xf32, #tpu.memory_space<vmem>> -> memref<80x128xf32, #tpu.memory_space<vmem>>
      tpu.wait_dma2 semaphore(%run_scoped3A : memref<!tpu.dma_semaphore, #tpu.memory_space<semaphore_mem>>) src(%dma_wait3A_225 : memref<80x128xf32, #tpu.memory_space<vmem>>) dst(%dma_wait3A_222 : memref<80x128xf32, #tpu.memory_space<vmem_shared>>)
      tpu.yield
    }) : () -> ()
    %scan3A_46 = arith.constant 0 : i32
    %scan3A_47 = arith.constant 40 : i32
    %scan3A_48 = arith.addi %scan3A_46, %scan3A_47 : i32
    %scan3A_49 = arith.constant 1 : i32
    scf.for %scan3A_206 = %scan3A_46 to %scan3A_48 step %scan3A_49  : i32 {
      %mul3A_207 = arith.constant 16 : i32
      %mul3A_208 = arith.muli %scan3A_206, %mul3A_207 : i32
      %swap3A_209 = arith.index_cast %mul3A_208 : i32 to index
      %swap3A_210 = tpu.vector_load %arg13[%swap3A_209] {strides = array<i32>} : memref<640xf32, #tpu.memory_space<vmem>>, vector<16xf32>,
      %swap3A_211 = vector.shape_cast %swap3A_210 : vector<16xf32> to vector<16xf32>
      %swap3A_212 = vector.shape_cast %broadcast_in_dim3A_1 : vector<16xf32> to vector<16xf32>
      tpu.vector_store %arg13[%swap3A_209], %swap3A_212 {strides = array<i32>} : memref<640xf32, #tpu.memory_space<vmem>>, vector<16xf32>,
    }
    %scan3A_50 = arith.constant 40 : i32
    %mul3A_51 = arith.constant 640 : i32
    %mul3A_52 = arith.muli %arg1, %mul3A_51 : i32
    "tpu.region"() ({
      %run_scoped3A = tpu.sem_alloc : memref<!tpu.dma_semaphore, #tpu.memory_space<semaphore_mem>>
      %dma_start3A_206 = arith.constant 0 : i32
      %dma_start3A_207 = tpu.memref_slice %arg13[%dma_start3A_206] : memref<640xf32, #tpu.memory_space<vmem>> -> memref<640xf32, #tpu.memory_space<vmem>>
      %dma_start3A_208 = tpu.memref_slice %arg15[%mul3A_52] : memref<10240xf32, #tpu.memory_space<vmem_shared>> -> memref<640xf32, #tpu.memory_space<vmem_shared>>
      %dma_start3A_209 = tpu.memref_slice %arg15[%mul3A_52] : memref<10240xf32, #tpu.memory_space<vmem_shared>> -> memref<640xf32, #tpu.memory_space<vmem_shared>>
      %dma_start3A_210 = arith.constant 0 : i32
      %dma_start3A_211 = tpu.memref_slice %arg13[%dma_start3A_210] : memref<640xf32, #tpu.memory_space<vmem>> -> memref<640xf32, #tpu.memory_space<vmem>>
      tpu.enqueue_dma source(%dma_start3A_211 : memref<640xf32, #tpu.memory_space<vmem>>) target(%dma_start3A_209 : memref<640xf32, #tpu.memory_space<vmem_shared>>) target_semaphore(%run_scoped3A : memref<!tpu.dma_semaphore, #tpu.memory_space<semaphore_mem>>)
      %dma_wait3A_212 = arith.constant 0 : i32
      %dma_wait3A_213 = tpu.memref_slice %arg13[%dma_wait3A_212] : memref<640xf32, #tpu.memory_space<vmem>> -> memref<640xf32, #tpu.memory_space<vmem>>
      %dma_wait3A_214 = tpu.memref_slice %arg15[%mul3A_52] : memref<10240xf32, #tpu.memory_space<vmem_shared>> -> memref<640xf32, #tpu.memory_space<vmem_shared>>
      %dma_wait3A_215 = tpu.memref_slice %arg15[%mul3A_52] : memref<10240xf32, #tpu.memory_space<vmem_shared>> -> memref<640xf32, #tpu.memory_space<vmem_shared>>
      %dma_wait3A_216 = arith.constant 0 : i32
      %dma_wait3A_217 = tpu.memref_slice %arg13[%dma_wait3A_216] : memref<640xf32, #tpu.memory_space<vmem>> -> memref<640xf32, #tpu.memory_space<vmem>>
      tpu.wait_dma2 semaphore(%run_scoped3A : memref<!tpu.dma_semaphore, #tpu.memory_space<semaphore_mem>>) src(%dma_wait3A_217 : memref<640xf32, #tpu.memory_space<vmem>>) dst(%dma_wait3A_215 : memref<640xf32, #tpu.memory_space<vmem_shared>>)
      tpu.yield
    }) : () -> ()
    %broadcast_in_dim3A_53 = arith.constant 1.000000e+00 : f32
    %broadcast_in_dim3A_54 = vector.broadcast %broadcast_in_dim3A_53 : f32 to vector<16xf32>
    %swap3A = arith.constant 0 : index
    %swap3A_55 = tpu.vector_load %arg12[%swap3A] {strides = array<i32>} : memref<112xf32, #tpu.memory_space<vmem>>, vector<16xf32>,
    %swap3A_56 = vector.shape_cast %swap3A_55 : vector<16xf32> to vector<16xf32>
    %swap3A_57 = vector.shape_cast %broadcast_in_dim3A_54 : vector<16xf32> to vector<16xf32>
    tpu.vector_store %arg12[%swap3A], %swap3A_57 {strides = array<i32>} : memref<112xf32, #tpu.memory_space<vmem>>, vector<16xf32>,
    %swap3A_58 = arith.constant 16 : index
    %swap3A_59 = tpu.vector_load %arg12[%swap3A_58] {strides = array<i32>} : memref<112xf32, #tpu.memory_space<vmem>>, vector<16xf32>,
    %swap3A_60 = vector.shape_cast %swap3A_59 : vector<16xf32> to vector<16xf32>
    %swap3A_61 = vector.shape_cast %broadcast_in_dim3A_54 : vector<16xf32> to vector<16xf32>
    tpu.vector_store %arg12[%swap3A_58], %swap3A_61 {strides = array<i32>} : memref<112xf32, #tpu.memory_space<vmem>>, vector<16xf32>,
    %swap3A_62 = arith.constant 32 : index
    %swap3A_63 = tpu.vector_load %arg12[%swap3A_62] {strides = array<i32>} : memref<112xf32, #tpu.memory_space<vmem>>, vector<16xf32>,
    %swap3A_64 = vector.shape_cast %swap3A_63 : vector<16xf32> to vector<16xf32>
    %swap3A_65 = vector.shape_cast %broadcast_in_dim3A_54 : vector<16xf32> to vector<16xf32>
    tpu.vector_store %arg12[%swap3A_62], %swap3A_65 {strides = array<i32>} : memref<112xf32, #tpu.memory_space<vmem>>, vector<16xf32>,
    %swap3A_66 = arith.constant 48 : index
    %swap3A_67 = tpu.vector_load %arg12[%swap3A_66] {strides = array<i32>} : memref<112xf32, #tpu.memory_space<vmem>>, vector<16xf32>,
    %swap3A_68 = vector.shape_cast %swap3A_67 : vector<16xf32> to vector<16xf32>
    %swap3A_69 = vector.shape_cast %broadcast_in_dim3A_54 : vector<16xf32> to vector<16xf32>
    tpu.vector_store %arg12[%swap3A_66], %swap3A_69 {strides = array<i32>} : memref<112xf32, #tpu.memory_space<vmem>>, vector<16xf32>,
    %swap3A_70 = arith.constant 64 : index
    %swap3A_71 = tpu.vector_load %arg12[%swap3A_70] {strides = array<i32>} : memref<112xf32, #tpu.memory_space<vmem>>, vector<16xf32>,
    %swap3A_72 = vector.shape_cast %swap3A_71 : vector<16xf32> to vector<16xf32>
    %swap3A_73 = vector.shape_cast %broadcast_in_dim3A_54 : vector<16xf32> to vector<16xf32>
    tpu.vector_store %arg12[%swap3A_70], %swap3A_73 {strides = array<i32>} : memref<112xf32, #tpu.memory_space<vmem>>, vector<16xf32>,
    %swap3A_74 = arith.constant 80 : index
    %swap3A_75 = tpu.vector_load %arg12[%swap3A_74] {strides = array<i32>} : memref<112xf32, #tpu.memory_space<vmem>>, vector<16xf32>,
    %swap3A_76 = vector.shape_cast %swap3A_75 : vector<16xf32> to vector<16xf32>
    %swap3A_77 = vector.shape_cast %broadcast_in_dim3A_54 : vector<16xf32> to vector<16xf32>
    tpu.vector_store %arg12[%swap3A_74], %swap3A_77 {strides = array<i32>} : memref<112xf32, #tpu.memory_space<vmem>>, vector<16xf32>,
    %swap3A_78 = arith.constant 96 : index
    %swap3A_79 = tpu.vector_load %arg12[%swap3A_78] {strides = array<i32>} : memref<112xf32, #tpu.memory_space<vmem>>, vector<16xf32>,
    %swap3A_80 = vector.shape_cast %swap3A_79 : vector<16xf32> to vector<16xf32>
    %swap3A_81 = vector.shape_cast %broadcast_in_dim3A_54 : vector<16xf32> to vector<16xf32>
    tpu.vector_store %arg12[%swap3A_78], %swap3A_81 {strides = array<i32>} : memref<112xf32, #tpu.memory_space<vmem>>, vector<16xf32>,
    %dma_wait3A = arith.constant 0 : i32
    %dma_wait3A_82 = arith.constant 0 : i32
    %dma_wait3A_83 = arith.constant 0 : i32
    %dma_wait3A_84 = tpu.memref_slice %arg3[%add3A, %dma_wait3A, %dma_wait3A_82, %dma_wait3A_83] : memref<32x90x2x112xi32, #tpu.memory_space<hbm>> -> memref<1x1x2x112xi32, #tpu.memory_space<hbm>>
    %dma_wait3A_85 = tpu.memref_squeeze %dma_wait3A_84 : memref<1x1x2x112xi32, #tpu.memory_space<hbm>> -> memref<2x112xi32, #tpu.memory_space<hbm>>
    %dma_wait3A_86 = arith.constant 0 : i32
    %dma_wait3A_87 = arith.constant 0 : i32
    %dma_wait3A_88 = tpu.memref_slice %arg3[%add3A, %dma_wait3A, %dma_wait3A_86, %dma_wait3A_87] : memref<32x90x2x112xi32, #tpu.memory_space<hbm>> -> memref<1x1x2x112xi32, #tpu.memory_space<hbm>>
    %dma_wait3A_89 = tpu.memref_squeeze %dma_wait3A_88 : memref<1x1x2x112xi32, #tpu.memory_space<hbm>> -> memref<2x112xi32, #tpu.memory_space<hbm>>
    tpu.wait_dma2 semaphore(%arg16 : memref<!tpu.dma_semaphore, #tpu.memory_space<semaphore_mem>>) src(%dma_wait3A_89 : memref<2x112xi32, #tpu.memory_space<hbm>>) dst(%arg6 : memref<2x112xi32, #tpu.memory_space<vmem>>)
    %dma_start3A_90 = arith.constant 0 : i32
    %dma_start3A_91 = arith.constant 0 : i32
    %dma_start3A_92 = tpu.memref_slice %arg6[%dma_start3A_90, %dma_start3A_91] : memref<2x112xi32, #tpu.memory_space<vmem>> -> memref<1x112xi32, #tpu.memory_space<vmem>>
    %dma_start3A_93 = tpu.memref_squeeze %dma_start3A_92 : memref<1x112xi32, #tpu.memory_space<vmem>> -> memref<112xi32, #tpu.memory_space<vmem>>
    %dma_start3A_94 = arith.constant 0 : i32
    %dma_start3A_95 = arith.constant 0 : i32
    %dma_start3A_96 = tpu.memref_slice %arg2[%dma_start3A_94, %dma_start3A_95] : memref<10000x128xf32, #tpu.memory_space<hbm>> -> memref<10000x128xf32, #tpu.memory_space<hbm>>
    tpu.enqueue_indirect_dma source(%dma_start3A_96 : memref<10000x128xf32, #tpu.memory_space<hbm>>) target(%arg10 : memref<112x128xf32, #tpu.memory_space<vmem>>) offsets(%dma_start3A_93 : memref<112xi32, #tpu.memory_space<vmem>>) semaphore(%arg20 : memref<!tpu.dma_semaphore, #tpu.memory_space<semaphore_mem>>)
    %barrier3A = arith.constant 0 : index
    tpu.barrier barrier_id(%barrier3A)
    %scan3A_97 = arith.constant 0 : i32
    %scan3A_98 = arith.constant 22 : i32
    %scan3A_99 = arith.addi %scan3A_97, %scan3A_98 : i32
    %scan3A_100 = arith.constant 1 : i32
    scf.for %scan3A_206 = %scan3A_97 to %scan3A_99 step %scan3A_100  : i32 {
      %mul3A_207 = arith.constant 4 : i32
      %mul3A_208 = arith.muli %mul3A_207, %scan3A_206 : i32
      %add3A_209 = arith.constant 1 : i32
      %add3A_210 = arith.addi %mul3A_208, %add3A_209 : i32
      %lt3A = arith.constant 90 : i32
      %lt3A_211 = arith.cmpi slt, %add3A_210, %lt3A : i32
      %convert_element_type3A = arith.extui %lt3A_211 : i1 to i32
      %cond3A = arith.constant 0 : i32
      %cond3A_212 = arith.cmpi ne, %convert_element_type3A, %cond3A : i32
      scf.if %cond3A_212 {
        %add3A_419 = arith.constant 1 : i32
        %add3A_420 = arith.addi %mul3A_208, %add3A_419 : i32
        %dma_wait3A_421 = arith.constant 0 : i32
        %dma_wait3A_422 = arith.constant 0 : i32
        %dma_wait3A_423 = tpu.memref_slice %arg3[%add3A, %add3A_420, %dma_wait3A_421, %dma_wait3A_422] : memref<32x90x2x112xi32, #tpu.memory_space<hbm>> -> memref<1x1x2x112xi32, #tpu.memory_space<hbm>>
        %dma_wait3A_424 = tpu.memref_squeeze %dma_wait3A_423 : memref<1x1x2x112xi32, #tpu.memory_space<hbm>> -> memref<2x112xi32, #tpu.memory_space<hbm>>
        %dma_wait3A_425 = arith.constant 0 : i32
        %dma_wait3A_426 = arith.constant 0 : i32
        %dma_wait3A_427 = tpu.memref_slice %arg3[%add3A, %add3A_420, %dma_wait3A_425, %dma_wait3A_426] : memref<32x90x2x112xi32, #tpu.memory_space<hbm>> -> memref<1x1x2x112xi32, #tpu.memory_space<hbm>>
        %dma_wait3A_428 = tpu.memref_squeeze %dma_wait3A_427 : memref<1x1x2x112xi32, #tpu.memory_space<hbm>> -> memref<2x112xi32, #tpu.memory_space<hbm>>
        tpu.wait_dma2 semaphore(%arg17 : memref<!tpu.dma_semaphore, #tpu.memory_space<semaphore_mem>>) src(%dma_wait3A_428 : memref<2x112xi32, #tpu.memory_space<hbm>>) dst(%arg7 : memref<2x112xi32, #tpu.memory_space<vmem>>)
      } else {
      }
      %dma_wait3A_213 = arith.constant 0 : i32
      %dma_wait3A_214 = arith.constant 0 : i32
      %dma_wait3A_215 = tpu.memref_slice %arg6[%dma_wait3A_213, %dma_wait3A_214] : memref<2x112xi32, #tpu.memory_space<vmem>> -> memref<1x112xi32, #tpu.memory_space<vmem>>
      %dma_wait3A_216 = tpu.memref_squeeze %dma_wait3A_215 : memref<1x112xi32, #tpu.memory_space<vmem>> -> memref<112xi32, #tpu.memory_space<vmem>>
      %dma_wait3A_217 = arith.constant 0 : i32
      %dma_wait3A_218 = arith.constant 0 : i32
      %dma_wait3A_219 = tpu.memref_slice %arg2[%dma_wait3A_217, %dma_wait3A_218] : memref<10000x128xf32, #tpu.memory_space<hbm>> -> memref<10000x128xf32, #tpu.memory_space<hbm>>
      tpu.wait_indirect_dma semaphore(%arg20 : memref<!tpu.dma_semaphore, #tpu.memory_space<semaphore_mem>>) src(%dma_wait3A_219 : memref<10000x128xf32, #tpu.memory_space<hbm>>) dst(%arg10 : memref<112x128xf32, #tpu.memory_space<vmem>>)
      %dma_start3A_220 = arith.constant 1 : i32
      %dma_start3A_221 = arith.constant 0 : i32
      %dma_start3A_222 = tpu.memref_slice %arg6[%dma_start3A_220, %dma_start3A_221] : memref<2x112xi32, #tpu.memory_space<vmem>> -> memref<1x112xi32, #tpu.memory_space<vmem>>
      %dma_start3A_223 = tpu.memref_squeeze %dma_start3A_222 : memref<1x112xi32, #tpu.memory_space<vmem>> -> memref<112xi32, #tpu.memory_space<vmem>>
      %dma_start3A_224 = arith.constant 0 : i32
      %dma_start3A_225 = arith.constant 0 : i32
      %dma_start3A_226 = tpu.memref_slice %arg14[%dma_start3A_224, %dma_start3A_225] : memref<10240x128xf32, #tpu.memory_space<vmem_shared>> -> memref<10240x128xf32, #tpu.memory_space<vmem_shared>>
      tpu.enqueue_indirect_dma source(%arg10 : memref<112x128xf32, #tpu.memory_space<vmem>>) target(%dma_start3A_226 : memref<10240x128xf32, #tpu.memory_space<vmem_shared>>) offsets(%dma_start3A_223 : memref<112xi32, #tpu.memory_space<vmem>>) semaphore(%arg22 : memref<!tpu.dma_semaphore, #tpu.memory_space<semaphore_mem>>) {add = true}
      %dma_start3A_227 = arith.constant 1 : i32
      %dma_start3A_228 = arith.constant 0 : i32
      %dma_start3A_229 = tpu.memref_slice %arg6[%dma_start3A_227, %dma_start3A_228] : memref<2x112xi32, #tpu.memory_space<vmem>> -> memref<1x112xi32, #tpu.memory_space<vmem>>
      %dma_start3A_230 = tpu.memref_squeeze %dma_start3A_229 : memref<1x112xi32, #tpu.memory_space<vmem>> -> memref<112xi32, #tpu.memory_space<vmem>>
      %dma_start3A_231 = arith.constant 0 : i32
      %dma_start3A_232 = tpu.memref_slice %arg15[%dma_start3A_231] : memref<10240xf32, #tpu.memory_space<vmem_shared>> -> memref<10240xf32, #tpu.memory_space<vmem_shared>>
      tpu.enqueue_indirect_dma source(%arg12 : memref<112xf32, #tpu.memory_space<vmem>>) target(%dma_start3A_232 : memref<10240xf32, #tpu.memory_space<vmem_shared>>) offsets(%dma_start3A_230 : memref<112xi32, #tpu.memory_space<vmem>>) semaphore(%arg22 : memref<!tpu.dma_semaphore, #tpu.memory_space<semaphore_mem>>) {add = true}
      %gt3A = arith.constant 0 : i32
      %gt3A_233 = arith.cmpi sgt, %mul3A_208, %gt3A : i32
      %convert_element_type3A_234 = arith.extui %gt3A_233 : i1 to i32
      %cond3A_235 = arith.constant 0 : i32
      %cond3A_236 = arith.cmpi ne, %convert_element_type3A_234, %cond3A_235 : i32
      scf.if %cond3A_236 {
        %dma_wait3A_419 = arith.constant 1 : i32
        %dma_wait3A_420 = arith.constant 0 : i32
        %dma_wait3A_421 = tpu.memref_slice %arg9[%dma_wait3A_419, %dma_wait3A_420] : memref<2x112xi32, #tpu.memory_space<vmem>> -> memref<1x112xi32, #tpu.memory_space<vmem>>
        %dma_wait3A_422 = tpu.memref_squeeze %dma_wait3A_421 : memref<1x112xi32, #tpu.memory_space<vmem>> -> memref<112xi32, #tpu.memory_space<vmem>>
        %dma_wait3A_423 = arith.constant 0 : i32
        %dma_wait3A_424 = arith.constant 0 : i32
        %dma_wait3A_425 = tpu.memref_slice %arg14[%dma_wait3A_423, %dma_wait3A_424] : memref<10240x128xf32, #tpu.memory_space<vmem_shared>> -> memref<10240x128xf32, #tpu.memory_space<vmem_shared>>
        tpu.wait_indirect_dma semaphore(%arg23 : memref<!tpu.dma_semaphore, #tpu.memory_space<semaphore_mem>>) src(%arg11 : memref<112x128xf32, #tpu.memory_space<vmem>>) dst(%dma_wait3A_425 : memref<10240x128xf32, #tpu.memory_space<vmem_shared>>)
        %dma_wait3A_426 = arith.constant 1 : i32
        %dma_wait3A_427 = arith.constant 0 : i32
        %dma_wait3A_428 = tpu.memref_slice %arg9[%dma_wait3A_426, %dma_wait3A_427] : memref<2x112xi32, #tpu.memory_space<vmem>> -> memref<1x112xi32, #tpu.memory_space<vmem>>
        %dma_wait3A_429 = tpu.memref_squeeze %dma_wait3A_428 : memref<1x112xi32, #tpu.memory_space<vmem>> -> memref<112xi32, #tpu.memory_space<vmem>>
        %dma_wait3A_430 = arith.constant 0 : i32
        %dma_wait3A_431 = tpu.memref_slice %arg15[%dma_wait3A_430] : memref<10240xf32, #tpu.memory_space<vmem_shared>> -> memref<10240xf32, #tpu.memory_space<vmem_shared>>
        tpu.wait_indirect_dma semaphore(%arg23 : memref<!tpu.dma_semaphore, #tpu.memory_space<semaphore_mem>>) src(%arg12 : memref<112xf32, #tpu.memory_space<vmem>>) dst(%dma_wait3A_431 : memref<10240xf32, #tpu.memory_space<vmem_shared>>)
      } else {
      }
      %add3A_237 = arith.constant 1 : i32
      %add3A_238 = arith.addi %mul3A_208, %add3A_237 : i32
      %lt3A_239 = arith.constant 90 : i32
      %lt3A_240 = arith.cmpi slt, %add3A_238, %lt3A_239 : i32
      %convert_element_type3A_241 = arith.extui %lt3A_240 : i1 to i32
      %cond3A_242 = arith.constant 0 : i32
      %cond3A_243 = arith.cmpi ne, %convert_element_type3A_241, %cond3A_242 : i32
      scf.if %cond3A_243 {
        %dma_start3A_419 = arith.constant 0 : i32
        %dma_start3A_420 = arith.constant 0 : i32
        %dma_start3A_421 = tpu.memref_slice %arg7[%dma_start3A_419, %dma_start3A_420] : memref<2x112xi32, #tpu.memory_space<vmem>> -> memref<1x112xi32, #tpu.memory_space<vmem>>
        %dma_start3A_422 = tpu.memref_squeeze %dma_start3A_421 : memref<1x112xi32, #tpu.memory_space<vmem>> -> memref<112xi32, #tpu.memory_space<vmem>>
        %dma_start3A_423 = arith.constant 0 : i32
        %dma_start3A_424 = arith.constant 0 : i32
        %dma_start3A_425 = tpu.memref_slice %arg2[%dma_start3A_423, %dma_start3A_424] : memref<10000x128xf32, #tpu.memory_space<hbm>> -> memref<10000x128xf32, #tpu.memory_space<hbm>>
        tpu.enqueue_indirect_dma source(%dma_start3A_425 : memref<10000x128xf32, #tpu.memory_space<hbm>>) target(%arg11 : memref<112x128xf32, #tpu.memory_space<vmem>>) offsets(%dma_start3A_422 : memref<112xi32, #tpu.memory_space<vmem>>) semaphore(%arg21 : memref<!tpu.dma_semaphore, #tpu.memory_space<semaphore_mem>>)
      } else {
      }
      %add3A_244 = arith.constant 3 : i32
      %add3A_245 = arith.addi %mul3A_208, %add3A_244 : i32
      %lt3A_246 = arith.constant 90 : i32
      %lt3A_247 = arith.cmpi slt, %add3A_245, %lt3A_246 : i32
      %convert_element_type3A_248 = arith.extui %lt3A_247 : i1 to i32
      %cond3A_249 = arith.constant 0 : i32
      %cond3A_250 = arith.cmpi ne, %convert_element_type3A_248, %cond3A_249 : i32
      scf.if %cond3A_250 {
        %add3A_419 = arith.constant 3 : i32
        %add3A_420 = arith.addi %mul3A_208, %add3A_419 : i32
        %dma_start3A_421 = arith.constant 0 : i32
        %dma_start3A_422 = arith.constant 0 : i32
        %dma_start3A_423 = tpu.memref_slice %arg3[%add3A, %add3A_420, %dma_start3A_421, %dma_start3A_422] : memref<32x90x2x112xi32, #tpu.memory_space<hbm>> -> memref<1x1x2x112xi32, #tpu.memory_space<hbm>>
        %dma_start3A_424 = tpu.memref_squeeze %dma_start3A_423 : memref<1x1x2x112xi32, #tpu.memory_space<hbm>> -> memref<2x112xi32, #tpu.memory_space<hbm>>
        %dma_start3A_425 = arith.constant 0 : i32
        %dma_start3A_426 = arith.constant 0 : i32
        %dma_start3A_427 = tpu.memref_slice %arg3[%add3A, %add3A_420, %dma_start3A_425, %dma_start3A_426] : memref<32x90x2x112xi32, #tpu.memory_space<hbm>> -> memref<1x1x2x112xi32, #tpu.memory_space<hbm>>
        %dma_start3A_428 = tpu.memref_squeeze %dma_start3A_427 : memref<1x1x2x112xi32, #tpu.memory_space<hbm>> -> memref<2x112xi32, #tpu.memory_space<hbm>>
        tpu.enqueue_dma source(%dma_start3A_428 : memref<2x112xi32, #tpu.memory_space<hbm>>) target(%arg9 : memref<2x112xi32, #tpu.memory_space<vmem>>) target_semaphore(%arg19 : memref<!tpu.dma_semaphore, #tpu.memory_space<semaphore_mem>>)
      } else {
      }
      %add3A_251 = arith.constant 1 : i32
      %add3A_252 = arith.addi %mul3A_208, %add3A_251 : i32
      %add3A_253 = arith.constant 1 : i32
      %add3A_254 = arith.addi %add3A_252, %add3A_253 : i32
      %lt3A_255 = arith.constant 90 : i32
      %lt3A_256 = arith.cmpi slt, %add3A_254, %lt3A_255 : i32
      %convert_element_type3A_257 = arith.extui %lt3A_256 : i1 to i32
      %cond3A_258 = arith.constant 0 : i32
      %cond3A_259 = arith.cmpi ne, %convert_element_type3A_257, %cond3A_258 : i32
      scf.if %cond3A_259 {
        %add3A_419 = arith.constant 1 : i32
        %add3A_420 = arith.addi %add3A_252, %add3A_419 : i32
        %dma_wait3A_421 = arith.constant 0 : i32
        %dma_wait3A_422 = arith.constant 0 : i32
        %dma_wait3A_423 = tpu.memref_slice %arg3[%add3A, %add3A_420, %dma_wait3A_421, %dma_wait3A_422] : memref<32x90x2x112xi32, #tpu.memory_space<hbm>> -> memref<1x1x2x112xi32, #tpu.memory_space<hbm>>
        %dma_wait3A_424 = tpu.memref_squeeze %dma_wait3A_423 : memref<1x1x2x112xi32, #tpu.memory_space<hbm>> -> memref<2x112xi32, #tpu.memory_space<hbm>>
        %dma_wait3A_425 = arith.constant 0 : i32
        %dma_wait3A_426 = arith.constant 0 : i32
        %dma_wait3A_427 = tpu.memref_slice %arg3[%add3A, %add3A_420, %dma_wait3A_425, %dma_wait3A_426] : memref<32x90x2x112xi32, #tpu.memory_space<hbm>> -> memref<1x1x2x112xi32, #tpu.memory_space<hbm>>
        %dma_wait3A_428 = tpu.memref_squeeze %dma_wait3A_427 : memref<1x1x2x112xi32, #tpu.memory_space<hbm>> -> memref<2x112xi32, #tpu.memory_space<hbm>>
        tpu.wait_dma2 semaphore(%arg18 : memref<!tpu.dma_semaphore, #tpu.memory_space<semaphore_mem>>) src(%dma_wait3A_428 : memref<2x112xi32, #tpu.memory_space<hbm>>) dst(%arg8 : memref<2x112xi32, #tpu.memory_space<vmem>>)
      } else {
      }
      %dma_wait3A_260 = arith.constant 0 : i32
      %dma_wait3A_261 = arith.constant 0 : i32
      %dma_wait3A_262 = tpu.memref_slice %arg7[%dma_wait3A_260, %dma_wait3A_261] : memref<2x112xi32, #tpu.memory_space<vmem>> -> memref<1x112xi32, #tpu.memory_space<vmem>>
      %dma_wait3A_263 = tpu.memref_squeeze %dma_wait3A_262 : memref<1x112xi32, #tpu.memory_space<vmem>> -> memref<112xi32, #tpu.memory_space<vmem>>
      %dma_wait3A_264 = arith.constant 0 : i32
      %dma_wait3A_265 = arith.constant 0 : i32
      %dma_wait3A_266 = tpu.memref_slice %arg2[%dma_wait3A_264, %dma_wait3A_265] : memref<10000x128xf32, #tpu.memory_space<hbm>> -> memref<10000x128xf32, #tpu.memory_space<hbm>>
      tpu.wait_indirect_dma semaphore(%arg21 : memref<!tpu.dma_semaphore, #tpu.memory_space<semaphore_mem>>) src(%dma_wait3A_266 : memref<10000x128xf32, #tpu.memory_space<hbm>>) dst(%arg11 : memref<112x128xf32, #tpu.memory_space<vmem>>)
      %dma_start3A_267 = arith.constant 1 : i32
      %dma_start3A_268 = arith.constant 0 : i32
      %dma_start3A_269 = tpu.memref_slice %arg7[%dma_start3A_267, %dma_start3A_268] : memref<2x112xi32, #tpu.memory_space<vmem>> -> memref<1x112xi32, #tpu.memory_space<vmem>>
      %dma_start3A_270 = tpu.memref_squeeze %dma_start3A_269 : memref<1x112xi32, #tpu.memory_space<vmem>> -> memref<112xi32, #tpu.memory_space<vmem>>
      %dma_start3A_271 = arith.constant 0 : i32
      %dma_start3A_272 = arith.constant 0 : i32
      %dma_start3A_273 = tpu.memref_slice %arg14[%dma_start3A_271, %dma_start3A_272] : memref<10240x128xf32, #tpu.memory_space<vmem_shared>> -> memref<10240x128xf32, #tpu.memory_space<vmem_shared>>
      tpu.enqueue_indirect_dma source(%arg11 : memref<112x128xf32, #tpu.memory_space<vmem>>) target(%dma_start3A_273 : memref<10240x128xf32, #tpu.memory_space<vmem_shared>>) offsets(%dma_start3A_270 : memref<112xi32, #tpu.memory_space<vmem>>) semaphore(%arg23 : memref<!tpu.dma_semaphore, #tpu.memory_space<semaphore_mem>>) {add = true}
      %dma_start3A_274 = arith.constant 1 : i32
      %dma_start3A_275 = arith.constant 0 : i32
      %dma_start3A_276 = tpu.memref_slice %arg7[%dma_start3A_274, %dma_start3A_275] : memref<2x112xi32, #tpu.memory_space<vmem>> -> memref<1x112xi32, #tpu.memory_space<vmem>>
      %dma_start3A_277 = tpu.memref_squeeze %dma_start3A_276 : memref<1x112xi32, #tpu.memory_space<vmem>> -> memref<112xi32, #tpu.memory_space<vmem>>
      %dma_start3A_278 = arith.constant 0 : i32
      %dma_start3A_279 = tpu.memref_slice %arg15[%dma_start3A_278] : memref<10240xf32, #tpu.memory_space<vmem_shared>> -> memref<10240xf32, #tpu.memory_space<vmem_shared>>
      tpu.enqueue_indirect_dma source(%arg12 : memref<112xf32, #tpu.memory_space<vmem>>) target(%dma_start3A_279 : memref<10240xf32, #tpu.memory_space<vmem_shared>>) offsets(%dma_start3A_277 : memref<112xi32, #tpu.memory_space<vmem>>) semaphore(%arg23 : memref<!tpu.dma_semaphore, #tpu.memory_space<semaphore_mem>>) {add = true}
      %dma_wait3A_280 = arith.constant 1 : i32
      %dma_wait3A_281 = arith.constant 0 : i32
      %dma_wait3A_282 = tpu.memref_slice %arg6[%dma_wait3A_280, %dma_wait3A_281] : memref<2x112xi32, #tpu.memory_space<vmem>> -> memref<1x112xi32, #tpu.memory_space<vmem>>
      %dma_wait3A_283 = tpu.memref_squeeze %dma_wait3A_282 : memref<1x112xi32, #tpu.memory_space<vmem>> -> memref<112xi32, #tpu.memory_space<vmem>>
      %dma_wait3A_284 = arith.constant 0 : i32
      %dma_wait3A_285 = arith.constant 0 : i32
      %dma_wait3A_286 = tpu.memref_slice %arg14[%dma_wait3A_284, %dma_wait3A_285] : memref<10240x128xf32, #tpu.memory_space<vmem_shared>> -> memref<10240x128xf32, #tpu.memory_space<vmem_shared>>
      tpu.wait_indirect_dma semaphore(%arg22 : memref<!tpu.dma_semaphore, #tpu.memory_space<semaphore_mem>>) src(%arg10 : memref<112x128xf32, #tpu.memory_space<vmem>>) dst(%dma_wait3A_286 : memref<10240x128xf32, #tpu.memory_space<vmem_shared>>)
      %dma_wait3A_287 = arith.constant 1 : i32
      %dma_wait3A_288 = arith.constant 0 : i32
      %dma_wait3A_289 = tpu.memref_slice %arg6[%dma_wait3A_287, %dma_wait3A_288] : memref<2x112xi32, #tpu.memory_space<vmem>> -> memref<1x112xi32, #tpu.memory_space<vmem>>
      %dma_wait3A_290 = tpu.memref_squeeze %dma_wait3A_289 : memref<1x112xi32, #tpu.memory_space<vmem>> -> memref<112xi32, #tpu.memory_space<vmem>>
      %dma_wait3A_291 = arith.constant 0 : i32
      %dma_wait3A_292 = tpu.memref_slice %arg15[%dma_wait3A_291] : memref<10240xf32, #tpu.memory_space<vmem_shared>> -> memref<10240xf32, #tpu.memory_space<vmem_shared>>
      tpu.wait_indirect_dma semaphore(%arg22 : memref<!tpu.dma_semaphore, #tpu.memory_space<semaphore_mem>>) src(%arg12 : memref<112xf32, #tpu.memory_space<vmem>>) dst(%dma_wait3A_292 : memref<10240xf32, #tpu.memory_space<vmem_shared>>)
      %add3A_293 = arith.constant 1 : i32
      %add3A_294 = arith.addi %add3A_252, %add3A_293 : i32
      %lt3A_295 = arith.constant 90 : i32
      %lt3A_296 = arith.cmpi slt, %add3A_294, %lt3A_295 : i32
      %convert_element_type3A_297 = arith.extui %lt3A_296 : i1 to i32
      %cond3A_298 = arith.constant 0 : i32
      %cond3A_299 = arith.cmpi ne, %convert_element_type3A_297, %cond3A_298 : i32
      scf.if %cond3A_299 {
        %dma_start3A_419 = arith.constant 0 : i32
        %dma_start3A_420 = arith.constant 0 : i32
        %dma_start3A_421 = tpu.memref_slice %arg8[%dma_start3A_419, %dma_start3A_420] : memref<2x112xi32, #tpu.memory_space<vmem>> -> memref<1x112xi32, #tpu.memory_space<vmem>>
        %dma_start3A_422 = tpu.memref_squeeze %dma_start3A_421 : memref<1x112xi32, #tpu.memory_space<vmem>> -> memref<112xi32, #tpu.memory_space<vmem>>
        %dma_start3A_423 = arith.constant 0 : i32
        %dma_start3A_424 = arith.constant 0 : i32
        %dma_start3A_425 = tpu.memref_slice %arg2[%dma_start3A_423, %dma_start3A_424] : memref<10000x128xf32, #tpu.memory_space<hbm>> -> memref<10000x128xf32, #tpu.memory_space<hbm>>
        tpu.enqueue_indirect_dma source(%dma_start3A_425 : memref<10000x128xf32, #tpu.memory_space<hbm>>) target(%arg10 : memref<112x128xf32, #tpu.memory_space<vmem>>) offsets(%dma_start3A_422 : memref<112xi32, #tpu.memory_space<vmem>>) semaphore(%arg20 : memref<!tpu.dma_semaphore, #tpu.memory_space<semaphore_mem>>)
      } else {
      }
      %add3A_300 = arith.constant 3 : i32
      %add3A_301 = arith.addi %add3A_252, %add3A_300 : i32
      %lt3A_302 = arith.constant 90 : i32
      %lt3A_303 = arith.cmpi slt, %add3A_301, %lt3A_302 : i32
      %convert_element_type3A_304 = arith.extui %lt3A_303 : i1 to i32
      %cond3A_305 = arith.constant 0 : i32
      %cond3A_306 = arith.cmpi ne, %convert_element_type3A_304, %cond3A_305 : i32
      scf.if %cond3A_306 {
        %add3A_419 = arith.constant 3 : i32
        %add3A_420 = arith.addi %add3A_252, %add3A_419 : i32
        %dma_start3A_421 = arith.constant 0 : i32
        %dma_start3A_422 = arith.constant 0 : i32
        %dma_start3A_423 = tpu.memref_slice %arg3[%add3A, %add3A_420, %dma_start3A_421, %dma_start3A_422] : memref<32x90x2x112xi32, #tpu.memory_space<hbm>> -> memref<1x1x2x112xi32, #tpu.memory_space<hbm>>
        %dma_start3A_424 = tpu.memref_squeeze %dma_start3A_423 : memref<1x1x2x112xi32, #tpu.memory_space<hbm>> -> memref<2x112xi32, #tpu.memory_space<hbm>>
        %dma_start3A_425 = arith.constant 0 : i32
        %dma_start3A_426 = arith.constant 0 : i32
        %dma_start3A_427 = tpu.memref_slice %arg3[%add3A, %add3A_420, %dma_start3A_425, %dma_start3A_426] : memref<32x90x2x112xi32, #tpu.memory_space<hbm>> -> memref<1x1x2x112xi32, #tpu.memory_space<hbm>>
        %dma_start3A_428 = tpu.memref_squeeze %dma_start3A_427 : memref<1x1x2x112xi32, #tpu.memory_space<hbm>> -> memref<2x112xi32, #tpu.memory_space<hbm>>
        tpu.enqueue_dma source(%dma_start3A_428 : memref<2x112xi32, #tpu.memory_space<hbm>>) target(%arg6 : memref<2x112xi32, #tpu.memory_space<vmem>>) target_semaphore(%arg16 : memref<!tpu.dma_semaphore, #tpu.memory_space<semaphore_mem>>)
      } else {
      }
      %add3A_307 = arith.constant 2 : i32
      %add3A_308 = arith.addi %mul3A_208, %add3A_307 : i32
      %add3A_309 = arith.constant 1 : i32
      %add3A_310 = arith.addi %add3A_308, %add3A_309 : i32
      %lt3A_311 = arith.constant 90 : i32
      %lt3A_312 = arith.cmpi slt, %add3A_310, %lt3A_311 : i32
      %convert_element_type3A_313 = arith.extui %lt3A_312 : i1 to i32
      %cond3A_314 = arith.constant 0 : i32
      %cond3A_315 = arith.cmpi ne, %convert_element_type3A_313, %cond3A_314 : i32
      scf.if %cond3A_315 {
        %add3A_419 = arith.constant 1 : i32
        %add3A_420 = arith.addi %add3A_308, %add3A_419 : i32
        %dma_wait3A_421 = arith.constant 0 : i32
        %dma_wait3A_422 = arith.constant 0 : i32
        %dma_wait3A_423 = tpu.memref_slice %arg3[%add3A, %add3A_420, %dma_wait3A_421, %dma_wait3A_422] : memref<32x90x2x112xi32, #tpu.memory_space<hbm>> -> memref<1x1x2x112xi32, #tpu.memory_space<hbm>>
        %dma_wait3A_424 = tpu.memref_squeeze %dma_wait3A_423 : memref<1x1x2x112xi32, #tpu.memory_space<hbm>> -> memref<2x112xi32, #tpu.memory_space<hbm>>
        %dma_wait3A_425 = arith.constant 0 : i32
        %dma_wait3A_426 = arith.constant 0 : i32
        %dma_wait3A_427 = tpu.memref_slice %arg3[%add3A, %add3A_420, %dma_wait3A_425, %dma_wait3A_426] : memref<32x90x2x112xi32, #tpu.memory_space<hbm>> -> memref<1x1x2x112xi32, #tpu.memory_space<hbm>>
        %dma_wait3A_428 = tpu.memref_squeeze %dma_wait3A_427 : memref<1x1x2x112xi32, #tpu.memory_space<hbm>> -> memref<2x112xi32, #tpu.memory_space<hbm>>
        tpu.wait_dma2 semaphore(%arg19 : memref<!tpu.dma_semaphore, #tpu.memory_space<semaphore_mem>>) src(%dma_wait3A_428 : memref<2x112xi32, #tpu.memory_space<hbm>>) dst(%arg9 : memref<2x112xi32, #tpu.memory_space<vmem>>)
      } else {
      }
      %dma_wait3A_316 = arith.constant 0 : i32
      %dma_wait3A_317 = arith.constant 0 : i32
      %dma_wait3A_318 = tpu.memref_slice %arg8[%dma_wait3A_316, %dma_wait3A_317] : memref<2x112xi32, #tpu.memory_space<vmem>> -> memref<1x112xi32, #tpu.memory_space<vmem>>
      %dma_wait3A_319 = tpu.memref_squeeze %dma_wait3A_318 : memref<1x112xi32, #tpu.memory_space<vmem>> -> memref<112xi32, #tpu.memory_space<vmem>>
      %dma_wait3A_320 = arith.constant 0 : i32
      %dma_wait3A_321 = arith.constant 0 : i32
      %dma_wait3A_322 = tpu.memref_slice %arg2[%dma_wait3A_320, %dma_wait3A_321] : memref<10000x128xf32, #tpu.memory_space<hbm>> -> memref<10000x128xf32, #tpu.memory_space<hbm>>
      tpu.wait_indirect_dma semaphore(%arg20 : memref<!tpu.dma_semaphore, #tpu.memory_space<semaphore_mem>>) src(%dma_wait3A_322 : memref<10000x128xf32, #tpu.memory_space<hbm>>) dst(%arg10 : memref<112x128xf32, #tpu.memory_space<vmem>>)
      %dma_start3A_323 = arith.constant 1 : i32
      %dma_start3A_324 = arith.constant 0 : i32
      %dma_start3A_325 = tpu.memref_slice %arg8[%dma_start3A_323, %dma_start3A_324] : memref<2x112xi32, #tpu.memory_space<vmem>> -> memref<1x112xi32, #tpu.memory_space<vmem>>
      %dma_start3A_326 = tpu.memref_squeeze %dma_start3A_325 : memref<1x112xi32, #tpu.memory_space<vmem>> -> memref<112xi32, #tpu.memory_space<vmem>>
      %dma_start3A_327 = arith.constant 0 : i32
      %dma_start3A_328 = arith.constant 0 : i32
      %dma_start3A_329 = tpu.memref_slice %arg14[%dma_start3A_327, %dma_start3A_328] : memref<10240x128xf32, #tpu.memory_space<vmem_shared>> -> memref<10240x128xf32, #tpu.memory_space<vmem_shared>>
      tpu.enqueue_indirect_dma source(%arg10 : memref<112x128xf32, #tpu.memory_space<vmem>>) target(%dma_start3A_329 : memref<10240x128xf32, #tpu.memory_space<vmem_shared>>) offsets(%dma_start3A_326 : memref<112xi32, #tpu.memory_space<vmem>>) semaphore(%arg22 : memref<!tpu.dma_semaphore, #tpu.memory_space<semaphore_mem>>) {add = true}
      %dma_start3A_330 = arith.constant 1 : i32
      %dma_start3A_331 = arith.constant 0 : i32
      %dma_start3A_332 = tpu.memref_slice %arg8[%dma_start3A_330, %dma_start3A_331] : memref<2x112xi32, #tpu.memory_space<vmem>> -> memref<1x112xi32, #tpu.memory_space<vmem>>
      %dma_start3A_333 = tpu.memref_squeeze %dma_start3A_332 : memref<1x112xi32, #tpu.memory_space<vmem>> -> memref<112xi32, #tpu.memory_space<vmem>>
      %dma_start3A_334 = arith.constant 0 : i32
      %dma_start3A_335 = tpu.memref_slice %arg15[%dma_start3A_334] : memref<10240xf32, #tpu.memory_space<vmem_shared>> -> memref<10240xf32, #tpu.memory_space<vmem_shared>>
      tpu.enqueue_indirect_dma source(%arg12 : memref<112xf32, #tpu.memory_space<vmem>>) target(%dma_start3A_335 : memref<10240xf32, #tpu.memory_space<vmem_shared>>) offsets(%dma_start3A_333 : memref<112xi32, #tpu.memory_space<vmem>>) semaphore(%arg22 : memref<!tpu.dma_semaphore, #tpu.memory_space<semaphore_mem>>) {add = true}
      %dma_wait3A_336 = arith.constant 1 : i32
      %dma_wait3A_337 = arith.constant 0 : i32
      %dma_wait3A_338 = tpu.memref_slice %arg7[%dma_wait3A_336, %dma_wait3A_337] : memref<2x112xi32, #tpu.memory_space<vmem>> -> memref<1x112xi32, #tpu.memory_space<vmem>>
      %dma_wait3A_339 = tpu.memref_squeeze %dma_wait3A_338 : memref<1x112xi32, #tpu.memory_space<vmem>> -> memref<112xi32, #tpu.memory_space<vmem>>
      %dma_wait3A_340 = arith.constant 0 : i32
      %dma_wait3A_341 = arith.constant 0 : i32
      %dma_wait3A_342 = tpu.memref_slice %arg14[%dma_wait3A_340, %dma_wait3A_341] : memref<10240x128xf32, #tpu.memory_space<vmem_shared>> -> memref<10240x128xf32, #tpu.memory_space<vmem_shared>>
      tpu.wait_indirect_dma semaphore(%arg23 : memref<!tpu.dma_semaphore, #tpu.memory_space<semaphore_mem>>) src(%arg11 : memref<112x128xf32, #tpu.memory_space<vmem>>) dst(%dma_wait3A_342 : memref<10240x128xf32, #tpu.memory_space<vmem_shared>>)
      %dma_wait3A_343 = arith.constant 1 : i32
      %dma_wait3A_344 = arith.constant 0 : i32
      %dma_wait3A_345 = tpu.memref_slice %arg7[%dma_wait3A_343, %dma_wait3A_344] : memref<2x112xi32, #tpu.memory_space<vmem>> -> memref<1x112xi32, #tpu.memory_space<vmem>>
      %dma_wait3A_346 = tpu.memref_squeeze %dma_wait3A_345 : memref<1x112xi32, #tpu.memory_space<vmem>> -> memref<112xi32, #tpu.memory_space<vmem>>
      %dma_wait3A_347 = arith.constant 0 : i32
      %dma_wait3A_348 = tpu.memref_slice %arg15[%dma_wait3A_347] : memref<10240xf32, #tpu.memory_space<vmem_shared>> -> memref<10240xf32, #tpu.memory_space<vmem_shared>>
      tpu.wait_indirect_dma semaphore(%arg23 : memref<!tpu.dma_semaphore, #tpu.memory_space<semaphore_mem>>) src(%arg12 : memref<112xf32, #tpu.memory_space<vmem>>) dst(%dma_wait3A_348 : memref<10240xf32, #tpu.memory_space<vmem_shared>>)
      %add3A_349 = arith.constant 1 : i32
      %add3A_350 = arith.addi %add3A_308, %add3A_349 : i32
      %lt3A_351 = arith.constant 90 : i32
      %lt3A_352 = arith.cmpi slt, %add3A_350, %lt3A_351 : i32
      %convert_element_type3A_353 = arith.extui %lt3A_352 : i1 to i32
      %cond3A_354 = arith.constant 0 : i32
      %cond3A_355 = arith.cmpi ne, %convert_element_type3A_353, %cond3A_354 : i32
      scf.if %cond3A_355 {
        %dma_start3A_419 = arith.constant 0 : i32
        %dma_start3A_420 = arith.constant 0 : i32
        %dma_start3A_421 = tpu.memref_slice %arg9[%dma_start3A_419, %dma_start3A_420] : memref<2x112xi32, #tpu.memory_space<vmem>> -> memref<1x112xi32, #tpu.memory_space<vmem>>
        %dma_start3A_422 = tpu.memref_squeeze %dma_start3A_421 : memref<1x112xi32, #tpu.memory_space<vmem>> -> memref<112xi32, #tpu.memory_space<vmem>>
        %dma_start3A_423 = arith.constant 0 : i32
        %dma_start3A_424 = arith.constant 0 : i32
        %dma_start3A_425 = tpu.memref_slice %arg2[%dma_start3A_423, %dma_start3A_424] : memref<10000x128xf32, #tpu.memory_space<hbm>> -> memref<10000x128xf32, #tpu.memory_space<hbm>>
        tpu.enqueue_indirect_dma source(%dma_start3A_425 : memref<10000x128xf32, #tpu.memory_space<hbm>>) target(%arg11 : memref<112x128xf32, #tpu.memory_space<vmem>>) offsets(%dma_start3A_422 : memref<112xi32, #tpu.memory_space<vmem>>) semaphore(%arg21 : memref<!tpu.dma_semaphore, #tpu.memory_space<semaphore_mem>>)
      } else {
      }
      %add3A_356 = arith.constant 3 : i32
      %add3A_357 = arith.addi %add3A_308, %add3A_356 : i32
      %lt3A_358 = arith.constant 90 : i32
      %lt3A_359 = arith.cmpi slt, %add3A_357, %lt3A_358 : i32
      %convert_element_type3A_360 = arith.extui %lt3A_359 : i1 to i32
      %cond3A_361 = arith.constant 0 : i32
      %cond3A_362 = arith.cmpi ne, %convert_element_type3A_360, %cond3A_361 : i32
      scf.if %cond3A_362 {
        %add3A_419 = arith.constant 3 : i32
        %add3A_420 = arith.addi %add3A_308, %add3A_419 : i32
        %dma_start3A_421 = arith.constant 0 : i32
        %dma_start3A_422 = arith.constant 0 : i32
        %dma_start3A_423 = tpu.memref_slice %arg3[%add3A, %add3A_420, %dma_start3A_421, %dma_start3A_422] : memref<32x90x2x112xi32, #tpu.memory_space<hbm>> -> memref<1x1x2x112xi32, #tpu.memory_space<hbm>>
        %dma_start3A_424 = tpu.memref_squeeze %dma_start3A_423 : memref<1x1x2x112xi32, #tpu.memory_space<hbm>> -> memref<2x112xi32, #tpu.memory_space<hbm>>
        %dma_start3A_425 = arith.constant 0 : i32
        %dma_start3A_426 = arith.constant 0 : i32
        %dma_start3A_427 = tpu.memref_slice %arg3[%add3A, %add3A_420, %dma_start3A_425, %dma_start3A_426] : memref<32x90x2x112xi32, #tpu.memory_space<hbm>> -> memref<1x1x2x112xi32, #tpu.memory_space<hbm>>
        %dma_start3A_428 = tpu.memref_squeeze %dma_start3A_427 : memref<1x1x2x112xi32, #tpu.memory_space<hbm>> -> memref<2x112xi32, #tpu.memory_space<hbm>>
        tpu.enqueue_dma source(%dma_start3A_428 : memref<2x112xi32, #tpu.memory_space<hbm>>) target(%arg7 : memref<2x112xi32, #tpu.memory_space<vmem>>) target_semaphore(%arg17 : memref<!tpu.dma_semaphore, #tpu.memory_space<semaphore_mem>>)
      } else {
      }
      %add3A_363 = arith.constant 3 : i32
      %add3A_364 = arith.addi %mul3A_208, %add3A_363 : i32
      %add3A_365 = arith.constant 1 : i32
      %add3A_366 = arith.addi %add3A_364, %add3A_365 : i32
      %lt3A_367 = arith.constant 90 : i32
      %lt3A_368 = arith.cmpi slt, %add3A_366, %lt3A_367 : i32
      %convert_element_type3A_369 = arith.extui %lt3A_368 : i1 to i32
      %cond3A_370 = arith.constant 0 : i32
      %cond3A_371 = arith.cmpi ne, %convert_element_type3A_369, %cond3A_370 : i32
      scf.if %cond3A_371 {
        %add3A_419 = arith.constant 1 : i32
        %add3A_420 = arith.addi %add3A_364, %add3A_419 : i32
        %dma_wait3A_421 = arith.constant 0 : i32
        %dma_wait3A_422 = arith.constant 0 : i32
        %dma_wait3A_423 = tpu.memref_slice %arg3[%add3A, %add3A_420, %dma_wait3A_421, %dma_wait3A_422] : memref<32x90x2x112xi32, #tpu.memory_space<hbm>> -> memref<1x1x2x112xi32, #tpu.memory_space<hbm>>
        %dma_wait3A_424 = tpu.memref_squeeze %dma_wait3A_423 : memref<1x1x2x112xi32, #tpu.memory_space<hbm>> -> memref<2x112xi32, #tpu.memory_space<hbm>>
        %dma_wait3A_425 = arith.constant 0 : i32
        %dma_wait3A_426 = arith.constant 0 : i32
        %dma_wait3A_427 = tpu.memref_slice %arg3[%add3A, %add3A_420, %dma_wait3A_425, %dma_wait3A_426] : memref<32x90x2x112xi32, #tpu.memory_space<hbm>> -> memref<1x1x2x112xi32, #tpu.memory_space<hbm>>
        %dma_wait3A_428 = tpu.memref_squeeze %dma_wait3A_427 : memref<1x1x2x112xi32, #tpu.memory_space<hbm>> -> memref<2x112xi32, #tpu.memory_space<hbm>>
        tpu.wait_dma2 semaphore(%arg16 : memref<!tpu.dma_semaphore, #tpu.memory_space<semaphore_mem>>) src(%dma_wait3A_428 : memref<2x112xi32, #tpu.memory_space<hbm>>) dst(%arg6 : memref<2x112xi32, #tpu.memory_space<vmem>>)
      } else {
      }
      %dma_wait3A_372 = arith.constant 0 : i32
      %dma_wait3A_373 = arith.constant 0 : i32
      %dma_wait3A_374 = tpu.memref_slice %arg9[%dma_wait3A_372, %dma_wait3A_373] : memref<2x112xi32, #tpu.memory_space<vmem>> -> memref<1x112xi32, #tpu.memory_space<vmem>>
      %dma_wait3A_375 = tpu.memref_squeeze %dma_wait3A_374 : memref<1x112xi32, #tpu.memory_space<vmem>> -> memref<112xi32, #tpu.memory_space<vmem>>
      %dma_wait3A_376 = arith.constant 0 : i32
      %dma_wait3A_377 = arith.constant 0 : i32
      %dma_wait3A_378 = tpu.memref_slice %arg2[%dma_wait3A_376, %dma_wait3A_377] : memref<10000x128xf32, #tpu.memory_space<hbm>> -> memref<10000x128xf32, #tpu.memory_space<hbm>>
      tpu.wait_indirect_dma semaphore(%arg21 : memref<!tpu.dma_semaphore, #tpu.memory_space<semaphore_mem>>) src(%dma_wait3A_378 : memref<10000x128xf32, #tpu.memory_space<hbm>>) dst(%arg11 : memref<112x128xf32, #tpu.memory_space<vmem>>)
      %dma_start3A_379 = arith.constant 1 : i32
      %dma_start3A_380 = arith.constant 0 : i32
      %dma_start3A_381 = tpu.memref_slice %arg9[%dma_start3A_379, %dma_start3A_380] : memref<2x112xi32, #tpu.memory_space<vmem>> -> memref<1x112xi32, #tpu.memory_space<vmem>>
      %dma_start3A_382 = tpu.memref_squeeze %dma_start3A_381 : memref<1x112xi32, #tpu.memory_space<vmem>> -> memref<112xi32, #tpu.memory_space<vmem>>
      %dma_start3A_383 = arith.constant 0 : i32
      %dma_start3A_384 = arith.constant 0 : i32
      %dma_start3A_385 = tpu.memref_slice %arg14[%dma_start3A_383, %dma_start3A_384] : memref<10240x128xf32, #tpu.memory_space<vmem_shared>> -> memref<10240x128xf32, #tpu.memory_space<vmem_shared>>
      tpu.enqueue_indirect_dma source(%arg11 : memref<112x128xf32, #tpu.memory_space<vmem>>) target(%dma_start3A_385 : memref<10240x128xf32, #tpu.memory_space<vmem_shared>>) offsets(%dma_start3A_382 : memref<112xi32, #tpu.memory_space<vmem>>) semaphore(%arg23 : memref<!tpu.dma_semaphore, #tpu.memory_space<semaphore_mem>>) {add = true}
      %dma_start3A_386 = arith.constant 1 : i32
      %dma_start3A_387 = arith.constant 0 : i32
      %dma_start3A_388 = tpu.memref_slice %arg9[%dma_start3A_386, %dma_start3A_387] : memref<2x112xi32, #tpu.memory_space<vmem>> -> memref<1x112xi32, #tpu.memory_space<vmem>>
      %dma_start3A_389 = tpu.memref_squeeze %dma_start3A_388 : memref<1x112xi32, #tpu.memory_space<vmem>> -> memref<112xi32, #tpu.memory_space<vmem>>
      %dma_start3A_390 = arith.constant 0 : i32
      %dma_start3A_391 = tpu.memref_slice %arg15[%dma_start3A_390] : memref<10240xf32, #tpu.memory_space<vmem_shared>> -> memref<10240xf32, #tpu.memory_space<vmem_shared>>
      tpu.enqueue_indirect_dma source(%arg12 : memref<112xf32, #tpu.memory_space<vmem>>) target(%dma_start3A_391 : memref<10240xf32, #tpu.memory_space<vmem_shared>>) offsets(%dma_start3A_389 : memref<112xi32, #tpu.memory_space<vmem>>) semaphore(%arg23 : memref<!tpu.dma_semaphore, #tpu.memory_space<semaphore_mem>>) {add = true}
      %dma_wait3A_392 = arith.constant 1 : i32
      %dma_wait3A_393 = arith.constant 0 : i32
      %dma_wait3A_394 = tpu.memref_slice %arg8[%dma_wait3A_392, %dma_wait3A_393] : memref<2x112xi32, #tpu.memory_space<vmem>> -> memref<1x112xi32, #tpu.memory_space<vmem>>
      %dma_wait3A_395 = tpu.memref_squeeze %dma_wait3A_394 : memref<1x112xi32, #tpu.memory_space<vmem>> -> memref<112xi32, #tpu.memory_space<vmem>>
      %dma_wait3A_396 = arith.constant 0 : i32
      %dma_wait3A_397 = arith.constant 0 : i32
      %dma_wait3A_398 = tpu.memref_slice %arg14[%dma_wait3A_396, %dma_wait3A_397] : memref<10240x128xf32, #tpu.memory_space<vmem_shared>> -> memref<10240x128xf32, #tpu.memory_space<vmem_shared>>
      tpu.wait_indirect_dma semaphore(%arg22 : memref<!tpu.dma_semaphore, #tpu.memory_space<semaphore_mem>>) src(%arg10 : memref<112x128xf32, #tpu.memory_space<vmem>>) dst(%dma_wait3A_398 : memref<10240x128xf32, #tpu.memory_space<vmem_shared>>)
      %dma_wait3A_399 = arith.constant 1 : i32
      %dma_wait3A_400 = arith.constant 0 : i32
      %dma_wait3A_401 = tpu.memref_slice %arg8[%dma_wait3A_399, %dma_wait3A_400] : memref<2x112xi32, #tpu.memory_space<vmem>> -> memref<1x112xi32, #tpu.memory_space<vmem>>
      %dma_wait3A_402 = tpu.memref_squeeze %dma_wait3A_401 : memref<1x112xi32, #tpu.memory_space<vmem>> -> memref<112xi32, #tpu.memory_space<vmem>>
      %dma_wait3A_403 = arith.constant 0 : i32
      %dma_wait3A_404 = tpu.memref_slice %arg15[%dma_wait3A_403] : memref<10240xf32, #tpu.memory_space<vmem_shared>> -> memref<10240xf32, #tpu.memory_space<vmem_shared>>
      tpu.wait_indirect_dma semaphore(%arg22 : memref<!tpu.dma_semaphore, #tpu.memory_space<semaphore_mem>>) src(%arg12 : memref<112xf32, #tpu.memory_space<vmem>>) dst(%dma_wait3A_404 : memref<10240xf32, #tpu.memory_space<vmem_shared>>)
      %add3A_405 = arith.constant 1 : i32
      %add3A_406 = arith.addi %add3A_364, %add3A_405 : i32
      %lt3A_407 = arith.constant 90 : i32
      %lt3A_408 = arith.cmpi slt, %add3A_406, %lt3A_407 : i32
      %convert_element_type3A_409 = arith.extui %lt3A_408 : i1 to i32
      %cond3A_410 = arith.constant 0 : i32
      %cond3A_411 = arith.cmpi ne, %convert_element_type3A_409, %cond3A_410 : i32
      scf.if %cond3A_411 {
        %dma_start3A_419 = arith.constant 0 : i32
        %dma_start3A_420 = arith.constant 0 : i32
        %dma_start3A_421 = tpu.memref_slice %arg6[%dma_start3A_419, %dma_start3A_420] : memref<2x112xi32, #tpu.memory_space<vmem>> -> memref<1x112xi32, #tpu.memory_space<vmem>>
        %dma_start3A_422 = tpu.memref_squeeze %dma_start3A_421 : memref<1x112xi32, #tpu.memory_space<vmem>> -> memref<112xi32, #tpu.memory_space<vmem>>
        %dma_start3A_423 = arith.constant 0 : i32
        %dma_start3A_424 = arith.constant 0 : i32
        %dma_start3A_425 = tpu.memref_slice %arg2[%dma_start3A_423, %dma_start3A_424] : memref<10000x128xf32, #tpu.memory_space<hbm>> -> memref<10000x128xf32, #tpu.memory_space<hbm>>
        tpu.enqueue_indirect_dma source(%dma_start3A_425 : memref<10000x128xf32, #tpu.memory_space<hbm>>) target(%arg10 : memref<112x128xf32, #tpu.memory_space<vmem>>) offsets(%dma_start3A_422 : memref<112xi32, #tpu.memory_space<vmem>>) semaphore(%arg20 : memref<!tpu.dma_semaphore, #tpu.memory_space<semaphore_mem>>)
      } else {
      }
      %add3A_412 = arith.constant 3 : i32
      %add3A_413 = arith.addi %add3A_364, %add3A_412 : i32
      %lt3A_414 = arith.constant 90 : i32
      %lt3A_415 = arith.cmpi slt, %add3A_413, %lt3A_414 : i32
      %convert_element_type3A_416 = arith.extui %lt3A_415 : i1 to i32
      %cond3A_417 = arith.constant 0 : i32
      %cond3A_418 = arith.cmpi ne, %convert_element_type3A_416, %cond3A_417 : i32
      scf.if %cond3A_418 {
        %add3A_419 = arith.constant 3 : i32
        %add3A_420 = arith.addi %add3A_364, %add3A_419 : i32
        %dma_start3A_421 = arith.constant 0 : i32
        %dma_start3A_422 = arith.constant 0 : i32
        %dma_start3A_423 = tpu.memref_slice %arg3[%add3A, %add3A_420, %dma_start3A_421, %dma_start3A_422] : memref<32x90x2x112xi32, #tpu.memory_space<hbm>> -> memref<1x1x2x112xi32, #tpu.memory_space<hbm>>
        %dma_start3A_424 = tpu.memref_squeeze %dma_start3A_423 : memref<1x1x2x112xi32, #tpu.memory_space<hbm>> -> memref<2x112xi32, #tpu.memory_space<hbm>>
        %dma_start3A_425 = arith.constant 0 : i32
        %dma_start3A_426 = arith.constant 0 : i32
        %dma_start3A_427 = tpu.memref_slice %arg3[%add3A, %add3A_420, %dma_start3A_425, %dma_start3A_426] : memref<32x90x2x112xi32, #tpu.memory_space<hbm>> -> memref<1x1x2x112xi32, #tpu.memory_space<hbm>>
        %dma_start3A_428 = tpu.memref_squeeze %dma_start3A_427 : memref<1x1x2x112xi32, #tpu.memory_space<hbm>> -> memref<2x112xi32, #tpu.memory_space<hbm>>
        tpu.enqueue_dma source(%dma_start3A_428 : memref<2x112xi32, #tpu.memory_space<hbm>>) target(%arg8 : memref<2x112xi32, #tpu.memory_space<vmem>>) target_semaphore(%arg18 : memref<!tpu.dma_semaphore, #tpu.memory_space<semaphore_mem>>)
      } else {
      }
    }
    %scan3A_101 = arith.constant 22 : i32
    %dma_wait3A_102 = arith.constant 89 : i32
    %dma_wait3A_103 = arith.constant 0 : i32
    %dma_wait3A_104 = arith.constant 0 : i32
    %dma_wait3A_105 = tpu.memref_slice %arg3[%add3A, %dma_wait3A_102, %dma_wait3A_103, %dma_wait3A_104] : memref<32x90x2x112xi32, #tpu.memory_space<hbm>> -> memref<1x1x2x112xi32, #tpu.memory_space<hbm>>
    %dma_wait3A_106 = tpu.memref_squeeze %dma_wait3A_105 : memref<1x1x2x112xi32, #tpu.memory_space<hbm>> -> memref<2x112xi32, #tpu.memory_space<hbm>>
    %dma_wait3A_107 = arith.constant 0 : i32
    %dma_wait3A_108 = arith.constant 0 : i32
    %dma_wait3A_109 = tpu.memref_slice %arg3[%add3A, %dma_wait3A_102, %dma_wait3A_107, %dma_wait3A_108] : memref<32x90x2x112xi32, #tpu.memory_space<hbm>> -> memref<1x1x2x112xi32, #tpu.memory_space<hbm>>
    %dma_wait3A_110 = tpu.memref_squeeze %dma_wait3A_109 : memref<1x1x2x112xi32, #tpu.memory_space<hbm>> -> memref<2x112xi32, #tpu.memory_space<hbm>>
    tpu.wait_dma2 semaphore(%arg17 : memref<!tpu.dma_semaphore, #tpu.memory_space<semaphore_mem>>) src(%dma_wait3A_110 : memref<2x112xi32, #tpu.memory_space<hbm>>) dst(%arg7 : memref<2x112xi32, #tpu.memory_space<vmem>>)
    %dma_wait3A_111 = arith.constant 0 : i32
    %dma_wait3A_112 = arith.constant 0 : i32
    %dma_wait3A_113 = tpu.memref_slice %arg6[%dma_wait3A_111, %dma_wait3A_112] : memref<2x112xi32, #tpu.memory_space<vmem>> -> memref<1x112xi32, #tpu.memory_space<vmem>>
    %dma_wait3A_114 = tpu.memref_squeeze %dma_wait3A_113 : memref<1x112xi32, #tpu.memory_space<vmem>> -> memref<112xi32, #tpu.memory_space<vmem>>
    %dma_wait3A_115 = arith.constant 0 : i32
    %dma_wait3A_116 = arith.constant 0 : i32
    %dma_wait3A_117 = tpu.memref_slice %arg2[%dma_wait3A_115, %dma_wait3A_116] : memref<10000x128xf32, #tpu.memory_space<hbm>> -> memref<10000x128xf32, #tpu.memory_space<hbm>>
    tpu.wait_indirect_dma semaphore(%arg20 : memref<!tpu.dma_semaphore, #tpu.memory_space<semaphore_mem>>) src(%dma_wait3A_117 : memref<10000x128xf32, #tpu.memory_space<hbm>>) dst(%arg10 : memref<112x128xf32, #tpu.memory_space<vmem>>)
    %dma_start3A_118 = arith.constant 1 : i32
    %dma_start3A_119 = arith.constant 0 : i32
    %dma_start3A_120 = tpu.memref_slice %arg6[%dma_start3A_118, %dma_start3A_119] : memref<2x112xi32, #tpu.memory_space<vmem>> -> memref<1x112xi32, #tpu.memory_space<vmem>>
    %dma_start3A_121 = tpu.memref_squeeze %dma_start3A_120 : memref<1x112xi32, #tpu.memory_space<vmem>> -> memref<112xi32, #tpu.memory_space<vmem>>
    %dma_start3A_122 = arith.constant 0 : i32
    %dma_start3A_123 = arith.constant 0 : i32
    %dma_start3A_124 = tpu.memref_slice %arg14[%dma_start3A_122, %dma_start3A_123] : memref<10240x128xf32, #tpu.memory_space<vmem_shared>> -> memref<10240x128xf32, #tpu.memory_space<vmem_shared>>
    tpu.enqueue_indirect_dma source(%arg10 : memref<112x128xf32, #tpu.memory_space<vmem>>) target(%dma_start3A_124 : memref<10240x128xf32, #tpu.memory_space<vmem_shared>>) offsets(%dma_start3A_121 : memref<112xi32, #tpu.memory_space<vmem>>) semaphore(%arg22 : memref<!tpu.dma_semaphore, #tpu.memory_space<semaphore_mem>>) {add = true}
    %dma_start3A_125 = arith.constant 1 : i32
    %dma_start3A_126 = arith.constant 0 : i32
    %dma_start3A_127 = tpu.memref_slice %arg6[%dma_start3A_125, %dma_start3A_126] : memref<2x112xi32, #tpu.memory_space<vmem>> -> memref<1x112xi32, #tpu.memory_space<vmem>>
    %dma_start3A_128 = tpu.memref_squeeze %dma_start3A_127 : memref<1x112xi32, #tpu.memory_space<vmem>> -> memref<112xi32, #tpu.memory_space<vmem>>
    %dma_start3A_129 = arith.constant 0 : i32
    %dma_start3A_130 = tpu.memref_slice %arg15[%dma_start3A_129] : memref<10240xf32, #tpu.memory_space<vmem_shared>> -> memref<10240xf32, #tpu.memory_space<vmem_shared>>
    tpu.enqueue_indirect_dma source(%arg12 : memref<112xf32, #tpu.memory_space<vmem>>) target(%dma_start3A_130 : memref<10240xf32, #tpu.memory_space<vmem_shared>>) offsets(%dma_start3A_128 : memref<112xi32, #tpu.memory_space<vmem>>) semaphore(%arg22 : memref<!tpu.dma_semaphore, #tpu.memory_space<semaphore_mem>>) {add = true}
    %dma_wait3A_131 = arith.constant 1 : i32
    %dma_wait3A_132 = arith.constant 0 : i32
    %dma_wait3A_133 = tpu.memref_slice %arg9[%dma_wait3A_131, %dma_wait3A_132] : memref<2x112xi32, #tpu.memory_space<vmem>> -> memref<1x112xi32, #tpu.memory_space<vmem>>
    %dma_wait3A_134 = tpu.memref_squeeze %dma_wait3A_133 : memref<1x112xi32, #tpu.memory_space<vmem>> -> memref<112xi32, #tpu.memory_space<vmem>>
    %dma_wait3A_135 = arith.constant 0 : i32
    %dma_wait3A_136 = arith.constant 0 : i32
    %dma_wait3A_137 = tpu.memref_slice %arg14[%dma_wait3A_135, %dma_wait3A_136] : memref<10240x128xf32, #tpu.memory_space<vmem_shared>> -> memref<10240x128xf32, #tpu.memory_space<vmem_shared>>
    tpu.wait_indirect_dma semaphore(%arg23 : memref<!tpu.dma_semaphore, #tpu.memory_space<semaphore_mem>>) src(%arg11 : memref<112x128xf32, #tpu.memory_space<vmem>>) dst(%dma_wait3A_137 : memref<10240x128xf32, #tpu.memory_space<vmem_shared>>)
    %dma_wait3A_138 = arith.constant 1 : i32
    %dma_wait3A_139 = arith.constant 0 : i32
    %dma_wait3A_140 = tpu.memref_slice %arg9[%dma_wait3A_138, %dma_wait3A_139] : memref<2x112xi32, #tpu.memory_space<vmem>> -> memref<1x112xi32, #tpu.memory_space<vmem>>
    %dma_wait3A_141 = tpu.memref_squeeze %dma_wait3A_140 : memref<1x112xi32, #tpu.memory_space<vmem>> -> memref<112xi32, #tpu.memory_space<vmem>>
    %dma_wait3A_142 = arith.constant 0 : i32
    %dma_wait3A_143 = tpu.memref_slice %arg15[%dma_wait3A_142] : memref<10240xf32, #tpu.memory_space<vmem_shared>> -> memref<10240xf32, #tpu.memory_space<vmem_shared>>
    tpu.wait_indirect_dma semaphore(%arg23 : memref<!tpu.dma_semaphore, #tpu.memory_space<semaphore_mem>>) src(%arg12 : memref<112xf32, #tpu.memory_space<vmem>>) dst(%dma_wait3A_143 : memref<10240xf32, #tpu.memory_space<vmem_shared>>)
    %dma_start3A_144 = arith.constant 0 : i32
    %dma_start3A_145 = arith.constant 0 : i32
    %dma_start3A_146 = tpu.memref_slice %arg7[%dma_start3A_144, %dma_start3A_145] : memref<2x112xi32, #tpu.memory_space<vmem>> -> memref<1x112xi32, #tpu.memory_space<vmem>>
    %dma_start3A_147 = tpu.memref_squeeze %dma_start3A_146 : memref<1x112xi32, #tpu.memory_space<vmem>> -> memref<112xi32, #tpu.memory_space<vmem>>
    %dma_start3A_148 = arith.constant 0 : i32
    %dma_start3A_149 = arith.constant 0 : i32
    %dma_start3A_150 = tpu.memref_slice %arg2[%dma_start3A_148, %dma_start3A_149] : memref<10000x128xf32, #tpu.memory_space<hbm>> -> memref<10000x128xf32, #tpu.memory_space<hbm>>
    tpu.enqueue_indirect_dma source(%dma_start3A_150 : memref<10000x128xf32, #tpu.memory_space<hbm>>) target(%arg11 : memref<112x128xf32, #tpu.memory_space<vmem>>) offsets(%dma_start3A_147 : memref<112xi32, #tpu.memory_space<vmem>>) semaphore(%arg21 : memref<!tpu.dma_semaphore, #tpu.memory_space<semaphore_mem>>)
    %dma_wait3A_151 = arith.constant 0 : i32
    %dma_wait3A_152 = arith.constant 0 : i32
    %dma_wait3A_153 = tpu.memref_slice %arg7[%dma_wait3A_151, %dma_wait3A_152] : memref<2x112xi32, #tpu.memory_space<vmem>> -> memref<1x112xi32, #tpu.memory_space<vmem>>
    %dma_wait3A_154 = tpu.memref_squeeze %dma_wait3A_153 : memref<1x112xi32, #tpu.memory_space<vmem>> -> memref<112xi32, #tpu.memory_space<vmem>>
    %dma_wait3A_155 = arith.constant 0 : i32
    %dma_wait3A_156 = arith.constant 0 : i32
    %dma_wait3A_157 = tpu.memref_slice %arg2[%dma_wait3A_155, %dma_wait3A_156] : memref<10000x128xf32, #tpu.memory_space<hbm>> -> memref<10000x128xf32, #tpu.memory_space<hbm>>
    tpu.wait_indirect_dma semaphore(%arg21 : memref<!tpu.dma_semaphore, #tpu.memory_space<semaphore_mem>>) src(%dma_wait3A_157 : memref<10000x128xf32, #tpu.memory_space<hbm>>) dst(%arg11 : memref<112x128xf32, #tpu.memory_space<vmem>>)
    %dma_start3A_158 = arith.constant 1 : i32
    %dma_start3A_159 = arith.constant 0 : i32
    %dma_start3A_160 = tpu.memref_slice %arg7[%dma_start3A_158, %dma_start3A_159] : memref<2x112xi32, #tpu.memory_space<vmem>> -> memref<1x112xi32, #tpu.memory_space<vmem>>
    %dma_start3A_161 = tpu.memref_squeeze %dma_start3A_160 : memref<1x112xi32, #tpu.memory_space<vmem>> -> memref<112xi32, #tpu.memory_space<vmem>>
    %dma_start3A_162 = arith.constant 0 : i32
    %dma_start3A_163 = arith.constant 0 : i32
    %dma_start3A_164 = tpu.memref_slice %arg14[%dma_start3A_162, %dma_start3A_163] : memref<10240x128xf32, #tpu.memory_space<vmem_shared>> -> memref<10240x128xf32, #tpu.memory_space<vmem_shared>>
    tpu.enqueue_indirect_dma source(%arg11 : memref<112x128xf32, #tpu.memory_space<vmem>>) target(%dma_start3A_164 : memref<10240x128xf32, #tpu.memory_space<vmem_shared>>) offsets(%dma_start3A_161 : memref<112xi32, #tpu.memory_space<vmem>>) semaphore(%arg23 : memref<!tpu.dma_semaphore, #tpu.memory_space<semaphore_mem>>) {add = true}
    %dma_start3A_165 = arith.constant 1 : i32
    %dma_start3A_166 = arith.constant 0 : i32
    %dma_start3A_167 = tpu.memref_slice %arg7[%dma_start3A_165, %dma_start3A_166] : memref<2x112xi32, #tpu.memory_space<vmem>> -> memref<1x112xi32, #tpu.memory_space<vmem>>
    %dma_start3A_168 = tpu.memref_squeeze %dma_start3A_167 : memref<1x112xi32, #tpu.memory_space<vmem>> -> memref<112xi32, #tpu.memory_space<vmem>>
    %dma_start3A_169 = arith.constant 0 : i32
    %dma_start3A_170 = tpu.memref_slice %arg15[%dma_start3A_169] : memref<10240xf32, #tpu.memory_space<vmem_shared>> -> memref<10240xf32, #tpu.memory_space<vmem_shared>>
    tpu.enqueue_indirect_dma source(%arg12 : memref<112xf32, #tpu.memory_space<vmem>>) target(%dma_start3A_170 : memref<10240xf32, #tpu.memory_space<vmem_shared>>) offsets(%dma_start3A_168 : memref<112xi32, #tpu.memory_space<vmem>>) semaphore(%arg23 : memref<!tpu.dma_semaphore, #tpu.memory_space<semaphore_mem>>) {add = true}
    %dma_wait3A_171 = arith.constant 1 : i32
    %dma_wait3A_172 = arith.constant 0 : i32
    %dma_wait3A_173 = tpu.memref_slice %arg6[%dma_wait3A_171, %dma_wait3A_172] : memref<2x112xi32, #tpu.memory_space<vmem>> -> memref<1x112xi32, #tpu.memory_space<vmem>>
    %dma_wait3A_174 = tpu.memref_squeeze %dma_wait3A_173 : memref<1x112xi32, #tpu.memory_space<vmem>> -> memref<112xi32, #tpu.memory_space<vmem>>
    %dma_wait3A_175 = arith.constant 0 : i32
    %dma_wait3A_176 = arith.constant 0 : i32
    %dma_wait3A_177 = tpu.memref_slice %arg14[%dma_wait3A_175, %dma_wait3A_176] : memref<10240x128xf32, #tpu.memory_space<vmem_shared>> -> memref<10240x128xf32, #tpu.memory_space<vmem_shared>>
    tpu.wait_indirect_dma semaphore(%arg22 : memref<!tpu.dma_semaphore, #tpu.memory_space<semaphore_mem>>) src(%arg10 : memref<112x128xf32, #tpu.memory_space<vmem>>) dst(%dma_wait3A_177 : memref<10240x128xf32, #tpu.memory_space<vmem_shared>>)
    %dma_wait3A_178 = arith.constant 1 : i32
    %dma_wait3A_179 = arith.constant 0 : i32
    %dma_wait3A_180 = tpu.memref_slice %arg6[%dma_wait3A_178, %dma_wait3A_179] : memref<2x112xi32, #tpu.memory_space<vmem>> -> memref<1x112xi32, #tpu.memory_space<vmem>>
    %dma_wait3A_181 = tpu.memref_squeeze %dma_wait3A_180 : memref<1x112xi32, #tpu.memory_space<vmem>> -> memref<112xi32, #tpu.memory_space<vmem>>
    %dma_wait3A_182 = arith.constant 0 : i32
    %dma_wait3A_183 = tpu.memref_slice %arg15[%dma_wait3A_182] : memref<10240xf32, #tpu.memory_space<vmem_shared>> -> memref<10240xf32, #tpu.memory_space<vmem_shared>>
    tpu.wait_indirect_dma semaphore(%arg22 : memref<!tpu.dma_semaphore, #tpu.memory_space<semaphore_mem>>) src(%arg12 : memref<112xf32, #tpu.memory_space<vmem>>) dst(%dma_wait3A_183 : memref<10240xf32, #tpu.memory_space<vmem_shared>>)
    %dma_wait3A_184 = arith.constant 1 : i32
    %dma_wait3A_185 = arith.constant 0 : i32
    %dma_wait3A_186 = tpu.memref_slice %arg7[%dma_wait3A_184, %dma_wait3A_185] : memref<2x112xi32, #tpu.memory_space<vmem>> -> memref<1x112xi32, #tpu.memory_space<vmem>>
    %dma_wait3A_187 = tpu.memref_squeeze %dma_wait3A_186 : memref<1x112xi32, #tpu.memory_space<vmem>> -> memref<112xi32, #tpu.memory_space<vmem>>
    %dma_wait3A_188 = arith.constant 0 : i32
    %dma_wait3A_189 = arith.constant 0 : i32
    %dma_wait3A_190 = tpu.memref_slice %arg14[%dma_wait3A_188, %dma_wait3A_189] : memref<10240x128xf32, #tpu.memory_space<vmem_shared>> -> memref<10240x128xf32, #tpu.memory_space<vmem_shared>>
    tpu.wait_indirect_dma semaphore(%arg23 : memref<!tpu.dma_semaphore, #tpu.memory_space<semaphore_mem>>) src(%arg11 : memref<112x128xf32, #tpu.memory_space<vmem>>) dst(%dma_wait3A_190 : memref<10240x128xf32, #tpu.memory_space<vmem_shared>>)
    %dma_wait3A_191 = arith.constant 1 : i32
    %dma_wait3A_192 = arith.constant 0 : i32
    %dma_wait3A_193 = tpu.memref_slice %arg7[%dma_wait3A_191, %dma_wait3A_192] : memref<2x112xi32, #tpu.memory_space<vmem>> -> memref<1x112xi32, #tpu.memory_space<vmem>>
    %dma_wait3A_194 = tpu.memref_squeeze %dma_wait3A_193 : memref<1x112xi32, #tpu.memory_space<vmem>> -> memref<112xi32, #tpu.memory_space<vmem>>
    %dma_wait3A_195 = arith.constant 0 : i32
    %dma_wait3A_196 = tpu.memref_slice %arg15[%dma_wait3A_195] : memref<10240xf32, #tpu.memory_space<vmem_shared>> -> memref<10240xf32, #tpu.memory_space<vmem_shared>>
    tpu.wait_indirect_dma semaphore(%arg23 : memref<!tpu.dma_semaphore, #tpu.memory_space<semaphore_mem>>) src(%arg12 : memref<112xf32, #tpu.memory_space<vmem>>) dst(%dma_wait3A_196 : memref<10240xf32, #tpu.memory_space<vmem_shared>>)
    %barrier3A_197 = arith.constant 0 : index
    tpu.barrier barrier_id(%barrier3A_197)
    %mul3A_198 = arith.constant 640 : i32
    %mul3A_199 = arith.muli %arg1, %mul3A_198 : i32
    %mul3A_200 = arith.constant 640 : i32
    %mul3A_201 = arith.muli %arg1, %mul3A_200 : i32
    "tpu.region"() ({
      %run_scoped3A = tpu.sem_alloc : memref<!tpu.dma_semaphore, #tpu.memory_space<semaphore_mem>>
      %dma_start3A_206 = arith.constant 0 : i32
      %dma_start3A_207 = tpu.memref_slice %arg4[%arg0, %mul3A_201, %dma_start3A_206] : memref<2x10240x128xf32, #tpu.memory_space<hbm>> -> memref<1x640x128xf32, #tpu.memory_space<hbm>>
      %dma_start3A_208 = tpu.memref_squeeze %dma_start3A_207 : memref<1x640x128xf32, #tpu.memory_space<hbm>> -> memref<640x128xf32, #tpu.memory_space<hbm>>
      %dma_start3A_209 = arith.constant 0 : i32
      %dma_start3A_210 = tpu.memref_slice %arg14[%mul3A_199, %dma_start3A_209] : memref<10240x128xf32, #tpu.memory_space<vmem_shared>> -> memref<640x128xf32, #tpu.memory_space<vmem_shared>>
      tpu.enqueue_dma source(%dma_start3A_210 : memref<640x128xf32, #tpu.memory_space<vmem_shared>>) target(%dma_start3A_208 : memref<640x128xf32, #tpu.memory_space<hbm>>) target_semaphore(%run_scoped3A : memref<!tpu.dma_semaphore, #tpu.memory_space<semaphore_mem>>)
      %dma_wait3A_211 = arith.constant 0 : i32
      %dma_wait3A_212 = tpu.memref_slice %arg4[%arg0, %mul3A_201, %dma_wait3A_211] : memref<2x10240x128xf32, #tpu.memory_space<hbm>> -> memref<1x640x128xf32, #tpu.memory_space<hbm>>
      %dma_wait3A_213 = tpu.memref_squeeze %dma_wait3A_212 : memref<1x640x128xf32, #tpu.memory_space<hbm>> -> memref<640x128xf32, #tpu.memory_space<hbm>>
      %dma_wait3A_214 = arith.constant 0 : i32
      %dma_wait3A_215 = tpu.memref_slice %arg14[%mul3A_199, %dma_wait3A_214] : memref<10240x128xf32, #tpu.memory_space<vmem_shared>> -> memref<640x128xf32, #tpu.memory_space<vmem_shared>>
      tpu.wait_dma2 semaphore(%run_scoped3A : memref<!tpu.dma_semaphore, #tpu.memory_space<semaphore_mem>>) src(%dma_wait3A_215 : memref<640x128xf32, #tpu.memory_space<vmem_shared>>) dst(%dma_wait3A_213 : memref<640x128xf32, #tpu.memory_space<hbm>>)
      tpu.yield
    }) : () -> ()
    %mul3A_202 = arith.constant 640 : i32
    %mul3A_203 = arith.muli %arg1, %mul3A_202 : i32
    %mul3A_204 = arith.constant 640 : i32
    %mul3A_205 = arith.muli %arg1, %mul3A_204 : i32
    "tpu.region"() ({
      %run_scoped3A = tpu.sem_alloc : memref<!tpu.dma_semaphore, #tpu.memory_space<semaphore_mem>>
      %dma_start3A_206 = tpu.memref_slice %arg5[%arg0, %mul3A_205] : memref<2x10240xf32, #tpu.memory_space<hbm>> -> memref<1x640xf32, #tpu.memory_space<hbm>>
      %dma_start3A_207 = tpu.memref_squeeze %dma_start3A_206 : memref<1x640xf32, #tpu.memory_space<hbm>> -> memref<640xf32, #tpu.memory_space<hbm>>
      %dma_start3A_208 = tpu.memref_slice %arg15[%mul3A_203] : memref<10240xf32, #tpu.memory_space<vmem_shared>> -> memref<640xf32, #tpu.memory_space<vmem_shared>>
      tpu.enqueue_dma source(%dma_start3A_208 : memref<640xf32, #tpu.memory_space<vmem_shared>>) target(%dma_start3A_207 : memref<640xf32, #tpu.memory_space<hbm>>) target_semaphore(%run_scoped3A : memref<!tpu.dma_semaphore, #tpu.memory_space<semaphore_mem>>)
      %dma_wait3A_209 = tpu.memref_slice %arg5[%arg0, %mul3A_205] : memref<2x10240xf32, #tpu.memory_space<hbm>> -> memref<1x640xf32, #tpu.memory_space<hbm>>
      %dma_wait3A_210 = tpu.memref_squeeze %dma_wait3A_209 : memref<1x640xf32, #tpu.memory_space<hbm>> -> memref<640xf32, #tpu.memory_space<hbm>>
      %dma_wait3A_211 = tpu.memref_slice %arg15[%mul3A_203] : memref<10240xf32, #tpu.memory_space<vmem_shared>> -> memref<640xf32, #tpu.memory_space<vmem_shared>>
      tpu.wait_dma2 semaphore(%run_scoped3A : memref<!tpu.dma_semaphore, #tpu.memory_space<semaphore_mem>>) src(%dma_wait3A_211 : memref<640xf32, #tpu.memory_space<vmem_shared>>) dst(%dma_wait3A_210 : memref<640xf32, #tpu.memory_space<hbm>>)
      tpu.yield
    }) : () -> ()
    return
  }
}

#map = affine_map<(d0, d1) -> (0, 0)>
#map1 = affine_map<(d0, d1) -> (0, 0, 0, 0)>
#map2 = affine_map<(d0, d1) -> (0, 0, 0)>
module attributes {stable_mosaic.version = 14 : i64} {
  func.func @_sc_agg_body(%arg0: i32, %arg1: i32, %arg2: memref<10000x128xf32, #tpu.memory_space<hbm>>, %arg3: memref<32x90x2x112xi32, #tpu.memory_space<hbm>>, %arg4: memref<2x10240x128xf32, #tpu.memory_space<hbm>>, %arg5: memref<2x112xi32, #tpu.memory_space<vmem>>, %arg6: memref<2x112xi32, #tpu.memory_space<vmem>>, %arg7: memref<2x112xi32, #tpu.memory_space<vmem>>, %arg8: memref<2x112xi32, #tpu.memory_space<vmem>>, %arg9: memref<112x128xf32, #tpu.memory_space<vmem>>, %arg10: memref<112x128xf32, #tpu.memory_space<vmem>>, %arg11: memref<112xf32, #tpu.memory_space<vmem>>, %arg12: memref<640xf32, #tpu.memory_space<vmem>>, %arg13: memref<10240x128xf32, #tpu.memory_space<vmem_shared>>, %arg14: memref<10240xf32, #tpu.memory_space<vmem_shared>>, %arg15: memref<!tpu.dma_semaphore, #tpu.memory_space<semaphore_mem>>, %arg16: memref<!tpu.dma_semaphore, #tpu.memory_space<semaphore_mem>>, %arg17: memref<!tpu.dma_semaphore, #tpu.memory_space<semaphore_mem>>, %arg18: memref<!tpu.dma_semaphore, #tpu.memory_space<semaphore_mem>>, %arg19: memref<!tpu.dma_semaphore, #tpu.memory_space<semaphore_mem>>, %arg20: memref<!tpu.dma_semaphore, #tpu.memory_space<semaphore_mem>>, %arg21: memref<!tpu.dma_semaphore, #tpu.memory_space<semaphore_mem>>, %arg22: memref<!tpu.dma_semaphore, #tpu.memory_space<semaphore_mem>>) attributes {dimension_semantics = [#tpu.dimension_semantics<core_parallel>, #tpu.dimension_semantics<subcore_parallel>], iteration_bounds = array<i64: 2, 16>, scalar_prefetch = 0 : i64, scratch_operands = 18 : i64, tpu.core_type = #tpu.core_type<sc_vector_subcore>, window_params = [{transform_indices = #map}, {transform_indices = #map1}, {transform_indices = #map2}]} {
    %mul3A = arith.constant 16 : i32
    %mul3A_0 = arith.muli %arg0, %mul3A : i32
    %add3A = arith.addi %mul3A_0, %arg1 : i32
    %broadcast_in_dim3A = arith.constant 0.000000e+00 : f32
    %broadcast_in_dim3A_1 = vector.broadcast %broadcast_in_dim3A : f32 to vector<16xf32>
    %dma_start3A = arith.constant 0 : i32
    %dma_start3A_2 = arith.constant 0 : i32
    %dma_start3A_3 = arith.constant 0 : i32
    %dma_start3A_4 = tpu.memref_slice %arg3[%add3A, %dma_start3A, %dma_start3A_2, %dma_start3A_3] : memref<32x90x2x112xi32, #tpu.memory_space<hbm>> -> memref<1x1x2x112xi32, #tpu.memory_space<hbm>>
    %dma_start3A_5 = tpu.memref_squeeze %dma_start3A_4 : memref<1x1x2x112xi32, #tpu.memory_space<hbm>> -> memref<2x112xi32, #tpu.memory_space<hbm>>
    %dma_start3A_6 = arith.constant 0 : i32
    %dma_start3A_7 = arith.constant 0 : i32
    %dma_start3A_8 = tpu.memref_slice %arg3[%add3A, %dma_start3A, %dma_start3A_6, %dma_start3A_7] : memref<32x90x2x112xi32, #tpu.memory_space<hbm>> -> memref<1x1x2x112xi32, #tpu.memory_space<hbm>>
    %dma_start3A_9 = tpu.memref_squeeze %dma_start3A_8 : memref<1x1x2x112xi32, #tpu.memory_space<hbm>> -> memref<2x112xi32, #tpu.memory_space<hbm>>
    tpu.enqueue_dma source(%dma_start3A_9 : memref<2x112xi32, #tpu.memory_space<hbm>>) target(%arg5 : memref<2x112xi32, #tpu.memory_space<vmem>>) target_semaphore(%arg15 : memref<!tpu.dma_semaphore, #tpu.memory_space<semaphore_mem>>)
    %dma_start3A_10 = arith.constant 1 : i32
    %dma_start3A_11 = arith.constant 0 : i32
    %dma_start3A_12 = arith.constant 0 : i32
    %dma_start3A_13 = tpu.memref_slice %arg3[%add3A, %dma_start3A_10, %dma_start3A_11, %dma_start3A_12] : memref<32x90x2x112xi32, #tpu.memory_space<hbm>> -> memref<1x1x2x112xi32, #tpu.memory_space<hbm>>
    %dma_start3A_14 = tpu.memref_squeeze %dma_start3A_13 : memref<1x1x2x112xi32, #tpu.memory_space<hbm>> -> memref<2x112xi32, #tpu.memory_space<hbm>>
    %dma_start3A_15 = arith.constant 0 : i32
    %dma_start3A_16 = arith.constant 0 : i32
    %dma_start3A_17 = tpu.memref_slice %arg3[%add3A, %dma_start3A_10, %dma_start3A_15, %dma_start3A_16] : memref<32x90x2x112xi32, #tpu.memory_space<hbm>> -> memref<1x1x2x112xi32, #tpu.memory_space<hbm>>
    %dma_start3A_18 = tpu.memref_squeeze %dma_start3A_17 : memref<1x1x2x112xi32, #tpu.memory_space<hbm>> -> memref<2x112xi32, #tpu.memory_space<hbm>>
    tpu.enqueue_dma source(%dma_start3A_18 : memref<2x112xi32, #tpu.memory_space<hbm>>) target(%arg6 : memref<2x112xi32, #tpu.memory_space<vmem>>) target_semaphore(%arg16 : memref<!tpu.dma_semaphore, #tpu.memory_space<semaphore_mem>>)
    %dma_start3A_19 = arith.constant 2 : i32
    %dma_start3A_20 = arith.constant 0 : i32
    %dma_start3A_21 = arith.constant 0 : i32
    %dma_start3A_22 = tpu.memref_slice %arg3[%add3A, %dma_start3A_19, %dma_start3A_20, %dma_start3A_21] : memref<32x90x2x112xi32, #tpu.memory_space<hbm>> -> memref<1x1x2x112xi32, #tpu.memory_space<hbm>>
    %dma_start3A_23 = tpu.memref_squeeze %dma_start3A_22 : memref<1x1x2x112xi32, #tpu.memory_space<hbm>> -> memref<2x112xi32, #tpu.memory_space<hbm>>
    %dma_start3A_24 = arith.constant 0 : i32
    %dma_start3A_25 = arith.constant 0 : i32
    %dma_start3A_26 = tpu.memref_slice %arg3[%add3A, %dma_start3A_19, %dma_start3A_24, %dma_start3A_25] : memref<32x90x2x112xi32, #tpu.memory_space<hbm>> -> memref<1x1x2x112xi32, #tpu.memory_space<hbm>>
    %dma_start3A_27 = tpu.memref_squeeze %dma_start3A_26 : memref<1x1x2x112xi32, #tpu.memory_space<hbm>> -> memref<2x112xi32, #tpu.memory_space<hbm>>
    tpu.enqueue_dma source(%dma_start3A_27 : memref<2x112xi32, #tpu.memory_space<hbm>>) target(%arg7 : memref<2x112xi32, #tpu.memory_space<vmem>>) target_semaphore(%arg17 : memref<!tpu.dma_semaphore, #tpu.memory_space<semaphore_mem>>)
    %scan3A = arith.constant 0 : i32
    %scan3A_28 = arith.constant 112 : i32
    %scan3A_29 = arith.addi %scan3A, %scan3A_28 : i32
    %scan3A_30 = arith.constant 1 : i32
    scf.for %scan3A_136 = %scan3A to %scan3A_29 step %scan3A_30  : i32 {
      %swap3A = arith.index_cast %scan3A_136 : i32 to index
      %swap3A_137 = arith.constant 0 : index
      %swap3A_138 = tpu.vector_load %arg10[%swap3A, %swap3A_137] {strides = array<i32>} : memref<112x128xf32, #tpu.memory_space<vmem>>, vector<1x16xf32>,
      %swap3A_139 = vector.shape_cast %swap3A_138 : vector<1x16xf32> to vector<16xf32>
      %swap3A_140 = vector.shape_cast %broadcast_in_dim3A_1 : vector<16xf32> to vector<1x16xf32>
      tpu.vector_store %arg10[%swap3A, %swap3A_137], %swap3A_140 {strides = array<i32>} : memref<112x128xf32, #tpu.memory_space<vmem>>, vector<1x16xf32>,
      %swap3A_141 = arith.index_cast %scan3A_136 : i32 to index
      %swap3A_142 = arith.constant 16 : index
      %swap3A_143 = tpu.vector_load %arg10[%swap3A_141, %swap3A_142] {strides = array<i32>} : memref<112x128xf32, #tpu.memory_space<vmem>>, vector<1x16xf32>,
      %swap3A_144 = vector.shape_cast %swap3A_143 : vector<1x16xf32> to vector<16xf32>
      %swap3A_145 = vector.shape_cast %broadcast_in_dim3A_1 : vector<16xf32> to vector<1x16xf32>
      tpu.vector_store %arg10[%swap3A_141, %swap3A_142], %swap3A_145 {strides = array<i32>} : memref<112x128xf32, #tpu.memory_space<vmem>>, vector<1x16xf32>,
      %swap3A_146 = arith.index_cast %scan3A_136 : i32 to index
      %swap3A_147 = arith.constant 32 : index
      %swap3A_148 = tpu.vector_load %arg10[%swap3A_146, %swap3A_147] {strides = array<i32>} : memref<112x128xf32, #tpu.memory_space<vmem>>, vector<1x16xf32>,
      %swap3A_149 = vector.shape_cast %swap3A_148 : vector<1x16xf32> to vector<16xf32>
      %swap3A_150 = vector.shape_cast %broadcast_in_dim3A_1 : vector<16xf32> to vector<1x16xf32>
      tpu.vector_store %arg10[%swap3A_146, %swap3A_147], %swap3A_150 {strides = array<i32>} : memref<112x128xf32, #tpu.memory_space<vmem>>, vector<1x16xf32>,
      %swap3A_151 = arith.index_cast %scan3A_136 : i32 to index
      %swap3A_152 = arith.constant 48 : index
      %swap3A_153 = tpu.vector_load %arg10[%swap3A_151, %swap3A_152] {strides = array<i32>} : memref<112x128xf32, #tpu.memory_space<vmem>>, vector<1x16xf32>,
      %swap3A_154 = vector.shape_cast %swap3A_153 : vector<1x16xf32> to vector<16xf32>
      %swap3A_155 = vector.shape_cast %broadcast_in_dim3A_1 : vector<16xf32> to vector<1x16xf32>
      tpu.vector_store %arg10[%swap3A_151, %swap3A_152], %swap3A_155 {strides = array<i32>} : memref<112x128xf32, #tpu.memory_space<vmem>>, vector<1x16xf32>,
      %swap3A_156 = arith.index_cast %scan3A_136 : i32 to index
      %swap3A_157 = arith.constant 64 : index
      %swap3A_158 = tpu.vector_load %arg10[%swap3A_156, %swap3A_157] {strides = array<i32>} : memref<112x128xf32, #tpu.memory_space<vmem>>, vector<1x16xf32>,
      %swap3A_159 = vector.shape_cast %swap3A_158 : vector<1x16xf32> to vector<16xf32>
      %swap3A_160 = vector.shape_cast %broadcast_in_dim3A_1 : vector<16xf32> to vector<1x16xf32>
      tpu.vector_store %arg10[%swap3A_156, %swap3A_157], %swap3A_160 {strides = array<i32>} : memref<112x128xf32, #tpu.memory_space<vmem>>, vector<1x16xf32>,
      %swap3A_161 = arith.index_cast %scan3A_136 : i32 to index
      %swap3A_162 = arith.constant 80 : index
      %swap3A_163 = tpu.vector_load %arg10[%swap3A_161, %swap3A_162] {strides = array<i32>} : memref<112x128xf32, #tpu.memory_space<vmem>>, vector<1x16xf32>,
      %swap3A_164 = vector.shape_cast %swap3A_163 : vector<1x16xf32> to vector<16xf32>
      %swap3A_165 = vector.shape_cast %broadcast_in_dim3A_1 : vector<16xf32> to vector<1x16xf32>
      tpu.vector_store %arg10[%swap3A_161, %swap3A_162], %swap3A_165 {strides = array<i32>} : memref<112x128xf32, #tpu.memory_space<vmem>>, vector<1x16xf32>,
      %swap3A_166 = arith.index_cast %scan3A_136 : i32 to index
      %swap3A_167 = arith.constant 96 : index
      %swap3A_168 = tpu.vector_load %arg10[%swap3A_166, %swap3A_167] {strides = array<i32>} : memref<112x128xf32, #tpu.memory_space<vmem>>, vector<1x16xf32>,
      %swap3A_169 = vector.shape_cast %swap3A_168 : vector<1x16xf32> to vector<16xf32>
      %swap3A_170 = vector.shape_cast %broadcast_in_dim3A_1 : vector<16xf32> to vector<1x16xf32>
      tpu.vector_store %arg10[%swap3A_166, %swap3A_167], %swap3A_170 {strides = array<i32>} : memref<112x128xf32, #tpu.memory_space<vmem>>, vector<1x16xf32>,
      %swap3A_171 = arith.index_cast %scan3A_136 : i32 to index
      %swap3A_172 = arith.constant 112 : index
      %swap3A_173 = tpu.vector_load %arg10[%swap3A_171, %swap3A_172] {strides = array<i32>} : memref<112x128xf32, #tpu.memory_space<vmem>>, vector<1x16xf32>,
      %swap3A_174 = vector.shape_cast %swap3A_173 : vector<1x16xf32> to vector<16xf32>
      %swap3A_175 = vector.shape_cast %broadcast_in_dim3A_1 : vector<16xf32> to vector<1x16xf32>
      tpu.vector_store %arg10[%swap3A_171, %swap3A_172], %swap3A_175 {strides = array<i32>} : memref<112x128xf32, #tpu.memory_space<vmem>>, vector<1x16xf32>,
    }
    %scan3A_31 = arith.constant 112 : i32
    %mul3A_32 = arith.constant 640 : i32
    %mul3A_33 = arith.muli %arg1, %mul3A_32 : i32
    %add3A_34 = arith.constant 0 : i32
    %add3A_35 = arith.addi %mul3A_33, %add3A_34 : i32
    "tpu.region"() ({
      %run_scoped3A = tpu.sem_alloc : memref<!tpu.dma_semaphore, #tpu.memory_space<semaphore_mem>>
      %dma_start3A_136 = arith.constant 0 : i32
      %dma_start3A_137 = arith.constant 0 : i32
      %dma_start3A_138 = tpu.memref_slice %arg10[%dma_start3A_136, %dma_start3A_137] : memref<112x128xf32, #tpu.memory_space<vmem>> -> memref<112x128xf32, #tpu.memory_space<vmem>>
      %dma_start3A_139 = arith.constant 0 : i32
      %dma_start3A_140 = tpu.memref_slice %arg13[%add3A_35, %dma_start3A_139] : memref<10240x128xf32, #tpu.memory_space<vmem_shared>> -> memref<112x128xf32, #tpu.memory_space<vmem_shared>>
      %dma_start3A_141 = arith.constant 0 : i32
      %dma_start3A_142 = tpu.memref_slice %arg13[%add3A_35, %dma_start3A_141] : memref<10240x128xf32, #tpu.memory_space<vmem_shared>> -> memref<112x128xf32, #tpu.memory_space<vmem_shared>>
      %dma_start3A_143 = arith.constant 0 : i32
      %dma_start3A_144 = arith.constant 0 : i32
      %dma_start3A_145 = tpu.memref_slice %arg10[%dma_start3A_143, %dma_start3A_144] : memref<112x128xf32, #tpu.memory_space<vmem>> -> memref<112x128xf32, #tpu.memory_space<vmem>>
      tpu.enqueue_dma source(%dma_start3A_145 : memref<112x128xf32, #tpu.memory_space<vmem>>) target(%dma_start3A_142 : memref<112x128xf32, #tpu.memory_space<vmem_shared>>) target_semaphore(%run_scoped3A : memref<!tpu.dma_semaphore, #tpu.memory_space<semaphore_mem>>)
      %dma_wait3A_146 = arith.constant 0 : i32
      %dma_wait3A_147 = arith.constant 0 : i32
      %dma_wait3A_148 = tpu.memref_slice %arg10[%dma_wait3A_146, %dma_wait3A_147] : memref<112x128xf32, #tpu.memory_space<vmem>> -> memref<112x128xf32, #tpu.memory_space<vmem>>
      %dma_wait3A_149 = arith.constant 0 : i32
      %dma_wait3A_150 = tpu.memref_slice %arg13[%add3A_35, %dma_wait3A_149] : memref<10240x128xf32, #tpu.memory_space<vmem_shared>> -> memref<112x128xf32, #tpu.memory_space<vmem_shared>>
      %dma_wait3A_151 = arith.constant 0 : i32
      %dma_wait3A_152 = tpu.memref_slice %arg13[%add3A_35, %dma_wait3A_151] : memref<10240x128xf32, #tpu.memory_space<vmem_shared>> -> memref<112x128xf32, #tpu.memory_space<vmem_shared>>
      %dma_wait3A_153 = arith.constant 0 : i32
      %dma_wait3A_154 = arith.constant 0 : i32
      %dma_wait3A_155 = tpu.memref_slice %arg10[%dma_wait3A_153, %dma_wait3A_154] : memref<112x128xf32, #tpu.memory_space<vmem>> -> memref<112x128xf32, #tpu.memory_space<vmem>>
      tpu.wait_dma2 semaphore(%run_scoped3A : memref<!tpu.dma_semaphore, #tpu.memory_space<semaphore_mem>>) src(%dma_wait3A_155 : memref<112x128xf32, #tpu.memory_space<vmem>>) dst(%dma_wait3A_152 : memref<112x128xf32, #tpu.memory_space<vmem_shared>>)
      tpu.yield
    }) : () -> ()
    %add3A_36 = arith.constant 112 : i32
    %add3A_37 = arith.addi %mul3A_33, %add3A_36 : i32
    "tpu.region"() ({
      %run_scoped3A = tpu.sem_alloc : memref<!tpu.dma_semaphore, #tpu.memory_space<semaphore_mem>>
      %dma_start3A_136 = arith.constant 0 : i32
      %dma_start3A_137 = arith.constant 0 : i32
      %dma_start3A_138 = tpu.memref_slice %arg10[%dma_start3A_136, %dma_start3A_137] : memref<112x128xf32, #tpu.memory_space<vmem>> -> memref<112x128xf32, #tpu.memory_space<vmem>>
      %dma_start3A_139 = arith.constant 0 : i32
      %dma_start3A_140 = tpu.memref_slice %arg13[%add3A_37, %dma_start3A_139] : memref<10240x128xf32, #tpu.memory_space<vmem_shared>> -> memref<112x128xf32, #tpu.memory_space<vmem_shared>>
      %dma_start3A_141 = arith.constant 0 : i32
      %dma_start3A_142 = tpu.memref_slice %arg13[%add3A_37, %dma_start3A_141] : memref<10240x128xf32, #tpu.memory_space<vmem_shared>> -> memref<112x128xf32, #tpu.memory_space<vmem_shared>>
      %dma_start3A_143 = arith.constant 0 : i32
      %dma_start3A_144 = arith.constant 0 : i32
      %dma_start3A_145 = tpu.memref_slice %arg10[%dma_start3A_143, %dma_start3A_144] : memref<112x128xf32, #tpu.memory_space<vmem>> -> memref<112x128xf32, #tpu.memory_space<vmem>>
      tpu.enqueue_dma source(%dma_start3A_145 : memref<112x128xf32, #tpu.memory_space<vmem>>) target(%dma_start3A_142 : memref<112x128xf32, #tpu.memory_space<vmem_shared>>) target_semaphore(%run_scoped3A : memref<!tpu.dma_semaphore, #tpu.memory_space<semaphore_mem>>)
      %dma_wait3A_146 = arith.constant 0 : i32
      %dma_wait3A_147 = arith.constant 0 : i32
      %dma_wait3A_148 = tpu.memref_slice %arg10[%dma_wait3A_146, %dma_wait3A_147] : memref<112x128xf32, #tpu.memory_space<vmem>> -> memref<112x128xf32, #tpu.memory_space<vmem>>
      %dma_wait3A_149 = arith.constant 0 : i32
      %dma_wait3A_150 = tpu.memref_slice %arg13[%add3A_37, %dma_wait3A_149] : memref<10240x128xf32, #tpu.memory_space<vmem_shared>> -> memref<112x128xf32, #tpu.memory_space<vmem_shared>>
      %dma_wait3A_151 = arith.constant 0 : i32
      %dma_wait3A_152 = tpu.memref_slice %arg13[%add3A_37, %dma_wait3A_151] : memref<10240x128xf32, #tpu.memory_space<vmem_shared>> -> memref<112x128xf32, #tpu.memory_space<vmem_shared>>
      %dma_wait3A_153 = arith.constant 0 : i32
      %dma_wait3A_154 = arith.constant 0 : i32
      %dma_wait3A_155 = tpu.memref_slice %arg10[%dma_wait3A_153, %dma_wait3A_154] : memref<112x128xf32, #tpu.memory_space<vmem>> -> memref<112x128xf32, #tpu.memory_space<vmem>>
      tpu.wait_dma2 semaphore(%run_scoped3A : memref<!tpu.dma_semaphore, #tpu.memory_space<semaphore_mem>>) src(%dma_wait3A_155 : memref<112x128xf32, #tpu.memory_space<vmem>>) dst(%dma_wait3A_152 : memref<112x128xf32, #tpu.memory_space<vmem_shared>>)
      tpu.yield
    }) : () -> ()
    %add3A_38 = arith.constant 224 : i32
    %add3A_39 = arith.addi %mul3A_33, %add3A_38 : i32
    "tpu.region"() ({
      %run_scoped3A = tpu.sem_alloc : memref<!tpu.dma_semaphore, #tpu.memory_space<semaphore_mem>>
      %dma_start3A_136 = arith.constant 0 : i32
      %dma_start3A_137 = arith.constant 0 : i32
      %dma_start3A_138 = tpu.memref_slice %arg10[%dma_start3A_136, %dma_start3A_137] : memref<112x128xf32, #tpu.memory_space<vmem>> -> memref<112x128xf32, #tpu.memory_space<vmem>>
      %dma_start3A_139 = arith.constant 0 : i32
      %dma_start3A_140 = tpu.memref_slice %arg13[%add3A_39, %dma_start3A_139] : memref<10240x128xf32, #tpu.memory_space<vmem_shared>> -> memref<112x128xf32, #tpu.memory_space<vmem_shared>>
      %dma_start3A_141 = arith.constant 0 : i32
      %dma_start3A_142 = tpu.memref_slice %arg13[%add3A_39, %dma_start3A_141] : memref<10240x128xf32, #tpu.memory_space<vmem_shared>> -> memref<112x128xf32, #tpu.memory_space<vmem_shared>>
      %dma_start3A_143 = arith.constant 0 : i32
      %dma_start3A_144 = arith.constant 0 : i32
      %dma_start3A_145 = tpu.memref_slice %arg10[%dma_start3A_143, %dma_start3A_144] : memref<112x128xf32, #tpu.memory_space<vmem>> -> memref<112x128xf32, #tpu.memory_space<vmem>>
      tpu.enqueue_dma source(%dma_start3A_145 : memref<112x128xf32, #tpu.memory_space<vmem>>) target(%dma_start3A_142 : memref<112x128xf32, #tpu.memory_space<vmem_shared>>) target_semaphore(%run_scoped3A : memref<!tpu.dma_semaphore, #tpu.memory_space<semaphore_mem>>)
      %dma_wait3A_146 = arith.constant 0 : i32
      %dma_wait3A_147 = arith.constant 0 : i32
      %dma_wait3A_148 = tpu.memref_slice %arg10[%dma_wait3A_146, %dma_wait3A_147] : memref<112x128xf32, #tpu.memory_space<vmem>> -> memref<112x128xf32, #tpu.memory_space<vmem>>
      %dma_wait3A_149 = arith.constant 0 : i32
      %dma_wait3A_150 = tpu.memref_slice %arg13[%add3A_39, %dma_wait3A_149] : memref<10240x128xf32, #tpu.memory_space<vmem_shared>> -> memref<112x128xf32, #tpu.memory_space<vmem_shared>>
      %dma_wait3A_151 = arith.constant 0 : i32
      %dma_wait3A_152 = tpu.memref_slice %arg13[%add3A_39, %dma_wait3A_151] : memref<10240x128xf32, #tpu.memory_space<vmem_shared>> -> memref<112x128xf32, #tpu.memory_space<vmem_shared>>
      %dma_wait3A_153 = arith.constant 0 : i32
      %dma_wait3A_154 = arith.constant 0 : i32
      %dma_wait3A_155 = tpu.memref_slice %arg10[%dma_wait3A_153, %dma_wait3A_154] : memref<112x128xf32, #tpu.memory_space<vmem>> -> memref<112x128xf32, #tpu.memory_space<vmem>>
      tpu.wait_dma2 semaphore(%run_scoped3A : memref<!tpu.dma_semaphore, #tpu.memory_space<semaphore_mem>>) src(%dma_wait3A_155 : memref<112x128xf32, #tpu.memory_space<vmem>>) dst(%dma_wait3A_152 : memref<112x128xf32, #tpu.memory_space<vmem_shared>>)
      tpu.yield
    }) : () -> ()
    %add3A_40 = arith.constant 336 : i32
    %add3A_41 = arith.addi %mul3A_33, %add3A_40 : i32
    "tpu.region"() ({
      %run_scoped3A = tpu.sem_alloc : memref<!tpu.dma_semaphore, #tpu.memory_space<semaphore_mem>>
      %dma_start3A_136 = arith.constant 0 : i32
      %dma_start3A_137 = arith.constant 0 : i32
      %dma_start3A_138 = tpu.memref_slice %arg10[%dma_start3A_136, %dma_start3A_137] : memref<112x128xf32, #tpu.memory_space<vmem>> -> memref<112x128xf32, #tpu.memory_space<vmem>>
      %dma_start3A_139 = arith.constant 0 : i32
      %dma_start3A_140 = tpu.memref_slice %arg13[%add3A_41, %dma_start3A_139] : memref<10240x128xf32, #tpu.memory_space<vmem_shared>> -> memref<112x128xf32, #tpu.memory_space<vmem_shared>>
      %dma_start3A_141 = arith.constant 0 : i32
      %dma_start3A_142 = tpu.memref_slice %arg13[%add3A_41, %dma_start3A_141] : memref<10240x128xf32, #tpu.memory_space<vmem_shared>> -> memref<112x128xf32, #tpu.memory_space<vmem_shared>>
      %dma_start3A_143 = arith.constant 0 : i32
      %dma_start3A_144 = arith.constant 0 : i32
      %dma_start3A_145 = tpu.memref_slice %arg10[%dma_start3A_143, %dma_start3A_144] : memref<112x128xf32, #tpu.memory_space<vmem>> -> memref<112x128xf32, #tpu.memory_space<vmem>>
      tpu.enqueue_dma source(%dma_start3A_145 : memref<112x128xf32, #tpu.memory_space<vmem>>) target(%dma_start3A_142 : memref<112x128xf32, #tpu.memory_space<vmem_shared>>) target_semaphore(%run_scoped3A : memref<!tpu.dma_semaphore, #tpu.memory_space<semaphore_mem>>)
      %dma_wait3A_146 = arith.constant 0 : i32
      %dma_wait3A_147 = arith.constant 0 : i32
      %dma_wait3A_148 = tpu.memref_slice %arg10[%dma_wait3A_146, %dma_wait3A_147] : memref<112x128xf32, #tpu.memory_space<vmem>> -> memref<112x128xf32, #tpu.memory_space<vmem>>
      %dma_wait3A_149 = arith.constant 0 : i32
      %dma_wait3A_150 = tpu.memref_slice %arg13[%add3A_41, %dma_wait3A_149] : memref<10240x128xf32, #tpu.memory_space<vmem_shared>> -> memref<112x128xf32, #tpu.memory_space<vmem_shared>>
      %dma_wait3A_151 = arith.constant 0 : i32
      %dma_wait3A_152 = tpu.memref_slice %arg13[%add3A_41, %dma_wait3A_151] : memref<10240x128xf32, #tpu.memory_space<vmem_shared>> -> memref<112x128xf32, #tpu.memory_space<vmem_shared>>
      %dma_wait3A_153 = arith.constant 0 : i32
      %dma_wait3A_154 = arith.constant 0 : i32
      %dma_wait3A_155 = tpu.memref_slice %arg10[%dma_wait3A_153, %dma_wait3A_154] : memref<112x128xf32, #tpu.memory_space<vmem>> -> memref<112x128xf32, #tpu.memory_space<vmem>>
      tpu.wait_dma2 semaphore(%run_scoped3A : memref<!tpu.dma_semaphore, #tpu.memory_space<semaphore_mem>>) src(%dma_wait3A_155 : memref<112x128xf32, #tpu.memory_space<vmem>>) dst(%dma_wait3A_152 : memref<112x128xf32, #tpu.memory_space<vmem_shared>>)
      tpu.yield
    }) : () -> ()
    %add3A_42 = arith.constant 448 : i32
    %add3A_43 = arith.addi %mul3A_33, %add3A_42 : i32
    "tpu.region"() ({
      %run_scoped3A = tpu.sem_alloc : memref<!tpu.dma_semaphore, #tpu.memory_space<semaphore_mem>>
      %dma_start3A_136 = arith.constant 0 : i32
      %dma_start3A_137 = arith.constant 0 : i32
      %dma_start3A_138 = tpu.memref_slice %arg10[%dma_start3A_136, %dma_start3A_137] : memref<112x128xf32, #tpu.memory_space<vmem>> -> memref<112x128xf32, #tpu.memory_space<vmem>>
      %dma_start3A_139 = arith.constant 0 : i32
      %dma_start3A_140 = tpu.memref_slice %arg13[%add3A_43, %dma_start3A_139] : memref<10240x128xf32, #tpu.memory_space<vmem_shared>> -> memref<112x128xf32, #tpu.memory_space<vmem_shared>>
      %dma_start3A_141 = arith.constant 0 : i32
      %dma_start3A_142 = tpu.memref_slice %arg13[%add3A_43, %dma_start3A_141] : memref<10240x128xf32, #tpu.memory_space<vmem_shared>> -> memref<112x128xf32, #tpu.memory_space<vmem_shared>>
      %dma_start3A_143 = arith.constant 0 : i32
      %dma_start3A_144 = arith.constant 0 : i32
      %dma_start3A_145 = tpu.memref_slice %arg10[%dma_start3A_143, %dma_start3A_144] : memref<112x128xf32, #tpu.memory_space<vmem>> -> memref<112x128xf32, #tpu.memory_space<vmem>>
      tpu.enqueue_dma source(%dma_start3A_145 : memref<112x128xf32, #tpu.memory_space<vmem>>) target(%dma_start3A_142 : memref<112x128xf32, #tpu.memory_space<vmem_shared>>) target_semaphore(%run_scoped3A : memref<!tpu.dma_semaphore, #tpu.memory_space<semaphore_mem>>)
      %dma_wait3A_146 = arith.constant 0 : i32
      %dma_wait3A_147 = arith.constant 0 : i32
      %dma_wait3A_148 = tpu.memref_slice %arg10[%dma_wait3A_146, %dma_wait3A_147] : memref<112x128xf32, #tpu.memory_space<vmem>> -> memref<112x128xf32, #tpu.memory_space<vmem>>
      %dma_wait3A_149 = arith.constant 0 : i32
      %dma_wait3A_150 = tpu.memref_slice %arg13[%add3A_43, %dma_wait3A_149] : memref<10240x128xf32, #tpu.memory_space<vmem_shared>> -> memref<112x128xf32, #tpu.memory_space<vmem_shared>>
      %dma_wait3A_151 = arith.constant 0 : i32
      %dma_wait3A_152 = tpu.memref_slice %arg13[%add3A_43, %dma_wait3A_151] : memref<10240x128xf32, #tpu.memory_space<vmem_shared>> -> memref<112x128xf32, #tpu.memory_space<vmem_shared>>
      %dma_wait3A_153 = arith.constant 0 : i32
      %dma_wait3A_154 = arith.constant 0 : i32
      %dma_wait3A_155 = tpu.memref_slice %arg10[%dma_wait3A_153, %dma_wait3A_154] : memref<112x128xf32, #tpu.memory_space<vmem>> -> memref<112x128xf32, #tpu.memory_space<vmem>>
      tpu.wait_dma2 semaphore(%run_scoped3A : memref<!tpu.dma_semaphore, #tpu.memory_space<semaphore_mem>>) src(%dma_wait3A_155 : memref<112x128xf32, #tpu.memory_space<vmem>>) dst(%dma_wait3A_152 : memref<112x128xf32, #tpu.memory_space<vmem_shared>>)
      tpu.yield
    }) : () -> ()
    %add3A_44 = arith.constant 560 : i32
    %add3A_45 = arith.addi %mul3A_33, %add3A_44 : i32
    "tpu.region"() ({
      %run_scoped3A = tpu.sem_alloc : memref<!tpu.dma_semaphore, #tpu.memory_space<semaphore_mem>>
      %dma_start3A_136 = arith.constant 0 : i32
      %dma_start3A_137 = arith.constant 0 : i32
      %dma_start3A_138 = tpu.memref_slice %arg10[%dma_start3A_136, %dma_start3A_137] : memref<112x128xf32, #tpu.memory_space<vmem>> -> memref<80x128xf32, #tpu.memory_space<vmem>>
      %dma_start3A_139 = arith.constant 0 : i32
      %dma_start3A_140 = tpu.memref_slice %arg13[%add3A_45, %dma_start3A_139] : memref<10240x128xf32, #tpu.memory_space<vmem_shared>> -> memref<80x128xf32, #tpu.memory_space<vmem_shared>>
      %dma_start3A_141 = arith.constant 0 : i32
      %dma_start3A_142 = tpu.memref_slice %arg13[%add3A_45, %dma_start3A_141] : memref<10240x128xf32, #tpu.memory_space<vmem_shared>> -> memref<80x128xf32, #tpu.memory_space<vmem_shared>>
      %dma_start3A_143 = arith.constant 0 : i32
      %dma_start3A_144 = arith.constant 0 : i32
      %dma_start3A_145 = tpu.memref_slice %arg10[%dma_start3A_143, %dma_start3A_144] : memref<112x128xf32, #tpu.memory_space<vmem>> -> memref<80x128xf32, #tpu.memory_space<vmem>>
      tpu.enqueue_dma source(%dma_start3A_145 : memref<80x128xf32, #tpu.memory_space<vmem>>) target(%dma_start3A_142 : memref<80x128xf32, #tpu.memory_space<vmem_shared>>) target_semaphore(%run_scoped3A : memref<!tpu.dma_semaphore, #tpu.memory_space<semaphore_mem>>)
      %dma_wait3A_146 = arith.constant 0 : i32
      %dma_wait3A_147 = arith.constant 0 : i32
      %dma_wait3A_148 = tpu.memref_slice %arg10[%dma_wait3A_146, %dma_wait3A_147] : memref<112x128xf32, #tpu.memory_space<vmem>> -> memref<80x128xf32, #tpu.memory_space<vmem>>
      %dma_wait3A_149 = arith.constant 0 : i32
      %dma_wait3A_150 = tpu.memref_slice %arg13[%add3A_45, %dma_wait3A_149] : memref<10240x128xf32, #tpu.memory_space<vmem_shared>> -> memref<80x128xf32, #tpu.memory_space<vmem_shared>>
      %dma_wait3A_151 = arith.constant 0 : i32
      %dma_wait3A_152 = tpu.memref_slice %arg13[%add3A_45, %dma_wait3A_151] : memref<10240x128xf32, #tpu.memory_space<vmem_shared>> -> memref<80x128xf32, #tpu.memory_space<vmem_shared>>
      %dma_wait3A_153 = arith.constant 0 : i32
      %dma_wait3A_154 = arith.constant 0 : i32
      %dma_wait3A_155 = tpu.memref_slice %arg10[%dma_wait3A_153, %dma_wait3A_154] : memref<112x128xf32, #tpu.memory_space<vmem>> -> memref<80x128xf32, #tpu.memory_space<vmem>>
      tpu.wait_dma2 semaphore(%run_scoped3A : memref<!tpu.dma_semaphore, #tpu.memory_space<semaphore_mem>>) src(%dma_wait3A_155 : memref<80x128xf32, #tpu.memory_space<vmem>>) dst(%dma_wait3A_152 : memref<80x128xf32, #tpu.memory_space<vmem_shared>>)
      tpu.yield
    }) : () -> ()
    %dma_wait3A = arith.constant 0 : i32
    %dma_wait3A_46 = arith.constant 0 : i32
    %dma_wait3A_47 = arith.constant 0 : i32
    %dma_wait3A_48 = tpu.memref_slice %arg3[%add3A, %dma_wait3A, %dma_wait3A_46, %dma_wait3A_47] : memref<32x90x2x112xi32, #tpu.memory_space<hbm>> -> memref<1x1x2x112xi32, #tpu.memory_space<hbm>>
    %dma_wait3A_49 = tpu.memref_squeeze %dma_wait3A_48 : memref<1x1x2x112xi32, #tpu.memory_space<hbm>> -> memref<2x112xi32, #tpu.memory_space<hbm>>
    %dma_wait3A_50 = arith.constant 0 : i32
    %dma_wait3A_51 = arith.constant 0 : i32
    %dma_wait3A_52 = tpu.memref_slice %arg3[%add3A, %dma_wait3A, %dma_wait3A_50, %dma_wait3A_51] : memref<32x90x2x112xi32, #tpu.memory_space<hbm>> -> memref<1x1x2x112xi32, #tpu.memory_space<hbm>>
    %dma_wait3A_53 = tpu.memref_squeeze %dma_wait3A_52 : memref<1x1x2x112xi32, #tpu.memory_space<hbm>> -> memref<2x112xi32, #tpu.memory_space<hbm>>
    tpu.wait_dma2 semaphore(%arg15 : memref<!tpu.dma_semaphore, #tpu.memory_space<semaphore_mem>>) src(%dma_wait3A_53 : memref<2x112xi32, #tpu.memory_space<hbm>>) dst(%arg5 : memref<2x112xi32, #tpu.memory_space<vmem>>)
    %dma_start3A_54 = arith.constant 0 : i32
    %dma_start3A_55 = arith.constant 0 : i32
    %dma_start3A_56 = tpu.memref_slice %arg5[%dma_start3A_54, %dma_start3A_55] : memref<2x112xi32, #tpu.memory_space<vmem>> -> memref<1x112xi32, #tpu.memory_space<vmem>>
    %dma_start3A_57 = tpu.memref_squeeze %dma_start3A_56 : memref<1x112xi32, #tpu.memory_space<vmem>> -> memref<112xi32, #tpu.memory_space<vmem>>
    %dma_start3A_58 = arith.constant 0 : i32
    %dma_start3A_59 = arith.constant 0 : i32
    %dma_start3A_60 = tpu.memref_slice %arg2[%dma_start3A_58, %dma_start3A_59] : memref<10000x128xf32, #tpu.memory_space<hbm>> -> memref<10000x128xf32, #tpu.memory_space<hbm>>
    tpu.enqueue_indirect_dma source(%dma_start3A_60 : memref<10000x128xf32, #tpu.memory_space<hbm>>) target(%arg9 : memref<112x128xf32, #tpu.memory_space<vmem>>) offsets(%dma_start3A_57 : memref<112xi32, #tpu.memory_space<vmem>>) semaphore(%arg19 : memref<!tpu.dma_semaphore, #tpu.memory_space<semaphore_mem>>)
    %barrier3A = arith.constant 0 : index
    tpu.barrier barrier_id(%barrier3A)
    %scan3A_61 = arith.constant 0 : i32
    %scan3A_62 = arith.constant 22 : i32
    %scan3A_63 = arith.addi %scan3A_61, %scan3A_62 : i32
    %scan3A_64 = arith.constant 1 : i32
    scf.for %scan3A_136 = %scan3A_61 to %scan3A_63 step %scan3A_64  : i32 {
      %mul3A_137 = arith.constant 4 : i32
      %mul3A_138 = arith.muli %mul3A_137, %scan3A_136 : i32
      %add3A_139 = arith.constant 1 : i32
      %add3A_140 = arith.addi %mul3A_138, %add3A_139 : i32
      %lt3A = arith.constant 90 : i32
      %lt3A_141 = arith.cmpi slt, %add3A_140, %lt3A : i32
      %convert_element_type3A = arith.extui %lt3A_141 : i1 to i32
      %cond3A = arith.constant 0 : i32
      %cond3A_142 = arith.cmpi ne, %convert_element_type3A, %cond3A : i32
      scf.if %cond3A_142 {
        %add3A_307 = arith.constant 1 : i32
        %add3A_308 = arith.addi %mul3A_138, %add3A_307 : i32
        %dma_wait3A_309 = arith.constant 0 : i32
        %dma_wait3A_310 = arith.constant 0 : i32
        %dma_wait3A_311 = tpu.memref_slice %arg3[%add3A, %add3A_308, %dma_wait3A_309, %dma_wait3A_310] : memref<32x90x2x112xi32, #tpu.memory_space<hbm>> -> memref<1x1x2x112xi32, #tpu.memory_space<hbm>>
        %dma_wait3A_312 = tpu.memref_squeeze %dma_wait3A_311 : memref<1x1x2x112xi32, #tpu.memory_space<hbm>> -> memref<2x112xi32, #tpu.memory_space<hbm>>
        %dma_wait3A_313 = arith.constant 0 : i32
        %dma_wait3A_314 = arith.constant 0 : i32
        %dma_wait3A_315 = tpu.memref_slice %arg3[%add3A, %add3A_308, %dma_wait3A_313, %dma_wait3A_314] : memref<32x90x2x112xi32, #tpu.memory_space<hbm>> -> memref<1x1x2x112xi32, #tpu.memory_space<hbm>>
        %dma_wait3A_316 = tpu.memref_squeeze %dma_wait3A_315 : memref<1x1x2x112xi32, #tpu.memory_space<hbm>> -> memref<2x112xi32, #tpu.memory_space<hbm>>
        tpu.wait_dma2 semaphore(%arg16 : memref<!tpu.dma_semaphore, #tpu.memory_space<semaphore_mem>>) src(%dma_wait3A_316 : memref<2x112xi32, #tpu.memory_space<hbm>>) dst(%arg6 : memref<2x112xi32, #tpu.memory_space<vmem>>)
      } else {
      }
      %dma_wait3A_143 = arith.constant 0 : i32
      %dma_wait3A_144 = arith.constant 0 : i32
      %dma_wait3A_145 = tpu.memref_slice %arg5[%dma_wait3A_143, %dma_wait3A_144] : memref<2x112xi32, #tpu.memory_space<vmem>> -> memref<1x112xi32, #tpu.memory_space<vmem>>
      %dma_wait3A_146 = tpu.memref_squeeze %dma_wait3A_145 : memref<1x112xi32, #tpu.memory_space<vmem>> -> memref<112xi32, #tpu.memory_space<vmem>>
      %dma_wait3A_147 = arith.constant 0 : i32
      %dma_wait3A_148 = arith.constant 0 : i32
      %dma_wait3A_149 = tpu.memref_slice %arg2[%dma_wait3A_147, %dma_wait3A_148] : memref<10000x128xf32, #tpu.memory_space<hbm>> -> memref<10000x128xf32, #tpu.memory_space<hbm>>
      tpu.wait_indirect_dma semaphore(%arg19 : memref<!tpu.dma_semaphore, #tpu.memory_space<semaphore_mem>>) src(%dma_wait3A_149 : memref<10000x128xf32, #tpu.memory_space<hbm>>) dst(%arg9 : memref<112x128xf32, #tpu.memory_space<vmem>>)
      %dma_start3A_150 = arith.constant 1 : i32
      %dma_start3A_151 = arith.constant 0 : i32
      %dma_start3A_152 = tpu.memref_slice %arg5[%dma_start3A_150, %dma_start3A_151] : memref<2x112xi32, #tpu.memory_space<vmem>> -> memref<1x112xi32, #tpu.memory_space<vmem>>
      %dma_start3A_153 = tpu.memref_squeeze %dma_start3A_152 : memref<1x112xi32, #tpu.memory_space<vmem>> -> memref<112xi32, #tpu.memory_space<vmem>>
      %dma_start3A_154 = arith.constant 0 : i32
      %dma_start3A_155 = arith.constant 0 : i32
      %dma_start3A_156 = tpu.memref_slice %arg13[%dma_start3A_154, %dma_start3A_155] : memref<10240x128xf32, #tpu.memory_space<vmem_shared>> -> memref<10240x128xf32, #tpu.memory_space<vmem_shared>>
      tpu.enqueue_indirect_dma source(%arg9 : memref<112x128xf32, #tpu.memory_space<vmem>>) target(%dma_start3A_156 : memref<10240x128xf32, #tpu.memory_space<vmem_shared>>) offsets(%dma_start3A_153 : memref<112xi32, #tpu.memory_space<vmem>>) semaphore(%arg21 : memref<!tpu.dma_semaphore, #tpu.memory_space<semaphore_mem>>) {add = true}
      %gt3A = arith.constant 0 : i32
      %gt3A_157 = arith.cmpi sgt, %mul3A_138, %gt3A : i32
      %convert_element_type3A_158 = arith.extui %gt3A_157 : i1 to i32
      %cond3A_159 = arith.constant 0 : i32
      %cond3A_160 = arith.cmpi ne, %convert_element_type3A_158, %cond3A_159 : i32
      scf.if %cond3A_160 {
        %dma_wait3A_307 = arith.constant 1 : i32
        %dma_wait3A_308 = arith.constant 0 : i32
        %dma_wait3A_309 = tpu.memref_slice %arg8[%dma_wait3A_307, %dma_wait3A_308] : memref<2x112xi32, #tpu.memory_space<vmem>> -> memref<1x112xi32, #tpu.memory_space<vmem>>
        %dma_wait3A_310 = tpu.memref_squeeze %dma_wait3A_309 : memref<1x112xi32, #tpu.memory_space<vmem>> -> memref<112xi32, #tpu.memory_space<vmem>>
        %dma_wait3A_311 = arith.constant 0 : i32
        %dma_wait3A_312 = arith.constant 0 : i32
        %dma_wait3A_313 = tpu.memref_slice %arg13[%dma_wait3A_311, %dma_wait3A_312] : memref<10240x128xf32, #tpu.memory_space<vmem_shared>> -> memref<10240x128xf32, #tpu.memory_space<vmem_shared>>
        tpu.wait_indirect_dma semaphore(%arg22 : memref<!tpu.dma_semaphore, #tpu.memory_space<semaphore_mem>>) src(%arg10 : memref<112x128xf32, #tpu.memory_space<vmem>>) dst(%dma_wait3A_313 : memref<10240x128xf32, #tpu.memory_space<vmem_shared>>)
      } else {
      }
      %add3A_161 = arith.constant 1 : i32
      %add3A_162 = arith.addi %mul3A_138, %add3A_161 : i32
      %lt3A_163 = arith.constant 90 : i32
      %lt3A_164 = arith.cmpi slt, %add3A_162, %lt3A_163 : i32
      %convert_element_type3A_165 = arith.extui %lt3A_164 : i1 to i32
      %cond3A_166 = arith.constant 0 : i32
      %cond3A_167 = arith.cmpi ne, %convert_element_type3A_165, %cond3A_166 : i32
      scf.if %cond3A_167 {
        %dma_start3A_307 = arith.constant 0 : i32
        %dma_start3A_308 = arith.constant 0 : i32
        %dma_start3A_309 = tpu.memref_slice %arg6[%dma_start3A_307, %dma_start3A_308] : memref<2x112xi32, #tpu.memory_space<vmem>> -> memref<1x112xi32, #tpu.memory_space<vmem>>
        %dma_start3A_310 = tpu.memref_squeeze %dma_start3A_309 : memref<1x112xi32, #tpu.memory_space<vmem>> -> memref<112xi32, #tpu.memory_space<vmem>>
        %dma_start3A_311 = arith.constant 0 : i32
        %dma_start3A_312 = arith.constant 0 : i32
        %dma_start3A_313 = tpu.memref_slice %arg2[%dma_start3A_311, %dma_start3A_312] : memref<10000x128xf32, #tpu.memory_space<hbm>> -> memref<10000x128xf32, #tpu.memory_space<hbm>>
        tpu.enqueue_indirect_dma source(%dma_start3A_313 : memref<10000x128xf32, #tpu.memory_space<hbm>>) target(%arg10 : memref<112x128xf32, #tpu.memory_space<vmem>>) offsets(%dma_start3A_310 : memref<112xi32, #tpu.memory_space<vmem>>) semaphore(%arg20 : memref<!tpu.dma_semaphore, #tpu.memory_space<semaphore_mem>>)
      } else {
      }
      %add3A_168 = arith.constant 3 : i32
      %add3A_169 = arith.addi %mul3A_138, %add3A_168 : i32
      %lt3A_170 = arith.constant 90 : i32
      %lt3A_171 = arith.cmpi slt, %add3A_169, %lt3A_170 : i32
      %convert_element_type3A_172 = arith.extui %lt3A_171 : i1 to i32
      %cond3A_173 = arith.constant 0 : i32
      %cond3A_174 = arith.cmpi ne, %convert_element_type3A_172, %cond3A_173 : i32
      scf.if %cond3A_174 {
        %add3A_307 = arith.constant 3 : i32
        %add3A_308 = arith.addi %mul3A_138, %add3A_307 : i32
        %dma_start3A_309 = arith.constant 0 : i32
        %dma_start3A_310 = arith.constant 0 : i32
        %dma_start3A_311 = tpu.memref_slice %arg3[%add3A, %add3A_308, %dma_start3A_309, %dma_start3A_310] : memref<32x90x2x112xi32, #tpu.memory_space<hbm>> -> memref<1x1x2x112xi32, #tpu.memory_space<hbm>>
        %dma_start3A_312 = tpu.memref_squeeze %dma_start3A_311 : memref<1x1x2x112xi32, #tpu.memory_space<hbm>> -> memref<2x112xi32, #tpu.memory_space<hbm>>
        %dma_start3A_313 = arith.constant 0 : i32
        %dma_start3A_314 = arith.constant 0 : i32
        %dma_start3A_315 = tpu.memref_slice %arg3[%add3A, %add3A_308, %dma_start3A_313, %dma_start3A_314] : memref<32x90x2x112xi32, #tpu.memory_space<hbm>> -> memref<1x1x2x112xi32, #tpu.memory_space<hbm>>
        %dma_start3A_316 = tpu.memref_squeeze %dma_start3A_315 : memref<1x1x2x112xi32, #tpu.memory_space<hbm>> -> memref<2x112xi32, #tpu.memory_space<hbm>>
        tpu.enqueue_dma source(%dma_start3A_316 : memref<2x112xi32, #tpu.memory_space<hbm>>) target(%arg8 : memref<2x112xi32, #tpu.memory_space<vmem>>) target_semaphore(%arg18 : memref<!tpu.dma_semaphore, #tpu.memory_space<semaphore_mem>>)
      } else {
      }
      %add3A_175 = arith.constant 1 : i32
      %add3A_176 = arith.addi %mul3A_138, %add3A_175 : i32
      %add3A_177 = arith.constant 1 : i32
      %add3A_178 = arith.addi %add3A_176, %add3A_177 : i32
      %lt3A_179 = arith.constant 90 : i32
      %lt3A_180 = arith.cmpi slt, %add3A_178, %lt3A_179 : i32
      %convert_element_type3A_181 = arith.extui %lt3A_180 : i1 to i32
      %cond3A_182 = arith.constant 0 : i32
      %cond3A_183 = arith.cmpi ne, %convert_element_type3A_181, %cond3A_182 : i32
      scf.if %cond3A_183 {
        %add3A_307 = arith.constant 1 : i32
        %add3A_308 = arith.addi %add3A_176, %add3A_307 : i32
        %dma_wait3A_309 = arith.constant 0 : i32
        %dma_wait3A_310 = arith.constant 0 : i32
        %dma_wait3A_311 = tpu.memref_slice %arg3[%add3A, %add3A_308, %dma_wait3A_309, %dma_wait3A_310] : memref<32x90x2x112xi32, #tpu.memory_space<hbm>> -> memref<1x1x2x112xi32, #tpu.memory_space<hbm>>
        %dma_wait3A_312 = tpu.memref_squeeze %dma_wait3A_311 : memref<1x1x2x112xi32, #tpu.memory_space<hbm>> -> memref<2x112xi32, #tpu.memory_space<hbm>>
        %dma_wait3A_313 = arith.constant 0 : i32
        %dma_wait3A_314 = arith.constant 0 : i32
        %dma_wait3A_315 = tpu.memref_slice %arg3[%add3A, %add3A_308, %dma_wait3A_313, %dma_wait3A_314] : memref<32x90x2x112xi32, #tpu.memory_space<hbm>> -> memref<1x1x2x112xi32, #tpu.memory_space<hbm>>
        %dma_wait3A_316 = tpu.memref_squeeze %dma_wait3A_315 : memref<1x1x2x112xi32, #tpu.memory_space<hbm>> -> memref<2x112xi32, #tpu.memory_space<hbm>>
        tpu.wait_dma2 semaphore(%arg17 : memref<!tpu.dma_semaphore, #tpu.memory_space<semaphore_mem>>) src(%dma_wait3A_316 : memref<2x112xi32, #tpu.memory_space<hbm>>) dst(%arg7 : memref<2x112xi32, #tpu.memory_space<vmem>>)
      } else {
      }
      %dma_wait3A_184 = arith.constant 0 : i32
      %dma_wait3A_185 = arith.constant 0 : i32
      %dma_wait3A_186 = tpu.memref_slice %arg6[%dma_wait3A_184, %dma_wait3A_185] : memref<2x112xi32, #tpu.memory_space<vmem>> -> memref<1x112xi32, #tpu.memory_space<vmem>>
      %dma_wait3A_187 = tpu.memref_squeeze %dma_wait3A_186 : memref<1x112xi32, #tpu.memory_space<vmem>> -> memref<112xi32, #tpu.memory_space<vmem>>
      %dma_wait3A_188 = arith.constant 0 : i32
      %dma_wait3A_189 = arith.constant 0 : i32
      %dma_wait3A_190 = tpu.memref_slice %arg2[%dma_wait3A_188, %dma_wait3A_189] : memref<10000x128xf32, #tpu.memory_space<hbm>> -> memref<10000x128xf32, #tpu.memory_space<hbm>>
      tpu.wait_indirect_dma semaphore(%arg20 : memref<!tpu.dma_semaphore, #tpu.memory_space<semaphore_mem>>) src(%dma_wait3A_190 : memref<10000x128xf32, #tpu.memory_space<hbm>>) dst(%arg10 : memref<112x128xf32, #tpu.memory_space<vmem>>)
      %dma_start3A_191 = arith.constant 1 : i32
      %dma_start3A_192 = arith.constant 0 : i32
      %dma_start3A_193 = tpu.memref_slice %arg6[%dma_start3A_191, %dma_start3A_192] : memref<2x112xi32, #tpu.memory_space<vmem>> -> memref<1x112xi32, #tpu.memory_space<vmem>>
      %dma_start3A_194 = tpu.memref_squeeze %dma_start3A_193 : memref<1x112xi32, #tpu.memory_space<vmem>> -> memref<112xi32, #tpu.memory_space<vmem>>
      %dma_start3A_195 = arith.constant 0 : i32
      %dma_start3A_196 = arith.constant 0 : i32
      %dma_start3A_197 = tpu.memref_slice %arg13[%dma_start3A_195, %dma_start3A_196] : memref<10240x128xf32, #tpu.memory_space<vmem_shared>> -> memref<10240x128xf32, #tpu.memory_space<vmem_shared>>
      tpu.enqueue_indirect_dma source(%arg10 : memref<112x128xf32, #tpu.memory_space<vmem>>) target(%dma_start3A_197 : memref<10240x128xf32, #tpu.memory_space<vmem_shared>>) offsets(%dma_start3A_194 : memref<112xi32, #tpu.memory_space<vmem>>) semaphore(%arg22 : memref<!tpu.dma_semaphore, #tpu.memory_space<semaphore_mem>>) {add = true}
      %dma_wait3A_198 = arith.constant 1 : i32
      %dma_wait3A_199 = arith.constant 0 : i32
      %dma_wait3A_200 = tpu.memref_slice %arg5[%dma_wait3A_198, %dma_wait3A_199] : memref<2x112xi32, #tpu.memory_space<vmem>> -> memref<1x112xi32, #tpu.memory_space<vmem>>
      %dma_wait3A_201 = tpu.memref_squeeze %dma_wait3A_200 : memref<1x112xi32, #tpu.memory_space<vmem>> -> memref<112xi32, #tpu.memory_space<vmem>>
      %dma_wait3A_202 = arith.constant 0 : i32
      %dma_wait3A_203 = arith.constant 0 : i32
      %dma_wait3A_204 = tpu.memref_slice %arg13[%dma_wait3A_202, %dma_wait3A_203] : memref<10240x128xf32, #tpu.memory_space<vmem_shared>> -> memref<10240x128xf32, #tpu.memory_space<vmem_shared>>
      tpu.wait_indirect_dma semaphore(%arg21 : memref<!tpu.dma_semaphore, #tpu.memory_space<semaphore_mem>>) src(%arg9 : memref<112x128xf32, #tpu.memory_space<vmem>>) dst(%dma_wait3A_204 : memref<10240x128xf32, #tpu.memory_space<vmem_shared>>)
      %add3A_205 = arith.constant 1 : i32
      %add3A_206 = arith.addi %add3A_176, %add3A_205 : i32
      %lt3A_207 = arith.constant 90 : i32
      %lt3A_208 = arith.cmpi slt, %add3A_206, %lt3A_207 : i32
      %convert_element_type3A_209 = arith.extui %lt3A_208 : i1 to i32
      %cond3A_210 = arith.constant 0 : i32
      %cond3A_211 = arith.cmpi ne, %convert_element_type3A_209, %cond3A_210 : i32
      scf.if %cond3A_211 {
        %dma_start3A_307 = arith.constant 0 : i32
        %dma_start3A_308 = arith.constant 0 : i32
        %dma_start3A_309 = tpu.memref_slice %arg7[%dma_start3A_307, %dma_start3A_308] : memref<2x112xi32, #tpu.memory_space<vmem>> -> memref<1x112xi32, #tpu.memory_space<vmem>>
        %dma_start3A_310 = tpu.memref_squeeze %dma_start3A_309 : memref<1x112xi32, #tpu.memory_space<vmem>> -> memref<112xi32, #tpu.memory_space<vmem>>
        %dma_start3A_311 = arith.constant 0 : i32
        %dma_start3A_312 = arith.constant 0 : i32
        %dma_start3A_313 = tpu.memref_slice %arg2[%dma_start3A_311, %dma_start3A_312] : memref<10000x128xf32, #tpu.memory_space<hbm>> -> memref<10000x128xf32, #tpu.memory_space<hbm>>
        tpu.enqueue_indirect_dma source(%dma_start3A_313 : memref<10000x128xf32, #tpu.memory_space<hbm>>) target(%arg9 : memref<112x128xf32, #tpu.memory_space<vmem>>) offsets(%dma_start3A_310 : memref<112xi32, #tpu.memory_space<vmem>>) semaphore(%arg19 : memref<!tpu.dma_semaphore, #tpu.memory_space<semaphore_mem>>)
      } else {
      }
      %add3A_212 = arith.constant 3 : i32
      %add3A_213 = arith.addi %add3A_176, %add3A_212 : i32
      %lt3A_214 = arith.constant 90 : i32
      %lt3A_215 = arith.cmpi slt, %add3A_213, %lt3A_214 : i32
      %convert_element_type3A_216 = arith.extui %lt3A_215 : i1 to i32
      %cond3A_217 = arith.constant 0 : i32
      %cond3A_218 = arith.cmpi ne, %convert_element_type3A_216, %cond3A_217 : i32
      scf.if %cond3A_218 {
        %add3A_307 = arith.constant 3 : i32
        %add3A_308 = arith.addi %add3A_176, %add3A_307 : i32
        %dma_start3A_309 = arith.constant 0 : i32
        %dma_start3A_310 = arith.constant 0 : i32
        %dma_start3A_311 = tpu.memref_slice %arg3[%add3A, %add3A_308, %dma_start3A_309, %dma_start3A_310] : memref<32x90x2x112xi32, #tpu.memory_space<hbm>> -> memref<1x1x2x112xi32, #tpu.memory_space<hbm>>
        %dma_start3A_312 = tpu.memref_squeeze %dma_start3A_311 : memref<1x1x2x112xi32, #tpu.memory_space<hbm>> -> memref<2x112xi32, #tpu.memory_space<hbm>>
        %dma_start3A_313 = arith.constant 0 : i32
        %dma_start3A_314 = arith.constant 0 : i32
        %dma_start3A_315 = tpu.memref_slice %arg3[%add3A, %add3A_308, %dma_start3A_313, %dma_start3A_314] : memref<32x90x2x112xi32, #tpu.memory_space<hbm>> -> memref<1x1x2x112xi32, #tpu.memory_space<hbm>>
        %dma_start3A_316 = tpu.memref_squeeze %dma_start3A_315 : memref<1x1x2x112xi32, #tpu.memory_space<hbm>> -> memref<2x112xi32, #tpu.memory_space<hbm>>
        tpu.enqueue_dma source(%dma_start3A_316 : memref<2x112xi32, #tpu.memory_space<hbm>>) target(%arg5 : memref<2x112xi32, #tpu.memory_space<vmem>>) target_semaphore(%arg15 : memref<!tpu.dma_semaphore, #tpu.memory_space<semaphore_mem>>)
      } else {
      }
      %add3A_219 = arith.constant 2 : i32
      %add3A_220 = arith.addi %mul3A_138, %add3A_219 : i32
      %add3A_221 = arith.constant 1 : i32
      %add3A_222 = arith.addi %add3A_220, %add3A_221 : i32
      %lt3A_223 = arith.constant 90 : i32
      %lt3A_224 = arith.cmpi slt, %add3A_222, %lt3A_223 : i32
      %convert_element_type3A_225 = arith.extui %lt3A_224 : i1 to i32
      %cond3A_226 = arith.constant 0 : i32
      %cond3A_227 = arith.cmpi ne, %convert_element_type3A_225, %cond3A_226 : i32
      scf.if %cond3A_227 {
        %add3A_307 = arith.constant 1 : i32
        %add3A_308 = arith.addi %add3A_220, %add3A_307 : i32
        %dma_wait3A_309 = arith.constant 0 : i32
        %dma_wait3A_310 = arith.constant 0 : i32
        %dma_wait3A_311 = tpu.memref_slice %arg3[%add3A, %add3A_308, %dma_wait3A_309, %dma_wait3A_310] : memref<32x90x2x112xi32, #tpu.memory_space<hbm>> -> memref<1x1x2x112xi32, #tpu.memory_space<hbm>>
        %dma_wait3A_312 = tpu.memref_squeeze %dma_wait3A_311 : memref<1x1x2x112xi32, #tpu.memory_space<hbm>> -> memref<2x112xi32, #tpu.memory_space<hbm>>
        %dma_wait3A_313 = arith.constant 0 : i32
        %dma_wait3A_314 = arith.constant 0 : i32
        %dma_wait3A_315 = tpu.memref_slice %arg3[%add3A, %add3A_308, %dma_wait3A_313, %dma_wait3A_314] : memref<32x90x2x112xi32, #tpu.memory_space<hbm>> -> memref<1x1x2x112xi32, #tpu.memory_space<hbm>>
        %dma_wait3A_316 = tpu.memref_squeeze %dma_wait3A_315 : memref<1x1x2x112xi32, #tpu.memory_space<hbm>> -> memref<2x112xi32, #tpu.memory_space<hbm>>
        tpu.wait_dma2 semaphore(%arg18 : memref<!tpu.dma_semaphore, #tpu.memory_space<semaphore_mem>>) src(%dma_wait3A_316 : memref<2x112xi32, #tpu.memory_space<hbm>>) dst(%arg8 : memref<2x112xi32, #tpu.memory_space<vmem>>)
      } else {
      }
      %dma_wait3A_228 = arith.constant 0 : i32
      %dma_wait3A_229 = arith.constant 0 : i32
      %dma_wait3A_230 = tpu.memref_slice %arg7[%dma_wait3A_228, %dma_wait3A_229] : memref<2x112xi32, #tpu.memory_space<vmem>> -> memref<1x112xi32, #tpu.memory_space<vmem>>
      %dma_wait3A_231 = tpu.memref_squeeze %dma_wait3A_230 : memref<1x112xi32, #tpu.memory_space<vmem>> -> memref<112xi32, #tpu.memory_space<vmem>>
      %dma_wait3A_232 = arith.constant 0 : i32
      %dma_wait3A_233 = arith.constant 0 : i32
      %dma_wait3A_234 = tpu.memref_slice %arg2[%dma_wait3A_232, %dma_wait3A_233] : memref<10000x128xf32, #tpu.memory_space<hbm>> -> memref<10000x128xf32, #tpu.memory_space<hbm>>
      tpu.wait_indirect_dma semaphore(%arg19 : memref<!tpu.dma_semaphore, #tpu.memory_space<semaphore_mem>>) src(%dma_wait3A_234 : memref<10000x128xf32, #tpu.memory_space<hbm>>) dst(%arg9 : memref<112x128xf32, #tpu.memory_space<vmem>>)
      %dma_start3A_235 = arith.constant 1 : i32
      %dma_start3A_236 = arith.constant 0 : i32
      %dma_start3A_237 = tpu.memref_slice %arg7[%dma_start3A_235, %dma_start3A_236] : memref<2x112xi32, #tpu.memory_space<vmem>> -> memref<1x112xi32, #tpu.memory_space<vmem>>
      %dma_start3A_238 = tpu.memref_squeeze %dma_start3A_237 : memref<1x112xi32, #tpu.memory_space<vmem>> -> memref<112xi32, #tpu.memory_space<vmem>>
      %dma_start3A_239 = arith.constant 0 : i32
      %dma_start3A_240 = arith.constant 0 : i32
      %dma_start3A_241 = tpu.memref_slice %arg13[%dma_start3A_239, %dma_start3A_240] : memref<10240x128xf32, #tpu.memory_space<vmem_shared>> -> memref<10240x128xf32, #tpu.memory_space<vmem_shared>>
      tpu.enqueue_indirect_dma source(%arg9 : memref<112x128xf32, #tpu.memory_space<vmem>>) target(%dma_start3A_241 : memref<10240x128xf32, #tpu.memory_space<vmem_shared>>) offsets(%dma_start3A_238 : memref<112xi32, #tpu.memory_space<vmem>>) semaphore(%arg21 : memref<!tpu.dma_semaphore, #tpu.memory_space<semaphore_mem>>) {add = true}
      %dma_wait3A_242 = arith.constant 1 : i32
      %dma_wait3A_243 = arith.constant 0 : i32
      %dma_wait3A_244 = tpu.memref_slice %arg6[%dma_wait3A_242, %dma_wait3A_243] : memref<2x112xi32, #tpu.memory_space<vmem>> -> memref<1x112xi32, #tpu.memory_space<vmem>>
      %dma_wait3A_245 = tpu.memref_squeeze %dma_wait3A_244 : memref<1x112xi32, #tpu.memory_space<vmem>> -> memref<112xi32, #tpu.memory_space<vmem>>
      %dma_wait3A_246 = arith.constant 0 : i32
      %dma_wait3A_247 = arith.constant 0 : i32
      %dma_wait3A_248 = tpu.memref_slice %arg13[%dma_wait3A_246, %dma_wait3A_247] : memref<10240x128xf32, #tpu.memory_space<vmem_shared>> -> memref<10240x128xf32, #tpu.memory_space<vmem_shared>>
      tpu.wait_indirect_dma semaphore(%arg22 : memref<!tpu.dma_semaphore, #tpu.memory_space<semaphore_mem>>) src(%arg10 : memref<112x128xf32, #tpu.memory_space<vmem>>) dst(%dma_wait3A_248 : memref<10240x128xf32, #tpu.memory_space<vmem_shared>>)
      %add3A_249 = arith.constant 1 : i32
      %add3A_250 = arith.addi %add3A_220, %add3A_249 : i32
      %lt3A_251 = arith.constant 90 : i32
      %lt3A_252 = arith.cmpi slt, %add3A_250, %lt3A_251 : i32
      %convert_element_type3A_253 = arith.extui %lt3A_252 : i1 to i32
      %cond3A_254 = arith.constant 0 : i32
      %cond3A_255 = arith.cmpi ne, %convert_element_type3A_253, %cond3A_254 : i32
      scf.if %cond3A_255 {
        %dma_start3A_307 = arith.constant 0 : i32
        %dma_start3A_308 = arith.constant 0 : i32
        %dma_start3A_309 = tpu.memref_slice %arg8[%dma_start3A_307, %dma_start3A_308] : memref<2x112xi32, #tpu.memory_space<vmem>> -> memref<1x112xi32, #tpu.memory_space<vmem>>
        %dma_start3A_310 = tpu.memref_squeeze %dma_start3A_309 : memref<1x112xi32, #tpu.memory_space<vmem>> -> memref<112xi32, #tpu.memory_space<vmem>>
        %dma_start3A_311 = arith.constant 0 : i32
        %dma_start3A_312 = arith.constant 0 : i32
        %dma_start3A_313 = tpu.memref_slice %arg2[%dma_start3A_311, %dma_start3A_312] : memref<10000x128xf32, #tpu.memory_space<hbm>> -> memref<10000x128xf32, #tpu.memory_space<hbm>>
        tpu.enqueue_indirect_dma source(%dma_start3A_313 : memref<10000x128xf32, #tpu.memory_space<hbm>>) target(%arg10 : memref<112x128xf32, #tpu.memory_space<vmem>>) offsets(%dma_start3A_310 : memref<112xi32, #tpu.memory_space<vmem>>) semaphore(%arg20 : memref<!tpu.dma_semaphore, #tpu.memory_space<semaphore_mem>>)
      } else {
      }
      %add3A_256 = arith.constant 3 : i32
      %add3A_257 = arith.addi %add3A_220, %add3A_256 : i32
      %lt3A_258 = arith.constant 90 : i32
      %lt3A_259 = arith.cmpi slt, %add3A_257, %lt3A_258 : i32
      %convert_element_type3A_260 = arith.extui %lt3A_259 : i1 to i32
      %cond3A_261 = arith.constant 0 : i32
      %cond3A_262 = arith.cmpi ne, %convert_element_type3A_260, %cond3A_261 : i32
      scf.if %cond3A_262 {
        %add3A_307 = arith.constant 3 : i32
        %add3A_308 = arith.addi %add3A_220, %add3A_307 : i32
        %dma_start3A_309 = arith.constant 0 : i32
        %dma_start3A_310 = arith.constant 0 : i32
        %dma_start3A_311 = tpu.memref_slice %arg3[%add3A, %add3A_308, %dma_start3A_309, %dma_start3A_310] : memref<32x90x2x112xi32, #tpu.memory_space<hbm>> -> memref<1x1x2x112xi32, #tpu.memory_space<hbm>>
        %dma_start3A_312 = tpu.memref_squeeze %dma_start3A_311 : memref<1x1x2x112xi32, #tpu.memory_space<hbm>> -> memref<2x112xi32, #tpu.memory_space<hbm>>
        %dma_start3A_313 = arith.constant 0 : i32
        %dma_start3A_314 = arith.constant 0 : i32
        %dma_start3A_315 = tpu.memref_slice %arg3[%add3A, %add3A_308, %dma_start3A_313, %dma_start3A_314] : memref<32x90x2x112xi32, #tpu.memory_space<hbm>> -> memref<1x1x2x112xi32, #tpu.memory_space<hbm>>
        %dma_start3A_316 = tpu.memref_squeeze %dma_start3A_315 : memref<1x1x2x112xi32, #tpu.memory_space<hbm>> -> memref<2x112xi32, #tpu.memory_space<hbm>>
        tpu.enqueue_dma source(%dma_start3A_316 : memref<2x112xi32, #tpu.memory_space<hbm>>) target(%arg6 : memref<2x112xi32, #tpu.memory_space<vmem>>) target_semaphore(%arg16 : memref<!tpu.dma_semaphore, #tpu.memory_space<semaphore_mem>>)
      } else {
      }
      %add3A_263 = arith.constant 3 : i32
      %add3A_264 = arith.addi %mul3A_138, %add3A_263 : i32
      %add3A_265 = arith.constant 1 : i32
      %add3A_266 = arith.addi %add3A_264, %add3A_265 : i32
      %lt3A_267 = arith.constant 90 : i32
      %lt3A_268 = arith.cmpi slt, %add3A_266, %lt3A_267 : i32
      %convert_element_type3A_269 = arith.extui %lt3A_268 : i1 to i32
      %cond3A_270 = arith.constant 0 : i32
      %cond3A_271 = arith.cmpi ne, %convert_element_type3A_269, %cond3A_270 : i32
      scf.if %cond3A_271 {
        %add3A_307 = arith.constant 1 : i32
        %add3A_308 = arith.addi %add3A_264, %add3A_307 : i32
        %dma_wait3A_309 = arith.constant 0 : i32
        %dma_wait3A_310 = arith.constant 0 : i32
        %dma_wait3A_311 = tpu.memref_slice %arg3[%add3A, %add3A_308, %dma_wait3A_309, %dma_wait3A_310] : memref<32x90x2x112xi32, #tpu.memory_space<hbm>> -> memref<1x1x2x112xi32, #tpu.memory_space<hbm>>
        %dma_wait3A_312 = tpu.memref_squeeze %dma_wait3A_311 : memref<1x1x2x112xi32, #tpu.memory_space<hbm>> -> memref<2x112xi32, #tpu.memory_space<hbm>>
        %dma_wait3A_313 = arith.constant 0 : i32
        %dma_wait3A_314 = arith.constant 0 : i32
        %dma_wait3A_315 = tpu.memref_slice %arg3[%add3A, %add3A_308, %dma_wait3A_313, %dma_wait3A_314] : memref<32x90x2x112xi32, #tpu.memory_space<hbm>> -> memref<1x1x2x112xi32, #tpu.memory_space<hbm>>
        %dma_wait3A_316 = tpu.memref_squeeze %dma_wait3A_315 : memref<1x1x2x112xi32, #tpu.memory_space<hbm>> -> memref<2x112xi32, #tpu.memory_space<hbm>>
        tpu.wait_dma2 semaphore(%arg15 : memref<!tpu.dma_semaphore, #tpu.memory_space<semaphore_mem>>) src(%dma_wait3A_316 : memref<2x112xi32, #tpu.memory_space<hbm>>) dst(%arg5 : memref<2x112xi32, #tpu.memory_space<vmem>>)
      } else {
      }
      %dma_wait3A_272 = arith.constant 0 : i32
      %dma_wait3A_273 = arith.constant 0 : i32
      %dma_wait3A_274 = tpu.memref_slice %arg8[%dma_wait3A_272, %dma_wait3A_273] : memref<2x112xi32, #tpu.memory_space<vmem>> -> memref<1x112xi32, #tpu.memory_space<vmem>>
      %dma_wait3A_275 = tpu.memref_squeeze %dma_wait3A_274 : memref<1x112xi32, #tpu.memory_space<vmem>> -> memref<112xi32, #tpu.memory_space<vmem>>
      %dma_wait3A_276 = arith.constant 0 : i32
      %dma_wait3A_277 = arith.constant 0 : i32
      %dma_wait3A_278 = tpu.memref_slice %arg2[%dma_wait3A_276, %dma_wait3A_277] : memref<10000x128xf32, #tpu.memory_space<hbm>> -> memref<10000x128xf32, #tpu.memory_space<hbm>>
      tpu.wait_indirect_dma semaphore(%arg20 : memref<!tpu.dma_semaphore, #tpu.memory_space<semaphore_mem>>) src(%dma_wait3A_278 : memref<10000x128xf32, #tpu.memory_space<hbm>>) dst(%arg10 : memref<112x128xf32, #tpu.memory_space<vmem>>)
      %dma_start3A_279 = arith.constant 1 : i32
      %dma_start3A_280 = arith.constant 0 : i32
      %dma_start3A_281 = tpu.memref_slice %arg8[%dma_start3A_279, %dma_start3A_280] : memref<2x112xi32, #tpu.memory_space<vmem>> -> memref<1x112xi32, #tpu.memory_space<vmem>>
      %dma_start3A_282 = tpu.memref_squeeze %dma_start3A_281 : memref<1x112xi32, #tpu.memory_space<vmem>> -> memref<112xi32, #tpu.memory_space<vmem>>
      %dma_start3A_283 = arith.constant 0 : i32
      %dma_start3A_284 = arith.constant 0 : i32
      %dma_start3A_285 = tpu.memref_slice %arg13[%dma_start3A_283, %dma_start3A_284] : memref<10240x128xf32, #tpu.memory_space<vmem_shared>> -> memref<10240x128xf32, #tpu.memory_space<vmem_shared>>
      tpu.enqueue_indirect_dma source(%arg10 : memref<112x128xf32, #tpu.memory_space<vmem>>) target(%dma_start3A_285 : memref<10240x128xf32, #tpu.memory_space<vmem_shared>>) offsets(%dma_start3A_282 : memref<112xi32, #tpu.memory_space<vmem>>) semaphore(%arg22 : memref<!tpu.dma_semaphore, #tpu.memory_space<semaphore_mem>>) {add = true}
      %dma_wait3A_286 = arith.constant 1 : i32
      %dma_wait3A_287 = arith.constant 0 : i32
      %dma_wait3A_288 = tpu.memref_slice %arg7[%dma_wait3A_286, %dma_wait3A_287] : memref<2x112xi32, #tpu.memory_space<vmem>> -> memref<1x112xi32, #tpu.memory_space<vmem>>
      %dma_wait3A_289 = tpu.memref_squeeze %dma_wait3A_288 : memref<1x112xi32, #tpu.memory_space<vmem>> -> memref<112xi32, #tpu.memory_space<vmem>>
      %dma_wait3A_290 = arith.constant 0 : i32
      %dma_wait3A_291 = arith.constant 0 : i32
      %dma_wait3A_292 = tpu.memref_slice %arg13[%dma_wait3A_290, %dma_wait3A_291] : memref<10240x128xf32, #tpu.memory_space<vmem_shared>> -> memref<10240x128xf32, #tpu.memory_space<vmem_shared>>
      tpu.wait_indirect_dma semaphore(%arg21 : memref<!tpu.dma_semaphore, #tpu.memory_space<semaphore_mem>>) src(%arg9 : memref<112x128xf32, #tpu.memory_space<vmem>>) dst(%dma_wait3A_292 : memref<10240x128xf32, #tpu.memory_space<vmem_shared>>)
      %add3A_293 = arith.constant 1 : i32
      %add3A_294 = arith.addi %add3A_264, %add3A_293 : i32
      %lt3A_295 = arith.constant 90 : i32
      %lt3A_296 = arith.cmpi slt, %add3A_294, %lt3A_295 : i32
      %convert_element_type3A_297 = arith.extui %lt3A_296 : i1 to i32
      %cond3A_298 = arith.constant 0 : i32
      %cond3A_299 = arith.cmpi ne, %convert_element_type3A_297, %cond3A_298 : i32
      scf.if %cond3A_299 {
        %dma_start3A_307 = arith.constant 0 : i32
        %dma_start3A_308 = arith.constant 0 : i32
        %dma_start3A_309 = tpu.memref_slice %arg5[%dma_start3A_307, %dma_start3A_308] : memref<2x112xi32, #tpu.memory_space<vmem>> -> memref<1x112xi32, #tpu.memory_space<vmem>>
        %dma_start3A_310 = tpu.memref_squeeze %dma_start3A_309 : memref<1x112xi32, #tpu.memory_space<vmem>> -> memref<112xi32, #tpu.memory_space<vmem>>
        %dma_start3A_311 = arith.constant 0 : i32
        %dma_start3A_312 = arith.constant 0 : i32
        %dma_start3A_313 = tpu.memref_slice %arg2[%dma_start3A_311, %dma_start3A_312] : memref<10000x128xf32, #tpu.memory_space<hbm>> -> memref<10000x128xf32, #tpu.memory_space<hbm>>
        tpu.enqueue_indirect_dma source(%dma_start3A_313 : memref<10000x128xf32, #tpu.memory_space<hbm>>) target(%arg9 : memref<112x128xf32, #tpu.memory_space<vmem>>) offsets(%dma_start3A_310 : memref<112xi32, #tpu.memory_space<vmem>>) semaphore(%arg19 : memref<!tpu.dma_semaphore, #tpu.memory_space<semaphore_mem>>)
      } else {
      }
      %add3A_300 = arith.constant 3 : i32
      %add3A_301 = arith.addi %add3A_264, %add3A_300 : i32
      %lt3A_302 = arith.constant 90 : i32
      %lt3A_303 = arith.cmpi slt, %add3A_301, %lt3A_302 : i32
      %convert_element_type3A_304 = arith.extui %lt3A_303 : i1 to i32
      %cond3A_305 = arith.constant 0 : i32
      %cond3A_306 = arith.cmpi ne, %convert_element_type3A_304, %cond3A_305 : i32
      scf.if %cond3A_306 {
        %add3A_307 = arith.constant 3 : i32
        %add3A_308 = arith.addi %add3A_264, %add3A_307 : i32
        %dma_start3A_309 = arith.constant 0 : i32
        %dma_start3A_310 = arith.constant 0 : i32
        %dma_start3A_311 = tpu.memref_slice %arg3[%add3A, %add3A_308, %dma_start3A_309, %dma_start3A_310] : memref<32x90x2x112xi32, #tpu.memory_space<hbm>> -> memref<1x1x2x112xi32, #tpu.memory_space<hbm>>
        %dma_start3A_312 = tpu.memref_squeeze %dma_start3A_311 : memref<1x1x2x112xi32, #tpu.memory_space<hbm>> -> memref<2x112xi32, #tpu.memory_space<hbm>>
        %dma_start3A_313 = arith.constant 0 : i32
        %dma_start3A_314 = arith.constant 0 : i32
        %dma_start3A_315 = tpu.memref_slice %arg3[%add3A, %add3A_308, %dma_start3A_313, %dma_start3A_314] : memref<32x90x2x112xi32, #tpu.memory_space<hbm>> -> memref<1x1x2x112xi32, #tpu.memory_space<hbm>>
        %dma_start3A_316 = tpu.memref_squeeze %dma_start3A_315 : memref<1x1x2x112xi32, #tpu.memory_space<hbm>> -> memref<2x112xi32, #tpu.memory_space<hbm>>
        tpu.enqueue_dma source(%dma_start3A_316 : memref<2x112xi32, #tpu.memory_space<hbm>>) target(%arg7 : memref<2x112xi32, #tpu.memory_space<vmem>>) target_semaphore(%arg17 : memref<!tpu.dma_semaphore, #tpu.memory_space<semaphore_mem>>)
      } else {
      }
    }
    %scan3A_65 = arith.constant 22 : i32
    %dma_wait3A_66 = arith.constant 89 : i32
    %dma_wait3A_67 = arith.constant 0 : i32
    %dma_wait3A_68 = arith.constant 0 : i32
    %dma_wait3A_69 = tpu.memref_slice %arg3[%add3A, %dma_wait3A_66, %dma_wait3A_67, %dma_wait3A_68] : memref<32x90x2x112xi32, #tpu.memory_space<hbm>> -> memref<1x1x2x112xi32, #tpu.memory_space<hbm>>
    %dma_wait3A_70 = tpu.memref_squeeze %dma_wait3A_69 : memref<1x1x2x112xi32, #tpu.memory_space<hbm>> -> memref<2x112xi32, #tpu.memory_space<hbm>>
    %dma_wait3A_71 = arith.constant 0 : i32
    %dma_wait3A_72 = arith.constant 0 : i32
    %dma_wait3A_73 = tpu.memref_slice %arg3[%add3A, %dma_wait3A_66, %dma_wait3A_71, %dma_wait3A_72] : memref<32x90x2x112xi32, #tpu.memory_space<hbm>> -> memref<1x1x2x112xi32, #tpu.memory_space<hbm>>
    %dma_wait3A_74 = tpu.memref_squeeze %dma_wait3A_73 : memref<1x1x2x112xi32, #tpu.memory_space<hbm>> -> memref<2x112xi32, #tpu.memory_space<hbm>>
    tpu.wait_dma2 semaphore(%arg16 : memref<!tpu.dma_semaphore, #tpu.memory_space<semaphore_mem>>) src(%dma_wait3A_74 : memref<2x112xi32, #tpu.memory_space<hbm>>) dst(%arg6 : memref<2x112xi32, #tpu.memory_space<vmem>>)
    %dma_wait3A_75 = arith.constant 0 : i32
    %dma_wait3A_76 = arith.constant 0 : i32
    %dma_wait3A_77 = tpu.memref_slice %arg5[%dma_wait3A_75, %dma_wait3A_76] : memref<2x112xi32, #tpu.memory_space<vmem>> -> memref<1x112xi32, #tpu.memory_space<vmem>>
    %dma_wait3A_78 = tpu.memref_squeeze %dma_wait3A_77 : memref<1x112xi32, #tpu.memory_space<vmem>> -> memref<112xi32, #tpu.memory_space<vmem>>
    %dma_wait3A_79 = arith.constant 0 : i32
    %dma_wait3A_80 = arith.constant 0 : i32
    %dma_wait3A_81 = tpu.memref_slice %arg2[%dma_wait3A_79, %dma_wait3A_80] : memref<10000x128xf32, #tpu.memory_space<hbm>> -> memref<10000x128xf32, #tpu.memory_space<hbm>>
    tpu.wait_indirect_dma semaphore(%arg19 : memref<!tpu.dma_semaphore, #tpu.memory_space<semaphore_mem>>) src(%dma_wait3A_81 : memref<10000x128xf32, #tpu.memory_space<hbm>>) dst(%arg9 : memref<112x128xf32, #tpu.memory_space<vmem>>)
    %dma_start3A_82 = arith.constant 1 : i32
    %dma_start3A_83 = arith.constant 0 : i32
    %dma_start3A_84 = tpu.memref_slice %arg5[%dma_start3A_82, %dma_start3A_83] : memref<2x112xi32, #tpu.memory_space<vmem>> -> memref<1x112xi32, #tpu.memory_space<vmem>>
    %dma_start3A_85 = tpu.memref_squeeze %dma_start3A_84 : memref<1x112xi32, #tpu.memory_space<vmem>> -> memref<112xi32, #tpu.memory_space<vmem>>
    %dma_start3A_86 = arith.constant 0 : i32
    %dma_start3A_87 = arith.constant 0 : i32
    %dma_start3A_88 = tpu.memref_slice %arg13[%dma_start3A_86, %dma_start3A_87] : memref<10240x128xf32, #tpu.memory_space<vmem_shared>> -> memref<10240x128xf32, #tpu.memory_space<vmem_shared>>
    tpu.enqueue_indirect_dma source(%arg9 : memref<112x128xf32, #tpu.memory_space<vmem>>) target(%dma_start3A_88 : memref<10240x128xf32, #tpu.memory_space<vmem_shared>>) offsets(%dma_start3A_85 : memref<112xi32, #tpu.memory_space<vmem>>) semaphore(%arg21 : memref<!tpu.dma_semaphore, #tpu.memory_space<semaphore_mem>>) {add = true}
    %dma_wait3A_89 = arith.constant 1 : i32
    %dma_wait3A_90 = arith.constant 0 : i32
    %dma_wait3A_91 = tpu.memref_slice %arg8[%dma_wait3A_89, %dma_wait3A_90] : memref<2x112xi32, #tpu.memory_space<vmem>> -> memref<1x112xi32, #tpu.memory_space<vmem>>
    %dma_wait3A_92 = tpu.memref_squeeze %dma_wait3A_91 : memref<1x112xi32, #tpu.memory_space<vmem>> -> memref<112xi32, #tpu.memory_space<vmem>>
    %dma_wait3A_93 = arith.constant 0 : i32
    %dma_wait3A_94 = arith.constant 0 : i32
    %dma_wait3A_95 = tpu.memref_slice %arg13[%dma_wait3A_93, %dma_wait3A_94] : memref<10240x128xf32, #tpu.memory_space<vmem_shared>> -> memref<10240x128xf32, #tpu.memory_space<vmem_shared>>
    tpu.wait_indirect_dma semaphore(%arg22 : memref<!tpu.dma_semaphore, #tpu.memory_space<semaphore_mem>>) src(%arg10 : memref<112x128xf32, #tpu.memory_space<vmem>>) dst(%dma_wait3A_95 : memref<10240x128xf32, #tpu.memory_space<vmem_shared>>)
    %dma_start3A_96 = arith.constant 0 : i32
    %dma_start3A_97 = arith.constant 0 : i32
    %dma_start3A_98 = tpu.memref_slice %arg6[%dma_start3A_96, %dma_start3A_97] : memref<2x112xi32, #tpu.memory_space<vmem>> -> memref<1x112xi32, #tpu.memory_space<vmem>>
    %dma_start3A_99 = tpu.memref_squeeze %dma_start3A_98 : memref<1x112xi32, #tpu.memory_space<vmem>> -> memref<112xi32, #tpu.memory_space<vmem>>
    %dma_start3A_100 = arith.constant 0 : i32
    %dma_start3A_101 = arith.constant 0 : i32
    %dma_start3A_102 = tpu.memref_slice %arg2[%dma_start3A_100, %dma_start3A_101] : memref<10000x128xf32, #tpu.memory_space<hbm>> -> memref<10000x128xf32, #tpu.memory_space<hbm>>
    tpu.enqueue_indirect_dma source(%dma_start3A_102 : memref<10000x128xf32, #tpu.memory_space<hbm>>) target(%arg10 : memref<112x128xf32, #tpu.memory_space<vmem>>) offsets(%dma_start3A_99 : memref<112xi32, #tpu.memory_space<vmem>>) semaphore(%arg20 : memref<!tpu.dma_semaphore, #tpu.memory_space<semaphore_mem>>)
    %dma_wait3A_103 = arith.constant 0 : i32
    %dma_wait3A_104 = arith.constant 0 : i32
    %dma_wait3A_105 = tpu.memref_slice %arg6[%dma_wait3A_103, %dma_wait3A_104] : memref<2x112xi32, #tpu.memory_space<vmem>> -> memref<1x112xi32, #tpu.memory_space<vmem>>
    %dma_wait3A_106 = tpu.memref_squeeze %dma_wait3A_105 : memref<1x112xi32, #tpu.memory_space<vmem>> -> memref<112xi32, #tpu.memory_space<vmem>>
    %dma_wait3A_107 = arith.constant 0 : i32
    %dma_wait3A_108 = arith.constant 0 : i32
    %dma_wait3A_109 = tpu.memref_slice %arg2[%dma_wait3A_107, %dma_wait3A_108] : memref<10000x128xf32, #tpu.memory_space<hbm>> -> memref<10000x128xf32, #tpu.memory_space<hbm>>
    tpu.wait_indirect_dma semaphore(%arg20 : memref<!tpu.dma_semaphore, #tpu.memory_space<semaphore_mem>>) src(%dma_wait3A_109 : memref<10000x128xf32, #tpu.memory_space<hbm>>) dst(%arg10 : memref<112x128xf32, #tpu.memory_space<vmem>>)
    %dma_start3A_110 = arith.constant 1 : i32
    %dma_start3A_111 = arith.constant 0 : i32
    %dma_start3A_112 = tpu.memref_slice %arg6[%dma_start3A_110, %dma_start3A_111] : memref<2x112xi32, #tpu.memory_space<vmem>> -> memref<1x112xi32, #tpu.memory_space<vmem>>
    %dma_start3A_113 = tpu.memref_squeeze %dma_start3A_112 : memref<1x112xi32, #tpu.memory_space<vmem>> -> memref<112xi32, #tpu.memory_space<vmem>>
    %dma_start3A_114 = arith.constant 0 : i32
    %dma_start3A_115 = arith.constant 0 : i32
    %dma_start3A_116 = tpu.memref_slice %arg13[%dma_start3A_114, %dma_start3A_115] : memref<10240x128xf32, #tpu.memory_space<vmem_shared>> -> memref<10240x128xf32, #tpu.memory_space<vmem_shared>>
    tpu.enqueue_indirect_dma source(%arg10 : memref<112x128xf32, #tpu.memory_space<vmem>>) target(%dma_start3A_116 : memref<10240x128xf32, #tpu.memory_space<vmem_shared>>) offsets(%dma_start3A_113 : memref<112xi32, #tpu.memory_space<vmem>>) semaphore(%arg22 : memref<!tpu.dma_semaphore, #tpu.memory_space<semaphore_mem>>) {add = true}
    %dma_wait3A_117 = arith.constant 1 : i32
    %dma_wait3A_118 = arith.constant 0 : i32
    %dma_wait3A_119 = tpu.memref_slice %arg5[%dma_wait3A_117, %dma_wait3A_118] : memref<2x112xi32, #tpu.memory_space<vmem>> -> memref<1x112xi32, #tpu.memory_space<vmem>>
    %dma_wait3A_120 = tpu.memref_squeeze %dma_wait3A_119 : memref<1x112xi32, #tpu.memory_space<vmem>> -> memref<112xi32, #tpu.memory_space<vmem>>
    %dma_wait3A_121 = arith.constant 0 : i32
    %dma_wait3A_122 = arith.constant 0 : i32
    %dma_wait3A_123 = tpu.memref_slice %arg13[%dma_wait3A_121, %dma_wait3A_122] : memref<10240x128xf32, #tpu.memory_space<vmem_shared>> -> memref<10240x128xf32, #tpu.memory_space<vmem_shared>>
    tpu.wait_indirect_dma semaphore(%arg21 : memref<!tpu.dma_semaphore, #tpu.memory_space<semaphore_mem>>) src(%arg9 : memref<112x128xf32, #tpu.memory_space<vmem>>) dst(%dma_wait3A_123 : memref<10240x128xf32, #tpu.memory_space<vmem_shared>>)
    %dma_wait3A_124 = arith.constant 1 : i32
    %dma_wait3A_125 = arith.constant 0 : i32
    %dma_wait3A_126 = tpu.memref_slice %arg6[%dma_wait3A_124, %dma_wait3A_125] : memref<2x112xi32, #tpu.memory_space<vmem>> -> memref<1x112xi32, #tpu.memory_space<vmem>>
    %dma_wait3A_127 = tpu.memref_squeeze %dma_wait3A_126 : memref<1x112xi32, #tpu.memory_space<vmem>> -> memref<112xi32, #tpu.memory_space<vmem>>
    %dma_wait3A_128 = arith.constant 0 : i32
    %dma_wait3A_129 = arith.constant 0 : i32
    %dma_wait3A_130 = tpu.memref_slice %arg13[%dma_wait3A_128, %dma_wait3A_129] : memref<10240x128xf32, #tpu.memory_space<vmem_shared>> -> memref<10240x128xf32, #tpu.memory_space<vmem_shared>>
    tpu.wait_indirect_dma semaphore(%arg22 : memref<!tpu.dma_semaphore, #tpu.memory_space<semaphore_mem>>) src(%arg10 : memref<112x128xf32, #tpu.memory_space<vmem>>) dst(%dma_wait3A_130 : memref<10240x128xf32, #tpu.memory_space<vmem_shared>>)
    %barrier3A_131 = arith.constant 0 : index
    tpu.barrier barrier_id(%barrier3A_131)
    %mul3A_132 = arith.constant 640 : i32
    %mul3A_133 = arith.muli %arg1, %mul3A_132 : i32
    %mul3A_134 = arith.constant 640 : i32
    %mul3A_135 = arith.muli %arg1, %mul3A_134 : i32
    "tpu.region"() ({
      %run_scoped3A = tpu.sem_alloc : memref<!tpu.dma_semaphore, #tpu.memory_space<semaphore_mem>>
      %dma_start3A_136 = arith.constant 0 : i32
      %dma_start3A_137 = tpu.memref_slice %arg4[%arg0, %mul3A_135, %dma_start3A_136] : memref<2x10240x128xf32, #tpu.memory_space<hbm>> -> memref<1x640x128xf32, #tpu.memory_space<hbm>>
      %dma_start3A_138 = tpu.memref_squeeze %dma_start3A_137 : memref<1x640x128xf32, #tpu.memory_space<hbm>> -> memref<640x128xf32, #tpu.memory_space<hbm>>
      %dma_start3A_139 = arith.constant 0 : i32
      %dma_start3A_140 = tpu.memref_slice %arg13[%mul3A_133, %dma_start3A_139] : memref<10240x128xf32, #tpu.memory_space<vmem_shared>> -> memref<640x128xf32, #tpu.memory_space<vmem_shared>>
      tpu.enqueue_dma source(%dma_start3A_140 : memref<640x128xf32, #tpu.memory_space<vmem_shared>>) target(%dma_start3A_138 : memref<640x128xf32, #tpu.memory_space<hbm>>) target_semaphore(%run_scoped3A : memref<!tpu.dma_semaphore, #tpu.memory_space<semaphore_mem>>)
      %dma_wait3A_141 = arith.constant 0 : i32
      %dma_wait3A_142 = tpu.memref_slice %arg4[%arg0, %mul3A_135, %dma_wait3A_141] : memref<2x10240x128xf32, #tpu.memory_space<hbm>> -> memref<1x640x128xf32, #tpu.memory_space<hbm>>
      %dma_wait3A_143 = tpu.memref_squeeze %dma_wait3A_142 : memref<1x640x128xf32, #tpu.memory_space<hbm>> -> memref<640x128xf32, #tpu.memory_space<hbm>>
      %dma_wait3A_144 = arith.constant 0 : i32
      %dma_wait3A_145 = tpu.memref_slice %arg13[%mul3A_133, %dma_wait3A_144] : memref<10240x128xf32, #tpu.memory_space<vmem_shared>> -> memref<640x128xf32, #tpu.memory_space<vmem_shared>>
      tpu.wait_dma2 semaphore(%run_scoped3A : memref<!tpu.dma_semaphore, #tpu.memory_space<semaphore_mem>>) src(%dma_wait3A_145 : memref<640x128xf32, #tpu.memory_space<vmem_shared>>) dst(%dma_wait3A_143 : memref<640x128xf32, #tpu.memory_space<hbm>>)
      tpu.yield
    }) : () -> ()
    return
  }
}

module attributes {stable_mosaic.version = 14 : i64} {
  func.func @_tc_root_body(%arg0: i32, %arg1: memref<2000x128xf32, #tpu.memory_space<vmem>>, %arg2: memref<128x128xf32, #tpu.memory_space<vmem>>, %arg3: memref<1x128xf32, #tpu.memory_space<vmem>>, %arg4: memref<2000x128xf32, #tpu.memory_space<vmem>>) attributes {dimension_semantics = [#tpu.dimension_semantics<arbitrary>], iteration_bounds = array<i64: 5>, scalar_prefetch = 0 : i64, scratch_operands = 0 : i64, tpu.core_type = #tpu.core_type<tc>, window_params = [{transform_indices = @transform_0, window_bounds = array<i64: 2000, 128>}, {pipeline_mode = #tpu.pipeline_mode<synchronous>, transform_indices = @transform_1, window_bounds = array<i64: 128, 128>}, {pipeline_mode = #tpu.pipeline_mode<synchronous>, transform_indices = @transform_2, window_bounds = array<i64: 1, 128>}, {transform_indices = @transform_3, window_bounds = array<i64: 2000, 128>}]} {
    %get3A = arith.constant 0 : index
    %get3A_0 = arith.constant 0 : index
    %get3A_1 = vector.load %arg1[%get3A, %get3A_0] : memref<2000x128xf32, #tpu.memory_space<vmem>>, vector<2000x128xf32>
    %get3A_2 = arith.constant 0 : index
    %get3A_3 = arith.constant 0 : index
    %get3A_4 = vector.load %arg2[%get3A_2, %get3A_3] : memref<128x128xf32, #tpu.memory_space<vmem>>, vector<128x128xf32>
    %dot_general3A = arith.constant dense<0.000000e+00> : vector<2000x128xf32>
    %dot_general3A_5 = tpu.matmul %get3A_1, %get3A_4, %dot_general3A {dimension_numbers = #tpu.dot_dimension_numbers<[1], [1], [0], [0], [0, 0, 1, 0], [], []>, transpose_lhs_hint = false} : vector<2000x128xf32>, vector<128x128xf32>, vector<2000x128xf32> -> vector<2000x128xf32>
    %get3A_6 = arith.constant 0 : index
    %get3A_7 = arith.constant 0 : index
    %get3A_8 = vector.load %arg3[%get3A_6, %get3A_7] : memref<1x128xf32, #tpu.memory_space<vmem>>, vector<1x128xf32>
    %add3A = vector.broadcast %get3A_8 : vector<1x128xf32> to vector<2000x128xf32>
    %add3A_9 = arith.addf %dot_general3A_5, %add3A : vector<2000x128xf32>
    %swap3A = arith.constant 0 : index
    %swap3A_10 = arith.constant 0 : index
    %swap3A_11 = vector.load %arg4[%swap3A, %swap3A_10] : memref<2000x128xf32, #tpu.memory_space<vmem>>, vector<2000x128xf32>
    tpu.vector_store %arg4[%swap3A, %swap3A_10], %add3A_9 {strides = array<i32>} : memref<2000x128xf32, #tpu.memory_space<vmem>>, vector<2000x128xf32>,
    return
  }
  func.func @transform_0(%arg0: i32) -> (i32, i32) {
    %c0_i32 = arith.constant 0 : i32
    %c0_i32_0 = arith.constant 0 : i32
    return %arg0, %c0_i32 : i32, i32
  }
  func.func @transform_1(%arg0: i32) -> (i32, i32) {
    %c0_i32 = arith.constant 0 : i32
    %c0_i32_0 = arith.constant 0 : i32
    %c0_i32_1 = arith.constant 0 : i32
    return %c0_i32, %c0_i32_0 : i32, i32
  }
  func.func @transform_2(%arg0: i32) -> (i32, i32) {
    %c0_i32 = arith.constant 0 : i32
    %c0_i32_0 = arith.constant 0 : i32
    %c0_i32_1 = arith.constant 0 : i32
    return %c0_i32, %c0_i32_0 : i32, i32
  }
  func.func @transform_3(%arg0: i32) -> (i32, i32) {
    %c0_i32 = arith.constant 0 : i32
    %c0_i32_0 = arith.constant 0 : i32
    return %arg0, %c0_i32 : i32, i32
  }
}

module attributes {stable_mosaic.version = 14 : i64} {
  func.func @_tc_comb1_body(%arg0: i32, %arg1: memref<2x2000x128xf32, #tpu.memory_space<vmem>>, %arg2: memref<2x2000x1xf32, #tpu.memory_space<vmem>>, %arg3: memref<2000x128xf32, #tpu.memory_space<vmem>>, %arg4: memref<128x128xf32, #tpu.memory_space<vmem>>, %arg5: memref<2000x128xf32, #tpu.memory_space<vmem>>, %arg6: memref<2000x1xf32, #tpu.memory_space<vmem>>) attributes {dimension_semantics = [#tpu.dimension_semantics<arbitrary>], iteration_bounds = array<i64: 5>, scalar_prefetch = 0 : i64, scratch_operands = 0 : i64, tpu.core_type = #tpu.core_type<tc>, window_params = [{transform_indices = @transform_0, window_bounds = array<i64: 2, 2000, 128>}, {transform_indices = @transform_1, window_bounds = array<i64: 2, 2000, 1>}, {transform_indices = @transform_2, window_bounds = array<i64: 2000, 128>}, {pipeline_mode = #tpu.pipeline_mode<synchronous>, transform_indices = @transform_3, window_bounds = array<i64: 128, 128>}, {transform_indices = @transform_4, window_bounds = array<i64: 2000, 128>}, {transform_indices = @transform_5, window_bounds = array<i64: 2000, 1>}]} {
    %get3A = arith.constant 0 : index
    %get3A_0 = arith.constant 0 : index
    %get3A_1 = arith.constant 0 : index
    %get3A_2 = vector.load %arg2[%get3A, %get3A_0, %get3A_1] : memref<2x2000x1xf32, #tpu.memory_space<vmem>>, vector<1x2000x1xf32>
    %get3A_3 = vector.shape_cast %get3A_2 : vector<1x2000x1xf32> to vector<2000x1xf32>
    %get3A_4 = arith.constant 1 : index
    %get3A_5 = arith.constant 0 : index
    %get3A_6 = arith.constant 0 : index
    %get3A_7 = vector.load %arg2[%get3A_4, %get3A_5, %get3A_6] : memref<2x2000x1xf32, #tpu.memory_space<vmem>>, vector<1x2000x1xf32>
    %get3A_8 = vector.shape_cast %get3A_7 : vector<1x2000x1xf32> to vector<2000x1xf32>
    %add3A = arith.addf %get3A_3, %get3A_8 : vector<2000x1xf32>
    %max3A = arith.constant 1.000000e+00 : f32
    %max3A_9 = vector.broadcast %max3A : f32 to vector<2000x1xf32>
    %max3A_10 = arith.maximumf %add3A, %max3A_9 : vector<2000x1xf32>
    %div3A = arith.constant 1.000000e+00 : f32
    %div3A_11 = vector.broadcast %div3A : f32 to vector<2000x1xf32>
    %div3A_12 = arith.divf %div3A_11, %max3A_10 : vector<2000x1xf32>
    %get3A_13 = arith.constant 0 : index
    %get3A_14 = arith.constant 0 : index
    %get3A_15 = arith.constant 0 : index
    %get3A_16 = vector.load %arg1[%get3A_13, %get3A_14, %get3A_15] : memref<2x2000x128xf32, #tpu.memory_space<vmem>>, vector<1x2000x128xf32>
    %get3A_17 = vector.shape_cast %get3A_16 : vector<1x2000x128xf32> to vector<2000x128xf32>
    %get3A_18 = arith.constant 1 : index
    %get3A_19 = arith.constant 0 : index
    %get3A_20 = arith.constant 0 : index
    %get3A_21 = vector.load %arg1[%get3A_18, %get3A_19, %get3A_20] : memref<2x2000x128xf32, #tpu.memory_space<vmem>>, vector<1x2000x128xf32>
    %get3A_22 = vector.shape_cast %get3A_21 : vector<1x2000x128xf32> to vector<2000x128xf32>
    %add3A_23 = arith.addf %get3A_17, %get3A_22 : vector<2000x128xf32>
    %mul3A = vector.broadcast %div3A_12 : vector<2000x1xf32> to vector<2000x128xf32>
    %mul3A_24 = arith.mulf %add3A_23, %mul3A : vector<2000x128xf32>
    %get3A_25 = arith.constant 0 : index
    %get3A_26 = arith.constant 0 : index
    %get3A_27 = vector.load %arg4[%get3A_25, %get3A_26] : memref<128x128xf32, #tpu.memory_space<vmem>>, vector<128x128xf32>
    %dot_general3A = arith.constant dense<0.000000e+00> : vector<2000x128xf32>
    %dot_general3A_28 = tpu.matmul %mul3A_24, %get3A_27, %dot_general3A {dimension_numbers = #tpu.dot_dimension_numbers<[1], [1], [0], [0], [0, 0, 1, 0], [], []>, transpose_lhs_hint = false} : vector<2000x128xf32>, vector<128x128xf32>, vector<2000x128xf32> -> vector<2000x128xf32>
    %get3A_29 = arith.constant 0 : index
    %get3A_30 = arith.constant 0 : index
    %get3A_31 = vector.load %arg3[%get3A_29, %get3A_30] : memref<2000x128xf32, #tpu.memory_space<vmem>>, vector<2000x128xf32>
    %add3A_32 = arith.addf %dot_general3A_28, %get3A_31 : vector<2000x128xf32>
    %max3A_33 = arith.constant 0.000000e+00 : f32
    %max3A_34 = vector.broadcast %max3A_33 : f32 to vector<2000x128xf32>
    %max3A_35 = arith.maximumf %add3A_32, %max3A_34 : vector<2000x128xf32>
    %swap3A = arith.constant 0 : index
    %swap3A_36 = arith.constant 0 : index
    %swap3A_37 = vector.load %arg5[%swap3A, %swap3A_36] : memref<2000x128xf32, #tpu.memory_space<vmem>>, vector<2000x128xf32>
    tpu.vector_store %arg5[%swap3A, %swap3A_36], %max3A_35 {strides = array<i32>} : memref<2000x128xf32, #tpu.memory_space<vmem>>, vector<2000x128xf32>,
    %swap3A_38 = arith.constant 0 : index
    %swap3A_39 = arith.constant 0 : index
    %swap3A_40 = vector.load %arg6[%swap3A_38, %swap3A_39] : memref<2000x1xf32, #tpu.memory_space<vmem>>, vector<2000x1xf32>
    tpu.vector_store %arg6[%swap3A_38, %swap3A_39], %div3A_12 {strides = array<i32>} : memref<2000x1xf32, #tpu.memory_space<vmem>>, vector<2000x1xf32>,
    return
  }
  func.func @transform_0(%arg0: i32) -> (i32, i32, i32) {
    %c0_i32 = arith.constant 0 : i32
    %c0_i32_0 = arith.constant 0 : i32
    %c0_i32_1 = arith.constant 0 : i32
    return %c0_i32, %arg0, %c0_i32_0 : i32, i32, i32
  }
  func.func @transform_1(%arg0: i32) -> (i32, i32, i32) {
    %c0_i32 = arith.constant 0 : i32
    %c0_i32_0 = arith.constant 0 : i32
    %c0_i32_1 = arith.constant 0 : i32
    return %c0_i32, %arg0, %c0_i32_0 : i32, i32, i32
  }
  func.func @transform_2(%arg0: i32) -> (i32, i32) {
    %c0_i32 = arith.constant 0 : i32
    %c0_i32_0 = arith.constant 0 : i32
    return %arg0, %c0_i32 : i32, i32
  }
  func.func @transform_3(%arg0: i32) -> (i32, i32) {
    %c0_i32 = arith.constant 0 : i32
    %c0_i32_0 = arith.constant 0 : i32
    %c0_i32_1 = arith.constant 0 : i32
    return %c0_i32, %c0_i32_0 : i32, i32
  }
  func.func @transform_4(%arg0: i32) -> (i32, i32) {
    %c0_i32 = arith.constant 0 : i32
    %c0_i32_0 = arith.constant 0 : i32
    return %arg0, %c0_i32 : i32, i32
  }
  func.func @transform_5(%arg0: i32) -> (i32, i32) {
    %c0_i32 = arith.constant 0 : i32
    %c0_i32_0 = arith.constant 0 : i32
    return %arg0, %c0_i32 : i32, i32
  }
}

module attributes {stable_mosaic.version = 14 : i64} {
  func.func @_tc_comb2_body(%arg0: i32, %arg1: memref<2x2000x128xf32, #tpu.memory_space<vmem>>, %arg2: memref<2000x1xf32, #tpu.memory_space<vmem>>, %arg3: memref<2000x128xf32, #tpu.memory_space<vmem>>, %arg4: memref<128x128xf32, #tpu.memory_space<vmem>>, %arg5: memref<1x128xf32, #tpu.memory_space<vmem>>, %arg6: memref<1x128xf32, #tpu.memory_space<vmem>>, %arg7: memref<2000x1xf32, #tpu.memory_space<vmem>>, %arg8: memref<2000x1xf32, #tpu.memory_space<vmem>>) attributes {dimension_semantics = [#tpu.dimension_semantics<arbitrary>], iteration_bounds = array<i64: 5>, scalar_prefetch = 0 : i64, scratch_operands = 0 : i64, tpu.core_type = #tpu.core_type<tc>, window_params = [{transform_indices = @transform_0, window_bounds = array<i64: 2, 2000, 128>}, {transform_indices = @transform_1, window_bounds = array<i64: 2000, 1>}, {transform_indices = @transform_2, window_bounds = array<i64: 2000, 128>}, {pipeline_mode = #tpu.pipeline_mode<synchronous>, transform_indices = @transform_3, window_bounds = array<i64: 128, 128>}, {pipeline_mode = #tpu.pipeline_mode<synchronous>, transform_indices = @transform_4, window_bounds = array<i64: 1, 128>}, {pipeline_mode = #tpu.pipeline_mode<synchronous>, transform_indices = @transform_5, window_bounds = array<i64: 1, 128>}, {transform_indices = @transform_6, window_bounds = array<i64: 2000, 1>}, {transform_indices = @transform_7, window_bounds = array<i64: 2000, 1>}]} {
    %get3A = arith.constant 0 : index
    %get3A_0 = arith.constant 0 : index
    %get3A_1 = arith.constant 0 : index
    %get3A_2 = vector.load %arg1[%get3A, %get3A_0, %get3A_1] : memref<2x2000x128xf32, #tpu.memory_space<vmem>>, vector<1x2000x128xf32>
    %get3A_3 = vector.shape_cast %get3A_2 : vector<1x2000x128xf32> to vector<2000x128xf32>
    %get3A_4 = arith.constant 1 : index
    %get3A_5 = arith.constant 0 : index
    %get3A_6 = arith.constant 0 : index
    %get3A_7 = vector.load %arg1[%get3A_4, %get3A_5, %get3A_6] : memref<2x2000x128xf32, #tpu.memory_space<vmem>>, vector<1x2000x128xf32>
    %get3A_8 = vector.shape_cast %get3A_7 : vector<1x2000x128xf32> to vector<2000x128xf32>
    %add3A = arith.addf %get3A_3, %get3A_8 : vector<2000x128xf32>
    %get3A_9 = arith.constant 0 : index
    %get3A_10 = arith.constant 0 : index
    %get3A_11 = vector.load %arg2[%get3A_9, %get3A_10] : memref<2000x1xf32, #tpu.memory_space<vmem>>, vector<2000x1xf32>
    %mul3A = vector.broadcast %get3A_11 : vector<2000x1xf32> to vector<2000x128xf32>
    %mul3A_12 = arith.mulf %add3A, %mul3A : vector<2000x128xf32>
    %get3A_13 = arith.constant 0 : index
    %get3A_14 = arith.constant 0 : index
    %get3A_15 = vector.load %arg4[%get3A_13, %get3A_14] : memref<128x128xf32, #tpu.memory_space<vmem>>, vector<128x128xf32>
    %dot_general3A = arith.constant dense<0.000000e+00> : vector<2000x128xf32>
    %dot_general3A_16 = tpu.matmul %mul3A_12, %get3A_15, %dot_general3A {dimension_numbers = #tpu.dot_dimension_numbers<[1], [1], [0], [0], [0, 0, 1, 0], [], []>, transpose_lhs_hint = false} : vector<2000x128xf32>, vector<128x128xf32>, vector<2000x128xf32> -> vector<2000x128xf32>
    %get3A_17 = arith.constant 0 : index
    %get3A_18 = arith.constant 0 : index
    %get3A_19 = vector.load %arg3[%get3A_17, %get3A_18] : memref<2000x128xf32, #tpu.memory_space<vmem>>, vector<2000x128xf32>
    %add3A_20 = arith.addf %dot_general3A_16, %get3A_19 : vector<2000x128xf32>
    %max3A = arith.constant 0.000000e+00 : f32
    %max3A_21 = vector.broadcast %max3A : f32 to vector<2000x128xf32>
    %max3A_22 = arith.maximumf %add3A_20, %max3A_21 : vector<2000x128xf32>
    %get3A_23 = arith.constant 0 : index
    %get3A_24 = arith.constant 0 : index
    %get3A_25 = vector.load %arg5[%get3A_23, %get3A_24] : memref<1x128xf32, #tpu.memory_space<vmem>>, vector<1x128xf32>
    %dot_general3A_26 = arith.constant dense<0.000000e+00> : vector<2000x1xf32>
    %dot_general3A_27 = tpu.matmul %max3A_22, %get3A_25, %dot_general3A_26 {dimension_numbers = #tpu.dot_dimension_numbers<[1], [1], [0], [0], [0, 0, 1, 0], [], []>, transpose_lhs_hint = false} : vector<2000x128xf32>, vector<1x128xf32>, vector<2000x1xf32> -> vector<2000x1xf32>
    %swap3A = arith.constant 0 : index
    %swap3A_28 = arith.constant 0 : index
    %swap3A_29 = vector.load %arg7[%swap3A, %swap3A_28] : memref<2000x1xf32, #tpu.memory_space<vmem>>, vector<2000x1xf32>
    tpu.vector_store %arg7[%swap3A, %swap3A_28], %dot_general3A_27 {strides = array<i32>} : memref<2000x1xf32, #tpu.memory_space<vmem>>, vector<2000x1xf32>,
    %get3A_30 = arith.constant 0 : index
    %get3A_31 = arith.constant 0 : index
    %get3A_32 = vector.load %arg6[%get3A_30, %get3A_31] : memref<1x128xf32, #tpu.memory_space<vmem>>, vector<1x128xf32>
    %dot_general3A_33 = arith.constant dense<0.000000e+00> : vector<2000x1xf32>
    %dot_general3A_34 = tpu.matmul %max3A_22, %get3A_32, %dot_general3A_33 {dimension_numbers = #tpu.dot_dimension_numbers<[1], [1], [0], [0], [0, 0, 1, 0], [], []>, transpose_lhs_hint = false} : vector<2000x128xf32>, vector<1x128xf32>, vector<2000x1xf32> -> vector<2000x1xf32>
    %swap3A_35 = arith.constant 0 : index
    %swap3A_36 = arith.constant 0 : index
    %swap3A_37 = vector.load %arg8[%swap3A_35, %swap3A_36] : memref<2000x1xf32, #tpu.memory_space<vmem>>, vector<2000x1xf32>
    tpu.vector_store %arg8[%swap3A_35, %swap3A_36], %dot_general3A_34 {strides = array<i32>} : memref<2000x1xf32, #tpu.memory_space<vmem>>, vector<2000x1xf32>,
    return
  }
  func.func @transform_0(%arg0: i32) -> (i32, i32, i32) {
    %c0_i32 = arith.constant 0 : i32
    %c0_i32_0 = arith.constant 0 : i32
    %c0_i32_1 = arith.constant 0 : i32
    return %c0_i32, %arg0, %c0_i32_0 : i32, i32, i32
  }
  func.func @transform_1(%arg0: i32) -> (i32, i32) {
    %c0_i32 = arith.constant 0 : i32
    %c0_i32_0 = arith.constant 0 : i32
    return %arg0, %c0_i32 : i32, i32
  }
  func.func @transform_2(%arg0: i32) -> (i32, i32) {
    %c0_i32 = arith.constant 0 : i32
    %c0_i32_0 = arith.constant 0 : i32
    return %arg0, %c0_i32 : i32, i32
  }
  func.func @transform_3(%arg0: i32) -> (i32, i32) {
    %c0_i32 = arith.constant 0 : i32
    %c0_i32_0 = arith.constant 0 : i32
    %c0_i32_1 = arith.constant 0 : i32
    return %c0_i32, %c0_i32_0 : i32, i32
  }
  func.func @transform_4(%arg0: i32) -> (i32, i32) {
    %c0_i32 = arith.constant 0 : i32
    %c0_i32_0 = arith.constant 0 : i32
    %c0_i32_1 = arith.constant 0 : i32
    return %c0_i32, %c0_i32_0 : i32, i32
  }
  func.func @transform_5(%arg0: i32) -> (i32, i32) {
    %c0_i32 = arith.constant 0 : i32
    %c0_i32_0 = arith.constant 0 : i32
    %c0_i32_1 = arith.constant 0 : i32
    return %c0_i32, %c0_i32_0 : i32, i32
  }
  func.func @transform_6(%arg0: i32) -> (i32, i32) {
    %c0_i32 = arith.constant 0 : i32
    %c0_i32_0 = arith.constant 0 : i32
    return %arg0, %c0_i32 : i32, i32
  }
  func.func @transform_7(%arg0: i32) -> (i32, i32) {
    %c0_i32 = arith.constant 0 : i32
    %c0_i32_0 = arith.constant 0 : i32
    return %arg0, %c0_i32 : i32, i32
  }
}

module attributes {stable_mosaic.version = 14 : i64} {
  func.func @_tc_layer3_body(%arg0: i32, %arg1: memref<2x2000x1xf32, #tpu.memory_space<vmem>>, %arg2: memref<2000x1xf32, #tpu.memory_space<vmem>>, %arg3: memref<2000x1xf32, #tpu.memory_space<vmem>>, %arg4: memref<1x1xf32, #tpu.memory_space<vmem>>, %arg5: memref<2000x1xf32, #tpu.memory_space<vmem>>) attributes {dimension_semantics = [#tpu.dimension_semantics<arbitrary>], iteration_bounds = array<i64: 5>, scalar_prefetch = 0 : i64, scratch_operands = 0 : i64, tpu.core_type = #tpu.core_type<tc>, window_params = [{transform_indices = @transform_0, window_bounds = array<i64: 2, 2000, 1>}, {transform_indices = @transform_1, window_bounds = array<i64: 2000, 1>}, {transform_indices = @transform_2, window_bounds = array<i64: 2000, 1>}, {pipeline_mode = #tpu.pipeline_mode<synchronous>, transform_indices = @transform_3, window_bounds = array<i64: 1, 1>}, {transform_indices = @transform_4, window_bounds = array<i64: 2000, 1>}]} {
    %get3A = arith.constant 0 : index
    %get3A_0 = arith.constant 0 : index
    %get3A_1 = arith.constant 0 : index
    %get3A_2 = vector.load %arg1[%get3A, %get3A_0, %get3A_1] : memref<2x2000x1xf32, #tpu.memory_space<vmem>>, vector<1x2000x1xf32>
    %get3A_3 = vector.shape_cast %get3A_2 : vector<1x2000x1xf32> to vector<2000x1xf32>
    %get3A_4 = arith.constant 1 : index
    %get3A_5 = arith.constant 0 : index
    %get3A_6 = arith.constant 0 : index
    %get3A_7 = vector.load %arg1[%get3A_4, %get3A_5, %get3A_6] : memref<2x2000x1xf32, #tpu.memory_space<vmem>>, vector<1x2000x1xf32>
    %get3A_8 = vector.shape_cast %get3A_7 : vector<1x2000x1xf32> to vector<2000x1xf32>
    %add3A = arith.addf %get3A_3, %get3A_8 : vector<2000x1xf32>
    %get3A_9 = arith.constant 0 : index
    %get3A_10 = arith.constant 0 : index
    %get3A_11 = vector.load %arg2[%get3A_9, %get3A_10] : memref<2000x1xf32, #tpu.memory_space<vmem>>, vector<2000x1xf32>
    %mul3A = arith.mulf %add3A, %get3A_11 : vector<2000x1xf32>
    %get3A_12 = arith.constant 0 : index
    %get3A_13 = arith.constant 0 : index
    %get3A_14 = vector.load %arg4[%get3A_12, %get3A_13] : memref<1x1xf32, #tpu.memory_space<vmem>>, vector<1x1xf32>
    %add3A_15 = vector.broadcast %get3A_14 : vector<1x1xf32> to vector<2000x1xf32>
    %add3A_16 = arith.addf %mul3A, %add3A_15 : vector<2000x1xf32>
    %get3A_17 = arith.constant 0 : index
    %get3A_18 = arith.constant 0 : index
    %get3A_19 = vector.load %arg3[%get3A_17, %get3A_18] : memref<2000x1xf32, #tpu.memory_space<vmem>>, vector<2000x1xf32>
    %add3A_20 = arith.addf %add3A_16, %get3A_19 : vector<2000x1xf32>
    %swap3A = arith.constant 0 : index
    %swap3A_21 = arith.constant 0 : index
    %swap3A_22 = vector.load %arg5[%swap3A, %swap3A_21] : memref<2000x1xf32, #tpu.memory_space<vmem>>, vector<2000x1xf32>
    tpu.vector_store %arg5[%swap3A, %swap3A_21], %add3A_20 {strides = array<i32>} : memref<2000x1xf32, #tpu.memory_space<vmem>>, vector<2000x1xf32>,
    return
  }
  func.func @transform_0(%arg0: i32) -> (i32, i32, i32) {
    %c0_i32 = arith.constant 0 : i32
    %c0_i32_0 = arith.constant 0 : i32
    %c0_i32_1 = arith.constant 0 : i32
    return %c0_i32, %arg0, %c0_i32_0 : i32, i32, i32
  }
  func.func @transform_1(%arg0: i32) -> (i32, i32) {
    %c0_i32 = arith.constant 0 : i32
    %c0_i32_0 = arith.constant 0 : i32
    return %arg0, %c0_i32 : i32, i32
  }
  func.func @transform_2(%arg0: i32) -> (i32, i32) {
    %c0_i32 = arith.constant 0 : i32
    %c0_i32_0 = arith.constant 0 : i32
    return %arg0, %c0_i32 : i32, i32
  }
  func.func @transform_3(%arg0: i32) -> (i32, i32) {
    %c0_i32 = arith.constant 0 : i32
    %c0_i32_0 = arith.constant 0 : i32
    %c0_i32_1 = arith.constant 0 : i32
    return %c0_i32, %c0_i32_0 : i32, i32
  }
  func.func @transform_4(%arg0: i32) -> (i32, i32) {
    %c0_i32 = arith.constant 0 : i32
    %c0_i32_0 = arith.constant 0 : i32
    return %arg0, %c0_i32 : i32, i32
  }
}

</mosaic_0001>

<sc_bundles>
// kernel: kernel.10.cloned.1.call-start
scs
__scs_entry_jumppad:
0x0: {  	(pc) =	sbr.rel $0x88, $3  }
0x1: {  	(tag) =	ssettag $0x0;
	lr =	simm.s32 $0x1  }
0x2: {  	[smem:$0x3F96] =	sst lr;
	_ =	strace $0xD0000000  }
0x3: {  	_ = 	snop  }
0x4: {  	_ = 	snop  }
0x5: {  	_ = 	snop  }
0x6: {  	_ = 	snop  }
0x7: {  	_ = 	snop  }
__scs_overlays_trampoline_lowered:
0x8: {  	[smem:$0x3FA5] =	sst s0  }
0x9: {  	[smem:$0x3FA6] =	sst s1  }
0xa: {  	[smem:$0x3FA7] =	sst s2  }
0xb: {  	[smem:$0x3FA8] =	sst s3  }
0xc: {  	[smem:$0x3FA9] =	sst s4  }
0xd: {  	[smem:$0x3FAA] =	sst s5  }
0xe: {  	[smem:$0x3FAB] =	sst s6  }
0xf: {  	[smem:$0x3FAC] =	sst s7  }
0x10: {  	[smem:$0x3FAD] =	sst s8  }
0x11: {  	[smem:$0x3FAE] =	sst s9;
	s0 =	simm.s32 @!p0 $0x0  }
0x12: {  	s1 =	sld [smem:$0x3F94];
	s0 =	simm.s32 @p0 $0x1  }
0x13: {  	[smem:$0x3FAF] =	sst s0;
	s0 =	simm.s32 @!p1 $0x0  }
0x14: {  	s2 =	sld [smem:$0x3F93];
	s0 =	simm.s32 @p1 $0x1  }
0x15: {  	[smem:$0x3FB0] =	sst s0;
	s0 =	simm.s32 @!p2 $0x0  }
0x16: {  	s3 =	sld [smem:$0x3FDB];
	s0 =	simm.s32 @p2 $0x1  }
0x17: {  	s4 =	simm.s32 $0x1BF5;
	[smem:$0x3FB2] =	sst s0  }
0x18: {  	s0 =	sld [smem:$0x3F95];
	_ =	swait.ge [sflag:s4], $0x0  }
0x19: {  	s7 =	sld [smem:$0x3F96]  }
0x1a: {  	s8 =	sadd.s32 $0xFFFFE003, lr  }
0x1b: {  	s9 =	sadd.s32 $0xFFFFFEF7, lr;
	s5 =	simm.s32 $0xFFFFFFFF;
	p2 =	slt.u32 s8, $0xFFFFF086  }
0x1c: {  	p1 =	slt.u32 s9, $0xF7A;
	s5 =	simm.s32 @!p2 $0x0  }
0x1d: {  	s5 =	simm.s32 @p1 $0x1;
	p0 =	seq.s32 s7, s2  }
0x1e: {  	s7 =	smul.u32 @!p0 $0xF7A, s2;
	p2 =	seq.s32 @!p0 s5, $0x0  }
0x1f: {  	s9 =	smul.u32 $0xF7A, s1;
	s8 =	simm.s32 @!p0 $0x1BF5;
	p2 =	por !p2, p0  }
0x20: {  	[sflag:s8] =	ssyncset.s32 @!p0 $0xFFFFF086;
	s6 =	sadd.s32 @!p0 s3, s7;
	s7 =	simm.s32 @!p0 $0x108  }
0x21: {  	s3 =	sadd.s32 s3, s9;
	s6 =	sadd.s32 @!p0 $0x88, s6;
	s7 =	simm.s32 @p2 $0x1082  }
0x22: {  	[simem:s7], [sflag:s8] =	dma.local @!p0 [hbm:s6], $0xF7A  }
0x23: {  	s9 =	sor.u32 $0xD0000000, s2;
	s6 =	simm.s32 $0x108;
	_ =	swait.ge @!p0 [sflag:s8], $0x0  }
0x24: {  	s3 =	sadd.s32 $0x88, s3;
	s6 =	simm.s32 @!p1 $0x1082;
	[sflag:s4] =	ssyncset.s32 $0xFFFFF086  }
0x25: {  	[simem:s6], [sflag:s4] =	dma.local [hbm:s3], $0xF7A  }
0x26: {  	[smem:$0x3F96] =	sst s1;
	(tag) =	ssettag s2;
	_ =	strace s9  }
0x27: {  	s1 =	sld [smem:$0x3FA6]  }
0x28: {  	s2 =	sld [smem:$0x3FA7]  }
0x29: {  	s4 =	sld [smem:$0x3FA9]  }
0x2a: {  	p0 =	seq.s32 s5, $0x0;
	s5 =	sld [smem:$0x3FAA]  }
0x2b: {  	s6 =	sld [smem:$0x3FAB]  }
0x2c: {  	s7 =	sld [smem:$0x3FAC]  }
0x2d: {  	s3 =	simm.s32 $0x108;
	s8 =	sld [smem:$0x3FAD]  }
0x2e: {  	s3 =	simm.s32 @!p0 $0x1082;
	s9 =	sld [smem:$0x3FAE]  }
0x2f: {  	lr =	sadd.s32 s0, s3;
	s0 =	sld [smem:$0x3FA5]  }
0x30: {  	s3 =	sld [smem:$0x3FA8]  }
0x31: {  	[smem:$0x3FB1] =	sst s10  }
0x32: {  	s10 =	sld [smem:$0x3FAF];
	_ =	sdelay $0x3  }
0x33: {  	p0 =	seq.s32 s10, $0x1;
	s10 =	sld [smem:$0x3FB1];
	_ =	sdelay $0x3  }
0x34: {  	[smem:$0x3FB1] =	sst s10  }
0x35: {  	s10 =	sld [smem:$0x3FB0];
	_ =	sdelay $0x3  }
0x36: {  	p1 =	seq.s32 s10, $0x1;
	s10 =	sld [smem:$0x3FB1];
	_ =	sdelay $0x3  }
0x37: {  	[smem:$0x3FB1] =	sst s10  }
0x38: {  	s10 =	sld [smem:$0x3FB2]  }
0x39: {  	_ = 	snop;
	(pc) =	sbr.ind lr, $3  }
0x3a: {  	_ = 	snop  }
0x3b: {  	_ = 	snop  }
0x3c: {  	p2 =	seq.s32 s10, $0x1;
	s10 =	sld [smem:$0x3FB1]  }
0x3d: {  	_ =	shalt  }
0x3e: {  	_ =	shalt  }
0x3f: {  	_ =	shalt  }
0x40: {  	_ =	shalt  }
0x41: {  	_ =	shalt  }
0x42: {  	_ =	shalt  }
0x43: {  	_ =	shalt  }
0x44: {  	_ =	shalt  }
0x45: {  	_ =	shalt  }
0x46: {  	_ =	shalt  }
0x47: {  	_ =	shalt  }
0x48: {  	_ =	shalt  }
0x49: {  	_ =	shalt  }
0x4a: {  	_ =	shalt  }
0x4b: {  	_ =	shalt  }
0x4c: {  	_ =	shalt  }
0x4d: {  	_ =	shalt  }
0x4e: {  	_ =	shalt  }
0x4f: {  	_ =	shalt  }
0x50: {  	_ =	shalt  }
0x51: {  	_ =	shalt  }
0x52: {  	_ =	shalt  }
0x53: {  	_ =	shalt  }
0x54: {  	_ =	shalt  }
0x55: {  	_ =	shalt  }
0x56: {  	_ =	shalt  }
0x57: {  	_ =	shalt  }
0x58: {  	_ =	shalt  }
0x59: {  	_ =	shalt  }
0x5a: {  	_ =	shalt  }
0x5b: {  	_ =	shalt  }
0x5c: {  	_ =	shalt  }
0x5d: {  	_ =	shalt  }
0x5e: {  	_ =	shalt  }
0x5f: {  	_ =	shalt  }
0x60: {  	_ =	shalt  }
0x61: {  	_ =	shalt  }
0x62: {  	_ =	shalt  }
0x63: {  	_ =	shalt  }
0x64: {  	_ =	shalt  }
0x65: {  	_ =	shalt  }
0x66: {  	_ =	shalt  }
0x67: {  	_ =	shalt  }
0x68: {  	_ =	shalt  }
0x69: {  	_ =	shalt  }
0x6a: {  	_ =	shalt  }
0x6b: {  	_ =	shalt  }
0x6c: {  	_ =	shalt  }
0x6d: {  	_ =	shalt  }
0x6e: {  	_ =	shalt  }
0x6f: {  	_ =	shalt  }
0x70: {  	_ =	shalt  }
0x71: {  	_ =	shalt  }
0x72: {  	_ =	shalt  }
0x73: {  	_ =	shalt  }
0x74: {  	_ =	shalt  }
0x75: {  	_ =	shalt  }
0x76: {  	_ =	shalt  }
0x77: {  	_ =	shalt  }
0x78: {  	_ =	shalt  }
0x79: {  	_ =	shalt  }
0x7a: {  	_ =	shalt  }
0x7b: {  	_ =	shalt  }
0x7c: {  	_ =	shalt  }
0x7d: {  	_ =	shalt  }
0x7e: {  	_ =	shalt  }
0x7f: {  	_ =	shalt  }
0x80: {  	_ =	shalt  }
0x81: {  	_ =	shalt  }
0x82: {  	_ =	shalt  }
0x83: {  	_ =	shalt  }
0x84: {  	_ =	shalt  }
0x85: {  	_ =	shalt  }
0x86: {  	_ =	shalt  }
0x87: {  	_ =	shalt  }
.Lfunc_end0:
.L_simem_size_0:
called_computation_lowered:
.L_overlay_start_0:
0x88: {  	s2 =	sld [smem:$0x3FD9]  }
0x89: {  	s3 =	sld [smem:$0x3FFE];
	_ =	sdelay $0x1  }
0x8a: {  	s1 =	srdreg.scid  }
0x8b: {  	s0 =	sand.u32 $0x1, s1  }
0x8c: {  	s17 =	sshll.u32 s0, $0xA;
	s2 =	sadd.s32 s3, s2  }
0x8d: {  	s2 =	sadd.s32 s2, s17  }
0x8e: {  	[smem:$0x3FBD] =	sst s2  }
0x8f: {  	_ = 	snop  }
0x90: {  	s2 =	sld [smem:$0x3FC9];
	(tm) =	ssettm $0x1  }
0x91: {  	s18 =	sld [smem:$0x3FFB];
	_ =	sdelay $0x3  }
0x92: {  	_ =	strace s18  }
0x93: {  	s3 =	sld [smem:$0x3FFC];
	_ =	sdelay $0x3  }
0x94: {  	_ =	strace s3  }
0x95: {  	s3 =	sld [smem:$0x3FFD];
	_ =	sdelay $0x3  }
0x96: {  	_ =	strace s3  }
0x97: {  	_ =	strace $0x8FFFFFFF  }
0x98: {  	s19 =	sld [smem:$0x3FDB];
	_ =	sdelay $0x1  }
0x99: {  	s4 =	simm.s32 $_scs_section_size  }
0x9a: {  	s5 =	simm.s32 $_size__tile_overlayer_lowered;
	s6 =	simm.s32 $_tile_overlayer_lowered  }
0x9b: {  	s22 =	simm.s32 $0x1BFF;
	s21 =	sshll.u32 s6, $0x1;
	s3 =	sadd.s32 s4, s19  }
0x9c: {  	s7 =	simm.s32 $0x0;
	s20 =	sshll.u32 s5, $0x1;
	s5 =	sadd.s32 s21, s3  }
0x9d: {  	[timem:s7], [sflag:s22] =	dma.local [hbm:s5], s20  }
0x9e: {  	_ =	swait.ge [sflag:s22], s20  }
0x9f: {  	s4 =	ssub.s32 $0x0, s20;
	[sflag:s22] =	ssyncset.done $0x0  }
0xa0: {  	[sflag:s22] =	ssyncadd.s32 s4;
	_ =	sdelay $0x1  }
0xa1: {  	s23 =	simm.s32 $0x1B8B  }
0xa2: {  	_ =	swait.ge [sflag:s23], $0x1  }
0xa3: {  	[sflag:s23] =	ssyncset.done $0x0  }
0xa4: {  	s25 =	simm.s32 $0x1B8E;
	s24 =	sld [smem:$0x3FFE];
	[sflag:s23] =	ssyncadd.s32 $0xFFFFFFFF  }
0xa5: {  	s26 =	simm.s32 $execute0_lowered;
	[smem:$0x3FD2] =	sst s25  }
0xa6: {  	s5 =	sshll.u32 s26, $0x1;
	_ =	strace $0x80000046;
	[dreg:$0x1] =	wrdreg $0xFFFFFFFF  }
0xa7: {  	s28 =	simm.s32 $_size_execute0_lowered;
	s3 =	sadd.s32 s3, s5;
	[dreg:$0x0] =	wrdreg $0x0  }
0xa8: {  	s5 =	sshll.u32 s28, $0x1;
	[dreg:$0x2] =	wrdreg s3  }
0xa9: {  	[dreg:$0x3] =	wrdreg s5  }
0xaa: {  	[dreg:$0x4] =	wrdreg $0xC0  }
0xab: {  	_ =	task [dreg:s7], $0x5FFFF  }
0xac: {  	[dreg:$0x1] =	wrdreg $0xFFFFFFFF  }
0xad: {  	[dreg:$0x0] =	wrdreg $0x60  }
0xae: {  	[dreg:$0x2] =	wrdreg s2  }
0xaf: {  	[dreg:$0x3] =	wrdreg s24  }
0xb0: {  	[dreg:$0x4] =	wrdreg $0x77000  }
0xb1: {  	[dreg:$0x5] =	wrdreg $0x1B7000  }
0xb2: {  	[dreg:$0x6] =	wrdreg $0x9  }
0xb3: {  	_ =	task.clear_ibuf [dreg:s7], $0x7FFFF;
	_ =	strace $0x90000046  }
0xb4: {  	s29 =	simm.s32 $0x9;
	_ =	strace $0x80000048  }
0xb5: {  	_ =	swait.ge [sflag:s29], $0x1  }
0xb6: {  	[sflag:s29] =	ssyncadd.s32 $0xFFFFFFFF  }
0xb7: {  	_ =	strace $0x90000048  }
0xb8: {  	_ =	sfence  }
0xb9: {  	s30 =	sld [smem:$0x0];
	_ =	sdelay $0x2  }
0xba: {  	s31 =	sshll.u32 s1, $0xD;
	s1 =	sshrl.u32 s1, $0x2  }
0xbb: {  	s3 =	sand.u32 $0x4000, s31;
	s1 =	sadd.s32 s1, s30  }
0xbc: {  	s0 =	sor.u32 s3, s0;
	s1 =	sshll.u32 s1, $0x11  }
0xbd: {  	s0 =	sor.u32 s1, s0  }
0xbe: {  	s0 =	sadd.s32 $0x8F2B, s0  }
0xbf: {  	[sflag:s0] =	ssyncadd.remote.s32 $0x1  }
0xc0: {  	_ =	sfence.sel $0xFFFF  }
0xc1: {  	[dreg:$0x0] =	wrdreg $0xFFFFFFFF;
	(pc) =	sbr.abs _section_cstart, $3  }
0xc2: {  	[dreg:$0x1] =	wrdreg $0xFFFFFFFF  }
0xc3: {  	_ =	task.clear_ibuf [dreg:s7], $0x2FFFF;
	_ =	strace $0x9FFFFFFF  }
0xc4: {  	(tm) =	ssettm $0x7FFFFFFF  }
0xc5: {  	_ =	shalt  }
tec
execute0_lowered:
.L_overlay_start_1:
0x0: {  	(tag) =	ssettag $0x1  }
0x1: {  	s1 =	rddreg [dreg:$0x0]  }
0x2: {  	s0 =	rddreg [dreg:$0x1]  }
0x3: {  	s2 =	rddreg [dreg:$0x2]  }
0x4: {  	s3 =	rddreg [dreg:$0x3];
	s5 =	simm.s32 $0x0;
	s12 =	stileid.u32  }
0x5: {  	s4 =	srdreg.scid;
	s30 =	simm.s32 $0x1;
	s8 =	smul.u32 $0x14000, s12  }
0x6: {  	s31 =	simm.s32 $0x70;
	s29 =	simm.s32 $0x2;
	s9 =	smul.u32 $0x500, s12  }
0x7: {  	s28 =	simm.s32 $0x0;
	[smem:$0x7FF] =	sst s5;
	s25 =	smul.u32 $0x50000, s12  }
0x8: {  	s4 =	sand.u32 $0x1, s4;
	s6 =	sadd.s32 $0x2E00, s0;
	s17 =	smul.u32 $0xA00, s12  }
0x9: {  	s7 =	smul.u32 $0x140000, s4;
	_ =	strace $0x80000047;
	s10 =	sshll.u32 s4, $0x4  }
0xa: {  	s24 =	sshll.u32 s4, $0x7;
	s4 =	ssub.s32 $0x2, s4;
	s10 =	sor.u32 s12, s10  }
0xb: {  	s14 =	sshrl.u32 s4, $0x1;
	s12 =	simm.s32 $0x300;
	s7 =	sadd.s32 s8, s7  }
0xc: {  	s8 =	sor.u32 s24, s9;
	s4 =	ssub.s32 s4, s14;
	s9 =	sshrl.u32 s25, $0x2  }
0xd: {  	s14 =	simm.s32 $0x6;
	s11 =	sshrl.u32 s7, $0x3;
	s7 =	smul.u32 $0x5A00, s10  }
0xe: {  	s8 =	sshrl.u32 s8, $0x3;
	s13 =	sadd.s32 s9, s2;
	s10 =	simm.s32 $0x80  }
0xf: {  	s26 =	sadd.s32 s11, s0;
	s20 =	sadd.s32 $0x3800, s13;
	[dreg:$0x6] =	wrdreg s13  }
0x10: {  	s0 =	sadd.s32 s8, s0;
	s21 =	sadd.s32 $0x7000, s13;
	[dreg:$0x9] =	wrdreg s20  }
0x11: {  	s22 =	sadd.s32 $0xA800, s13;
	s8 =	sshrl.u32 s17, $0x2;
	[dreg:$0xa] =	wrdreg s21  }
0x12: {  	s23 =	sadd.s32 $0xE000, s13;
	s24 =	sadd.s32 $0x11800, s13;
	[dreg:$0xb] =	wrdreg s22  }
0x13: {  	s17 =	simm.s32 $0x100;
	s11 =	simm.s32 $0x7400;
	[dreg:$0xc] =	wrdreg s23  }
0x14: {  	s13 =	simm.s32 $0x3;
	s15 =	sshrl.u32 s7, $0x3;
	[dreg:$0xd] =	wrdreg s24  }
0x15: {  	s8 =	sadd.s32 s8, s3;
	s20 =	sadd.s32 $0x600, s7;
	[dreg:$0x12] =	wrdreg s7  }
0x16: {  	s25 =	sadd.s32 $0x1A000, s26;
	s0 =	sadd.s32 $0x19600, s0;
	[dreg:$0xe] =	wrdreg s8  }
0x17: {  	s26 =	smax.u32 s4, $0x1;
	s4 =	simm.s32 $0x5;
	[dreg:$0xf] =	wrdreg s25  }
0x18: {  	s21 =	simm.s32 $0x4;
	s22 =	simm.s32 $0x280;
	[dreg:$0x10] =	wrdreg s0  }
0x19: {  	s23 =	simm.s32 $0x8;
	s16 =	sadd.s32 s6, s15;
	[dreg:$0x11] =	wrdreg s26  }
.Ltmp0:
0x1a: {  	s25 =	simm.s32 $0x200;
	s26 =	simm.s32 $0x3C00;
	(pc) =	sbr.rel .LBB2_1-.Ltmp0, $4  }
0x1b: {  	s0 =	simm.s32 $0x400;
	s15 =	simm.s32 $0x180;
	[dreg:$0x15] =	wrdreg s20  }
0x1c: {  	s8 =	simm.s32 $0x380;
	s18 =	sadd.s32 $0x20, s16;
	[dreg:$0x5] =	wrdreg s16  }
0x1d: {  	s19 =	sadd.s32 $0x40, s16;
	s16 =	simm.s32 $0x7;
	[dreg:$0x7] =	wrdreg s18  }
0x1e: {  	v0 =	vimm.f32 $0.0e+00;
	v1 =	vimm.f32 $1.000000000e+00;
	[dreg:$0x8] =	wrdreg s19;
	s18 =	sadd.s32 $0x400, s7;
	s19 =	sadd.s32 $0x500, s7  }
.LBB2_6:
0x1f: {  	_ =	swait.ge [sflag:s29], $0x100  }
0x20: {  	[sflag:s29] =	ssyncset.done $0x0  }
0x21: {  	[sflag:s29] =	ssyncadd.s32 $0xFFFFFF00  }
0x22: {  	_ =	swait.ge [sflag:s4], $0x3800  }
0x23: {  	[sflag:s4] =	ssyncset.done $0x0  }
0x24: {  	[sflag:s4] =	ssyncadd.s32 $0xFFFFC800  }
0x25: {  	[spmem:s2] =	stream.indirect.scatter.add.f32 [tilespmem:s0], [sflag:$0x7], $0x80, s10, s31, $0xb8;
	[tilespmem:$0x1B980] =	vst v63  }
0x26: {  	_ = 	snop  }
0x27: {  	[spmem:s3] =	stream.indirect.scatter.add.f32 [tilespmem:s11], [sflag:$0x7], $0x1, s10, s31, $0xb8;
	[tilespmem:$0x1B980] =	vst v63  }
0x28: {  	_ =	swait.ge [sflag:s23], $0x3800  }
0x29: {  	[sflag:s23] =	ssyncset.done $0x0  }
0x2a: {  	[sflag:s23] =	ssyncadd.s32 $0xFFFFC800  }
0x2b: {  	_ =	swait.ge [sflag:s23], $0x70  }
0x2c: {  	[sflag:s23] =	ssyncset.done $0x0  }
0x2d: {  	[sflag:s23] =	ssyncadd.s32 $0xFFFFFF90  }
0x2e: {  	[tilespmem:s26], [sflag:$0x6] =	stream.indirect.gather [hbm4b:s1+s31], $0x80, s28, s31, $0xb8;
	[tilespmem:$0x1B980] =	vst v63  }
0x2f: {  	_ =	swait.ge [sflag:s14], $0x3800  }
0x30: {  	[sflag:s14] =	ssyncset.done $0x0  }
0x31: {  	[sflag:s14] =	ssyncadd.s32 $0xFFFFC800  }
0x32: {  	[spmem:s2] =	stream.indirect.scatter.add.f32 [tilespmem:s26], [sflag:$0x8], $0x80, s15, s31, $0xb8;
	[tilespmem:$0x1B980] =	vst v63  }
0x33: {  	_ = 	snop  }
0x34: {  	[spmem:s3] =	stream.indirect.scatter.add.f32 [tilespmem:s11], [sflag:$0x8], $0x1, s15, s31, $0xb8;
	[tilespmem:$0x1B980] =	vst v63  }
0x35: {  	_ =	swait.ge [sflag:s16], $0x3800  }
0x36: {  	[sflag:s16] =	ssyncset.done $0x0  }
0x37: {  	[sflag:s16] =	ssyncadd.s32 $0xFFFFC800  }
0x38: {  	_ =	swait.ge [sflag:s16], $0x70  }
0x39: {  	[sflag:s16] =	ssyncset.done $0x0  }
0x3a: {  	[sflag:s16] =	ssyncadd.s32 $0xFFFFFF90  }
0x3b: {  	_ =	swait.ge [sflag:s23], $0x3800  }
0x3c: {  	[sflag:s23] =	ssyncset.done $0x0  }
0x3d: {  	[sflag:s23] =	ssyncadd.s32 $0xFFFFC800  }
0x3e: {  	_ =	swait.ge [sflag:s23], $0x70  }
0x3f: {  	s9 =	stileid.u32;
	[sflag:s23] =	ssyncset.done $0x0  }
0x40: {  	s9 =	sshll.u32 s9, $0x6;
	[sflag:s23] =	ssyncadd.s32 $0xFFFFFF90  }
0x41: {  	s24 =	sor.u32 $0x1C09, s9;
	[bflag:$0x0] =	sbarrier.arrive $0xFFFF  }
0x42: {  	[dreg:$0x14] =	wrdreg s24  }
0x43: {  	s17 =	rddreg [dreg:$0x6]  }
0x44: {  	s28 =	rddreg [dreg:$0xf];
	s17 =	sshrl.u32 s17, $0x3  }
0x45: {  	[hbm:s28], [sflag:s24] =	dma.local [spmem:s17], $0x2800  }
0x46: {  	s24 =	simm.s32 $0x9  }
0x47: {  	_ =	swait.ge [sflag:s24], $0x2800  }
0x48: {  	s7 =	simm.s32 $0x10;
	s20 =	rddreg [dreg:$0xe]  }
0x49: {  	s9 =	simm.s32 $0x20;
	[sflag:s24] =	ssyncset.done $0x0;
	s28 =	rddreg [dreg:$0x10]  }
0x4a: {  	[sflag:s24] =	ssyncadd.s32 $0xFFFFD800;
	s17 =	sshrl.u32 s20, $0x3;
	s20 =	rddreg [dreg:$0x14]  }
0x4b: {  	[hbm:s28@s9], [sflag:s20] =	dma.strided [spmem:s17@s7], $0x50, s30, $0x10   }
0x4c: {  	s20 =	rddreg [dreg:$0x15]  }
0x4d: {  	s7 =	rddreg [dreg:$0x12];
	_ =	swait.ge [sflag:s24], $0x50  }
0x4e: {  	s28 =	rddreg [dreg:$0x13]  }
0x4f: {  	s9 =	rddreg [dreg:$0x11];
	s28 =	sadd.s32 $0x1, s28  }
0x50: {  	p0 =	sne.s32 s28, s9  }
.Ltmp1:
0x51: {  	_ = 	snop;
	(pc) =	sbr.rel @!p0 .LBB2_7-.Ltmp1, $3  }
0x52: {  	_ =	sdelay $0x1  }
0x53: {  	[sflag:s24] =	ssyncset.done $0x0  }
0x54: {  	s17 =	simm.s32 $0x100;
	[sflag:s24] =	ssyncadd.s32 $0xFFFFFFB0  }
.LBB2_1:
0x55: {  	[dreg:$0x13] =	wrdreg s28  }
0x56: {  	s9 =	rddreg [dreg:$0x5]  }
0x57: {  	[tilespmem:s5], [sflag:$0x1] =	stream.linear.gather [hbm4b:s9+s5], $0x100, $0x38;
	[tilespmem:$0x1B980] =	vst v63  }
0x58: {  	s24 =	rddreg [dreg:$0x7]  }
0x59: {  	[tilespmem:s17], [sflag:$0x2] =	stream.linear.gather [hbm4b:s24+s5], $0x100, $0x38;
	[tilespmem:$0x1B980] =	vst v63  }
0x5a: {  	s28 =	rddreg [dreg:$0x8];
	s9 =	simm.s32 $0x0;
	s17 =	simm.s32 $0x200  }
0x5b: {  	[tilespmem:s25], [sflag:$0x3] =	stream.linear.gather [hbm4b:s28+s5], $0x100, $0x38;
	[tilespmem:$0x1B980] =	vst v63  }
.LBB2_2:
0x5c: {  	p0 =	sne.s32 s17, $0xDE00;
	[tilespmem:s9+$0x3C70] =	vst v0  }
0x5d: {  	[tilespmem:s9+$0x3C00] =	vst v0  }
0x5e: {  	[tilespmem:s9+$0x3C10] =	vst v0  }
.Ltmp2:
0x5f: {  	[tilespmem:s9+$0x3C20] =	vst v0;
	(pc) =	sbr.rel @p0 .LBB2_2-.Ltmp2, $4  }
0x60: {  	[tilespmem:s9+$0x3C30] =	vst v0  }
0x61: {  	[tilespmem:s9+$0x3C40] =	vst v0  }
0x62: {  	[tilespmem:s9+$0x3C50] =	vst v0  }
0x63: {  	[tilespmem:s9+$0x3C60] =	vst v0;
	s9 =	sshra.s32 s17, $0x2;
	s17 =	sadd.s32 $0x200, s17  }
0x64: {  	[tilespmem:s9+$0x3C70] =	vst v0  }
0x65: {  	[tilespmem:s9+$0x3C00] =	vst v0  }
0x66: {  	[tilespmem:s9+$0x3C10] =	vst v0  }
0x67: {  	[tilespmem:s9+$0x3C20] =	vst v0  }
0x68: {  	[tilespmem:s9+$0x3C30] =	vst v0  }
0x69: {  	[tilespmem:s9+$0x3C40] =	vst v0  }
0x6a: {  	[tilespmem:s9+$0x3C50] =	vst v0  }
0x6b: {  	[tilespmem:s9+$0x3C60] =	vst v0;
	s17 =	rddreg [dreg:$0x6]  }
0x6c: {  	[spmem:s17] =	stream.linear.scatter [tilespmem:s26], [sflag:$0x9], $0x3800, $0x38;
	[tilespmem:$0x1B980] =	vst v63  }
0x6d: {  	s17 =	simm.s32 $0x9  }
0x6e: {  	_ =	swait.ge [sflag:s17], $0x3800  }
0x6f: {  	[sflag:s17] =	ssyncset.done $0x0  }
0x70: {  	s24 =	rddreg [dreg:$0x9];
	[sflag:s17] =	ssyncadd.s32 $0xFFFFC800  }
0x71: {  	[spmem:s24] =	stream.linear.scatter [tilespmem:s26], [sflag:$0x9], $0x3800, $0x38;
	[tilespmem:$0x1B980] =	vst v63  }
0x72: {  	_ =	swait.ge [sflag:s17], $0x3800  }
0x73: {  	[sflag:s17] =	ssyncset.done $0x0  }
0x74: {  	s28 =	rddreg [dreg:$0xa];
	[sflag:s17] =	ssyncadd.s32 $0xFFFFC800  }
0x75: {  	[spmem:s28] =	stream.linear.scatter [tilespmem:s26], [sflag:$0x9], $0x3800, $0x38;
	[tilespmem:$0x1B980] =	vst v63  }
0x76: {  	_ =	swait.ge [sflag:s17], $0x3800  }
0x77: {  	[sflag:s17] =	ssyncset.done $0x0  }
0x78: {  	s24 =	rddreg [dreg:$0xb];
	[sflag:s17] =	ssyncadd.s32 $0xFFFFC800  }
0x79: {  	[spmem:s24] =	stream.linear.scatter [tilespmem:s26], [sflag:$0x9], $0x3800, $0x38;
	[tilespmem:$0x1B980] =	vst v63  }
0x7a: {  	_ =	swait.ge [sflag:s17], $0x3800  }
0x7b: {  	[sflag:s17] =	ssyncset.done $0x0  }
0x7c: {  	s28 =	rddreg [dreg:$0xc];
	[sflag:s17] =	ssyncadd.s32 $0xFFFFC800  }
0x7d: {  	[spmem:s28] =	stream.linear.scatter [tilespmem:s26], [sflag:$0x9], $0x3800, $0x38;
	[tilespmem:$0x1B980] =	vst v63  }
0x7e: {  	_ =	swait.ge [sflag:s17], $0x3800  }
0x7f: {  	[sflag:s17] =	ssyncset.done $0x0  }
0x80: {  	s24 =	rddreg [dreg:$0xd];
	[sflag:s17] =	ssyncadd.s32 $0xFFFFC800  }
0x81: {  	[spmem:s24] =	stream.linear.scatter [tilespmem:s26], [sflag:$0x9], $0x2800, $0x38;
	[tilespmem:$0x1B980] =	vst v63  }
0x82: {  	_ =	swait.ge [sflag:s17], $0x2800  }
0x83: {  	[sflag:s17] =	ssyncset.done $0x0  }
0x84: {  	[sflag:s17] =	ssyncadd.s32 $0xFFFFD800  }
0x85: {  	[tilespmem:$0x7480] =	vst v0  }
0x86: {  	[tilespmem:$0x7490] =	vst v0  }
0x87: {  	[tilespmem:$0x74A0] =	vst v0  }
0x88: {  	[tilespmem:$0x74B0] =	vst v0  }
0x89: {  	[tilespmem:$0x74C0] =	vst v0  }
0x8a: {  	[tilespmem:$0x74D0] =	vst v0  }
0x8b: {  	[tilespmem:$0x74E0] =	vst v0  }
0x8c: {  	[tilespmem:$0x74F0] =	vst v0  }
0x8d: {  	[tilespmem:$0x7500] =	vst v0  }
0x8e: {  	[tilespmem:$0x7510] =	vst v0  }
0x8f: {  	[tilespmem:$0x7520] =	vst v0  }
0x90: {  	[tilespmem:$0x7530] =	vst v0  }
0x91: {  	[tilespmem:$0x7540] =	vst v0  }
0x92: {  	[tilespmem:$0x7550] =	vst v0  }
0x93: {  	[tilespmem:$0x7560] =	vst v0  }
0x94: {  	[tilespmem:$0x7570] =	vst v0  }
0x95: {  	[tilespmem:$0x7580] =	vst v0  }
0x96: {  	[tilespmem:$0x7590] =	vst v0  }
0x97: {  	[tilespmem:$0x75A0] =	vst v0  }
0x98: {  	[tilespmem:$0x75B0] =	vst v0  }
0x99: {  	[tilespmem:$0x75C0] =	vst v0  }
0x9a: {  	[tilespmem:$0x75D0] =	vst v0  }
0x9b: {  	[tilespmem:$0x75E0] =	vst v0  }
0x9c: {  	[tilespmem:$0x75F0] =	vst v0  }
0x9d: {  	[tilespmem:$0x7600] =	vst v0  }
0x9e: {  	[tilespmem:$0x7610] =	vst v0  }
0x9f: {  	[tilespmem:$0x7620] =	vst v0  }
0xa0: {  	[tilespmem:$0x7630] =	vst v0  }
0xa1: {  	[tilespmem:$0x7640] =	vst v0  }
0xa2: {  	[tilespmem:$0x7650] =	vst v0  }
0xa3: {  	[tilespmem:$0x7660] =	vst v0  }
0xa4: {  	[tilespmem:$0x7670] =	vst v0  }
0xa5: {  	[tilespmem:$0x7680] =	vst v0  }
0xa6: {  	[tilespmem:$0x7690] =	vst v0  }
0xa7: {  	[tilespmem:$0x76A0] =	vst v0  }
0xa8: {  	[tilespmem:$0x76B0] =	vst v0  }
0xa9: {  	[tilespmem:$0x76C0] =	vst v0  }
0xaa: {  	[tilespmem:$0x76D0] =	vst v0  }
0xab: {  	[tilespmem:$0x76E0] =	vst v0  }
0xac: {  	s28 =	simm.s32 $0x7480;
	s24 =	rddreg [dreg:$0xe];
	[tilespmem:$0x76F0] =	vst v0  }
0xad: {  	[spmem:s24] =	stream.linear.scatter [tilespmem:s28], [sflag:$0x9], $0x280, $0x38;
	[tilespmem:$0x1B980] =	vst v63  }
0xae: {  	_ =	swait.ge [sflag:s17], $0x280  }
0xaf: {  	[sflag:s17] =	ssyncset.done $0x0  }
0xb0: {  	[sflag:s17] =	ssyncadd.s32 $0xFFFFFD80  }
0xb1: {  	[tilespmem:$0x7400] =	vst v1  }
0xb2: {  	[tilespmem:$0x7410] =	vst v1  }
0xb3: {  	[tilespmem:$0x7420] =	vst v1  }
0xb4: {  	[tilespmem:$0x7430] =	vst v1  }
0xb5: {  	[tilespmem:$0x7440] =	vst v1  }
0xb6: {  	[tilespmem:$0x7450] =	vst v1  }
0xb7: {  	[tilespmem:$0x7460] =	vst v1  }
0xb8: {  	_ =	swait.ge [sflag:s30], $0x100  }
0xb9: {  	[sflag:s30] =	ssyncset.done $0x0  }
0xba: {  	s17 =	simm.s32 $0x0;
	[sflag:s30] =	ssyncadd.s32 $0xFFFFFF00  }
0xbb: {  	[tilespmem:s0], [sflag:$0x5] =	stream.indirect.gather [hbm4b:s1+s31], $0x80, s17, s31, $0xb8;
	[tilespmem:$0x1B980] =	vst v63  }
0xbc: {  	[bflag:$0x0] =	sbarrier.arrive $0xFFFF  }
.LBB2_4:
0xbd: {  	_ =	swait.ge [sflag:s29], $0x100  }
0xbe: {  	[sflag:s29] =	ssyncset.done $0x0  }
0xbf: {  	[sflag:s29] =	ssyncadd.s32 $0xFFFFFF00  }
0xc0: {  	_ =	swait.ge [sflag:s4], $0x3800  }
0xc1: {  	[sflag:s4] =	ssyncset.done $0x0  }
0xc2: {  	p0 =	sne.s32 s17, $0x0;
	[sflag:s4] =	ssyncadd.s32 $0xFFFFC800  }
0xc3: {  	[spmem:s2] =	stream.indirect.scatter.add.f32 [tilespmem:s0], [sflag:$0x7], $0x80, s10, s31, $0xb8;
	[tilespmem:$0x1B980] =	vst v63  }
0xc4: {  	s9 =	simm.s32 @p0 $0x8  }
0xc5: {  	[spmem:s3] =	stream.indirect.scatter.add.f32 [tilespmem:s11], [sflag:$0x7], $0x1, s10, s31, $0xb8;
	[tilespmem:$0x1B980] =	vst v63  }
0xc6: {  	_ =	swait.ge @p0 [sflag:s9], $0x3800  }
0xc7: {  	[sflag:s9] =	ssyncset.done @p0 $0x0  }
0xc8: {  	[sflag:s9] =	ssyncadd.s32 @p0 $0xFFFFC800  }
0xc9: {  	_ =	swait.ge @p0 [sflag:s9], $0x70  }
0xca: {  	s28 =	simm.s32 @p0 $0x100;
	[sflag:s9] =	ssyncset.done @p0 $0x0  }
0xcb: {  	s24 =	simm.s32 @p0 $0x3C00;
	[sflag:s9] =	ssyncadd.s32 @p0 $0xFFFFFF90;
	s9 =	simm.s32 @p0 $0x70  }
0xcc: {  	[tilespmem:s24], [sflag:$0x6] =	stream.indirect.gather @p0 [hbm4b:s1+s9], $0x80, s28, s9, $0xb8;
	[tilespmem:$0x1B980] =	vst v63  }
0xcd: {  	s9 =	simm.s32 @!p0 $0x70;
	s24 =	simm.s32 @!p0 $0x100;
	s28 =	simm.s32 @!p0 $0x3C00  }
0xce: {  	[tilespmem:s28], [sflag:$0x6] =	stream.indirect.gather @!p0 [hbm4b:s1+s9], $0x80, s24, s9, $0xb8;
	[tilespmem:$0x1B980] =	vst v63  }
0xcf: {  	s9 =	sadd.s32 @p0 $0x300, s17  }
0xd0: {  	s9 =	simm.s32 @!p0 $0x300  }
0xd1: {  	s9 =	sadd.s32 s7, s9  }
0xd2: {  	s9 =	sshrl.u32 s9, $0x3  }
0xd3: {  	s9 =	sadd.s32 s6, s9  }
0xd4: {  	[tilespmem:s12], [sflag:$0x4] =	stream.linear.gather [hbm4b:s9+s5], $0x100, $0x38;
	[tilespmem:$0x1B980] =	vst v63  }
0xd5: {  	_ =	swait.ge [sflag:s13], $0x100  }
0xd6: {  	[sflag:s13] =	ssyncset.done $0x0  }
0xd7: {  	[sflag:s13] =	ssyncadd.s32 $0xFFFFFF00  }
0xd8: {  	_ =	swait.ge [sflag:s14], $0x3800  }
0xd9: {  	[sflag:s14] =	ssyncset.done $0x0  }
0xda: {  	[sflag:s14] =	ssyncadd.s32 $0xFFFFC800  }
0xdb: {  	[spmem:s2] =	stream.indirect.scatter.add.f32 [tilespmem:s26], [sflag:$0x8], $0x80, s15, s31, $0xb8;
	[tilespmem:$0x1B980] =	vst v63  }
0xdc: {  	_ = 	snop  }
0xdd: {  	[spmem:s3] =	stream.indirect.scatter.add.f32 [tilespmem:s11], [sflag:$0x8], $0x1, s15, s31, $0xb8;
	[tilespmem:$0x1B980] =	vst v63  }
0xde: {  	_ =	swait.ge [sflag:s16], $0x3800  }
0xdf: {  	[sflag:s16] =	ssyncset.done $0x0  }
0xe0: {  	s9 =	smov.u32 s17;
	[sflag:s16] =	ssyncadd.s32 $0xFFFFC800  }
0xe1: {  	s9 =	simm.s32 @!p0 $0x0;
	_ =	swait.ge [sflag:s16], $0x70  }
0xe2: {  	s24 =	sadd.s32 s9, s18;
	[sflag:s16] =	ssyncset.done $0x0  }
0xe3: {  	s24 =	sshrl.u32 s24, $0x3;
	[sflag:s16] =	ssyncadd.s32 $0xFFFFFF90  }
0xe4: {  	[tilespmem:s0], [sflag:$0x5] =	stream.indirect.gather [hbm4b:s1+s31], $0x80, s25, s31, $0xb8;
	[tilespmem:$0x1B980] =	vst v63  }
0xe5: {  	s24 =	sadd.s32 s6, s24  }
0xe6: {  	[tilespmem:s5], [sflag:$0x1] =	stream.linear.gather [hbm4b:s24+s5], $0x100, $0x38;
	[tilespmem:$0x1B980] =	vst v63  }
0xe7: {  	_ =	swait.ge [sflag:s21], $0x100  }
0xe8: {  	[sflag:s21] =	ssyncset.done $0x0  }
0xe9: {  	[sflag:s21] =	ssyncadd.s32 $0xFFFFFF00  }
0xea: {  	_ =	swait.ge [sflag:s4], $0x3800  }
0xeb: {  	[sflag:s4] =	ssyncset.done $0x0  }
0xec: {  	[sflag:s4] =	ssyncadd.s32 $0xFFFFC800  }
0xed: {  	[spmem:s2] =	stream.indirect.scatter.add.f32 [tilespmem:s0], [sflag:$0x7], $0x80, s22, s31, $0xb8;
	[tilespmem:$0x1B980] =	vst v63  }
0xee: {  	_ = 	snop  }
0xef: {  	[spmem:s3] =	stream.indirect.scatter.add.f32 [tilespmem:s11], [sflag:$0x7], $0x1, s22, s31, $0xb8;
	[tilespmem:$0x1B980] =	vst v63  }
0xf0: {  	_ =	swait.ge [sflag:s23], $0x3800  }
0xf1: {  	[sflag:s23] =	ssyncset.done $0x0  }
0xf2: {  	[sflag:s23] =	ssyncadd.s32 $0xFFFFC800  }
0xf3: {  	_ =	swait.ge [sflag:s23], $0x70  }
0xf4: {  	s24 =	sadd.s32 s9, s19;
	[sflag:s23] =	ssyncset.done $0x0  }
0xf5: {  	s24 =	sshrl.u32 s24, $0x3;
	[sflag:s23] =	ssyncadd.s32 $0xFFFFFF90  }
0xf6: {  	[tilespmem:s26], [sflag:$0x6] =	stream.indirect.gather [hbm4b:s1+s31], $0x80, s12, s31, $0xb8;
	[tilespmem:$0x1B980] =	vst v63  }
0xf7: {  	s28 =	simm.s32 $0x100;
	s24 =	sadd.s32 s6, s24  }
0xf8: {  	[tilespmem:s28], [sflag:$0x2] =	stream.linear.gather [hbm4b:s24+s5], $0x100, $0x38;
	[tilespmem:$0x1B980] =	vst v63  }
0xf9: {  	_ =	swait.ge [sflag:s30], $0x100  }
0xfa: {  	[sflag:s30] =	ssyncset.done $0x0  }
0xfb: {  	[sflag:s30] =	ssyncadd.s32 $0xFFFFFF00  }
0xfc: {  	_ =	swait.ge [sflag:s14], $0x3800  }
0xfd: {  	[sflag:s14] =	ssyncset.done $0x0  }
0xfe: {  	[sflag:s14] =	ssyncadd.s32 $0xFFFFC800  }
0xff: {  	[spmem:s2] =	stream.indirect.scatter.add.f32 [tilespmem:s26], [sflag:$0x8], $0x80, s8, s31, $0xb8;
	[tilespmem:$0x1B980] =	vst v63  }
0x100: {  	_ = 	snop  }
0x101: {  	[spmem:s3] =	stream.indirect.scatter.add.f32 [tilespmem:s11], [sflag:$0x8], $0x1, s8, s31, $0xb8;
	[tilespmem:$0x1B980] =	vst v63  }
0x102: {  	_ =	swait.ge [sflag:s16], $0x3800  }
0x103: {  	p0 =	seq.s32 s17, $0x5400;
	[sflag:s16] =	ssyncset.done $0x0  }
.Ltmp3:
0x104: {  	[sflag:s16] =	ssyncadd.s32 $0xFFFFC800;
	(pc) =	sbr.rel @p0 .LBB2_6-.Ltmp3, $4  }
0x105: {  	_ =	swait.ge [sflag:s16], $0x70  }
0x106: {  	[sflag:s16] =	ssyncset.done $0x0  }
0x107: {  	[sflag:s16] =	ssyncadd.s32 $0xFFFFFF90  }
0x108: {  	[tilespmem:s0], [sflag:$0x5] =	stream.indirect.gather [hbm4b:s1+s31], $0x80, s5, s31, $0xb8;
	[tilespmem:$0x1B980] =	vst v63  }
.Ltmp4:
0x109: {  	(pc) =	sbr.rel .LBB2_4-.Ltmp4, $4  }
0x10a: {  	s9 =	sadd.s32 s9, s20  }
0x10b: {  	s9 =	sshrl.u32 s9, $0x3  }
0x10c: {  	s17 =	sadd.s32 $0x400, s17;
	s9 =	sadd.s32 s6, s9  }
0x10d: {  	[tilespmem:s25], [sflag:$0x3] =	stream.linear.gather [hbm4b:s9+s5], $0x100, $0x38;
	[tilespmem:$0x1B980] =	vst v63  }
.LBB2_7:
0x10e: {  	_ =	sfence.sel $0x180000  }
0x10f: {  	[bflag:$0x0] =	sbarrier.arrive $0xFFFF  }
0x110: {  	_ =	strace $0x90000047  }
0x111: {  	s0 =	stileid.u32;
	[bflag:$0x2] =	sbarrier.arrive $0xFFFF  }
0x112: {  	p0 =	sne.s32 s0, $0x0;
	s0 =	rddreg [dreg:$0x4]  }
0x113: {  	s0 =	sadd.s32 @!p0 $0x100000, s0  }
0x114: {  	[sflag:s0] =	ssyncadd.tile.s32 @!p0 $0x1;
	_ =	shalt  }
.Lfunc_end2:
_tile_overlayer_lowered:
.L_overlay_start_2:
0x115: {  	(tag) =	ssettag $0x2  }
0x116: {  	s0 =	rddreg [dreg:$0x0];
	s2 =	stileid.u32  }
0x117: {  	s1 =	rddreg [dreg:$0x1];
	p0 =	sne.s32 s2, $0x0  }
0x118: {  	s3 =	rddreg [dreg:$0x2];
	[bflag:$0x3] =	sbarrier.arrive $0xFFFF;
	s2 =	simm.s32 @!p0 $0x1C09  }
0x119: {  	[timem:s3], [sflag:s2] =	dma.local @!p0 [hbm:s0], s1  }
0x11a: {  	s0 =	simm.s32 @!p0 $0x9  }
0x11b: {  	_ =	swait.ge @!p0 [sflag:s0], s1  }
0x11c: {  	s1 =	ssub.s32 @!p0 $0x0, s1;
	[sflag:s0] =	ssyncset.done @!p0 $0x0  }
0x11d: {  	[sflag:s0] =	ssyncadd.s32 @!p0 s1  }
0x11e: {  	[bflag:$0x3] =	sbarrier.arrive $0xFFFF  }
0x11f: {  	_ =	shalt  }

// kernel: kernel.13.cloned.1.call-start
scs
__scs_entry_jumppad:
0x0: {  	(pc) =	sbr.rel $0x88, $3  }
0x1: {  	(tag) =	ssettag $0x0;
	lr =	simm.s32 $0x1  }
0x2: {  	[smem:$0x3F96] =	sst lr;
	_ =	strace $0xD0000000  }
0x3: {  	_ = 	snop  }
0x4: {  	_ = 	snop  }
0x5: {  	_ = 	snop  }
0x6: {  	_ = 	snop  }
0x7: {  	_ = 	snop  }
__scs_overlays_trampoline_lowered:
0x8: {  	[smem:$0x3FA5] =	sst s0  }
0x9: {  	[smem:$0x3FA6] =	sst s1  }
0xa: {  	[smem:$0x3FA7] =	sst s2  }
0xb: {  	[smem:$0x3FA8] =	sst s3  }
0xc: {  	[smem:$0x3FA9] =	sst s4  }
0xd: {  	[smem:$0x3FAA] =	sst s5  }
0xe: {  	[smem:$0x3FAB] =	sst s6  }
0xf: {  	[smem:$0x3FAC] =	sst s7  }
0x10: {  	[smem:$0x3FAD] =	sst s8  }
0x11: {  	[smem:$0x3FAE] =	sst s9;
	s0 =	simm.s32 @!p0 $0x0  }
0x12: {  	s1 =	sld [smem:$0x3F94];
	s0 =	simm.s32 @p0 $0x1  }
0x13: {  	[smem:$0x3FAF] =	sst s0;
	s0 =	simm.s32 @!p1 $0x0  }
0x14: {  	s2 =	sld [smem:$0x3F93];
	s0 =	simm.s32 @p1 $0x1  }
0x15: {  	[smem:$0x3FB0] =	sst s0;
	s0 =	simm.s32 @!p2 $0x0  }
0x16: {  	s3 =	sld [smem:$0x3FDB];
	s0 =	simm.s32 @p2 $0x1  }
0x17: {  	s4 =	simm.s32 $0x1BF5;
	[smem:$0x3FB2] =	sst s0  }
0x18: {  	s0 =	sld [smem:$0x3F95];
	_ =	swait.ge [sflag:s4], $0x0  }
0x19: {  	s7 =	sld [smem:$0x3F96]  }
0x1a: {  	s8 =	sadd.s32 $0xFFFFE003, lr  }
0x1b: {  	s9 =	sadd.s32 $0xFFFFFEF7, lr;
	s5 =	simm.s32 $0xFFFFFFFF;
	p2 =	slt.u32 s8, $0xFFFFF086  }
0x1c: {  	p1 =	slt.u32 s9, $0xF7A;
	s5 =	simm.s32 @!p2 $0x0  }
0x1d: {  	s5 =	simm.s32 @p1 $0x1;
	p0 =	seq.s32 s7, s2  }
0x1e: {  	s7 =	smul.u32 @!p0 $0xF7A, s2;
	p2 =	seq.s32 @!p0 s5, $0x0  }
0x1f: {  	s9 =	smul.u32 $0xF7A, s1;
	s8 =	simm.s32 @!p0 $0x1BF5;
	p2 =	por !p2, p0  }
0x20: {  	[sflag:s8] =	ssyncset.s32 @!p0 $0xFFFFF086;
	s6 =	sadd.s32 @!p0 s3, s7;
	s7 =	simm.s32 @!p0 $0x108  }
0x21: {  	s3 =	sadd.s32 s3, s9;
	s6 =	sadd.s32 @!p0 $0x88, s6;
	s7 =	simm.s32 @p2 $0x1082  }
0x22: {  	[simem:s7], [sflag:s8] =	dma.local @!p0 [hbm:s6], $0xF7A  }
0x23: {  	s9 =	sor.u32 $0xD0000000, s2;
	s6 =	simm.s32 $0x108;
	_ =	swait.ge @!p0 [sflag:s8], $0x0  }
0x24: {  	s3 =	sadd.s32 $0x88, s3;
	s6 =	simm.s32 @!p1 $0x1082;
	[sflag:s4] =	ssyncset.s32 $0xFFFFF086  }
0x25: {  	[simem:s6], [sflag:s4] =	dma.local [hbm:s3], $0xF7A  }
0x26: {  	[smem:$0x3F96] =	sst s1;
	(tag) =	ssettag s2;
	_ =	strace s9  }
0x27: {  	s1 =	sld [smem:$0x3FA6]  }
0x28: {  	s2 =	sld [smem:$0x3FA7]  }
0x29: {  	s4 =	sld [smem:$0x3FA9]  }
0x2a: {  	p0 =	seq.s32 s5, $0x0;
	s5 =	sld [smem:$0x3FAA]  }
0x2b: {  	s6 =	sld [smem:$0x3FAB]  }
0x2c: {  	s7 =	sld [smem:$0x3FAC]  }
0x2d: {  	s3 =	simm.s32 $0x108;
	s8 =	sld [smem:$0x3FAD]  }
0x2e: {  	s3 =	simm.s32 @!p0 $0x1082;
	s9 =	sld [smem:$0x3FAE]  }
0x2f: {  	lr =	sadd.s32 s0, s3;
	s0 =	sld [smem:$0x3FA5]  }
0x30: {  	s3 =	sld [smem:$0x3FA8]  }
0x31: {  	[smem:$0x3FB1] =	sst s10  }
0x32: {  	s10 =	sld [smem:$0x3FAF];
	_ =	sdelay $0x3  }
0x33: {  	p0 =	seq.s32 s10, $0x1;
	s10 =	sld [smem:$0x3FB1];
	_ =	sdelay $0x3  }
0x34: {  	[smem:$0x3FB1] =	sst s10  }
0x35: {  	s10 =	sld [smem:$0x3FB0];
	_ =	sdelay $0x3  }
0x36: {  	p1 =	seq.s32 s10, $0x1;
	s10 =	sld [smem:$0x3FB1];
	_ =	sdelay $0x3  }
0x37: {  	[smem:$0x3FB1] =	sst s10  }
0x38: {  	s10 =	sld [smem:$0x3FB2]  }
0x39: {  	_ = 	snop;
	(pc) =	sbr.ind lr, $3  }
0x3a: {  	_ = 	snop  }
0x3b: {  	_ = 	snop  }
0x3c: {  	p2 =	seq.s32 s10, $0x1;
	s10 =	sld [smem:$0x3FB1]  }
0x3d: {  	_ =	shalt  }
0x3e: {  	_ =	shalt  }
0x3f: {  	_ =	shalt  }
0x40: {  	_ =	shalt  }
0x41: {  	_ =	shalt  }
0x42: {  	_ =	shalt  }
0x43: {  	_ =	shalt  }
0x44: {  	_ =	shalt  }
0x45: {  	_ =	shalt  }
0x46: {  	_ =	shalt  }
0x47: {  	_ =	shalt  }
0x48: {  	_ =	shalt  }
0x49: {  	_ =	shalt  }
0x4a: {  	_ =	shalt  }
0x4b: {  	_ =	shalt  }
0x4c: {  	_ =	shalt  }
0x4d: {  	_ =	shalt  }
0x4e: {  	_ =	shalt  }
0x4f: {  	_ =	shalt  }
0x50: {  	_ =	shalt  }
0x51: {  	_ =	shalt  }
0x52: {  	_ =	shalt  }
0x53: {  	_ =	shalt  }
0x54: {  	_ =	shalt  }
0x55: {  	_ =	shalt  }
0x56: {  	_ =	shalt  }
0x57: {  	_ =	shalt  }
0x58: {  	_ =	shalt  }
0x59: {  	_ =	shalt  }
0x5a: {  	_ =	shalt  }
0x5b: {  	_ =	shalt  }
0x5c: {  	_ =	shalt  }
0x5d: {  	_ =	shalt  }
0x5e: {  	_ =	shalt  }
0x5f: {  	_ =	shalt  }
0x60: {  	_ =	shalt  }
0x61: {  	_ =	shalt  }
0x62: {  	_ =	shalt  }
0x63: {  	_ =	shalt  }
0x64: {  	_ =	shalt  }
0x65: {  	_ =	shalt  }
0x66: {  	_ =	shalt  }
0x67: {  	_ =	shalt  }
0x68: {  	_ =	shalt  }
0x69: {  	_ =	shalt  }
0x6a: {  	_ =	shalt  }
0x6b: {  	_ =	shalt  }
0x6c: {  	_ =	shalt  }
0x6d: {  	_ =	shalt  }
0x6e: {  	_ =	shalt  }
0x6f: {  	_ =	shalt  }
0x70: {  	_ =	shalt  }
0x71: {  	_ =	shalt  }
0x72: {  	_ =	shalt  }
0x73: {  	_ =	shalt  }
0x74: {  	_ =	shalt  }
0x75: {  	_ =	shalt  }
0x76: {  	_ =	shalt  }
0x77: {  	_ =	shalt  }
0x78: {  	_ =	shalt  }
0x79: {  	_ =	shalt  }
0x7a: {  	_ =	shalt  }
0x7b: {  	_ =	shalt  }
0x7c: {  	_ =	shalt  }
0x7d: {  	_ =	shalt  }
0x7e: {  	_ =	shalt  }
0x7f: {  	_ =	shalt  }
0x80: {  	_ =	shalt  }
0x81: {  	_ =	shalt  }
0x82: {  	_ =	shalt  }
0x83: {  	_ =	shalt  }
0x84: {  	_ =	shalt  }
0x85: {  	_ =	shalt  }
0x86: {  	_ =	shalt  }
0x87: {  	_ =	shalt  }
.Lfunc_end0:
.L_simem_size_0:
called_computation.1_lowered:
.L_overlay_start_0:
0x88: {  	s2 =	sld [smem:$0x3FD9]  }
0x89: {  	s3 =	sld [smem:$0x3FFE];
	_ =	sdelay $0x1  }
0x8a: {  	s1 =	srdreg.scid  }
0x8b: {  	s0 =	sand.u32 $0x1, s1  }
0x8c: {  	s16 =	sshll.u32 s0, $0xA;
	s2 =	sadd.s32 s3, s2  }
0x8d: {  	s2 =	sadd.s32 s2, s16  }
0x8e: {  	[smem:$0x3FBD] =	sst s2  }
0x8f: {  	_ = 	snop  }
0x90: {  	(tm) =	ssettm $0x1  }
0x91: {  	s17 =	sld [smem:$0x3FFB];
	_ =	sdelay $0x3  }
0x92: {  	_ =	strace s17  }
0x93: {  	s2 =	sld [smem:$0x3FFC];
	_ =	sdelay $0x3  }
0x94: {  	_ =	strace s2  }
0x95: {  	s2 =	sld [smem:$0x3FFD];
	_ =	sdelay $0x3  }
0x96: {  	_ =	strace s2  }
0x97: {  	_ =	strace $0x8FFFFFFF  }
0x98: {  	s18 =	sld [smem:$0x3FDB];
	_ =	sdelay $0x1  }
0x99: {  	s19 =	simm.s32 $_scs_section_size  }
0x9a: {  	s4 =	simm.s32 $_size__tile_overlayer_lowered;
	s5 =	simm.s32 $_tile_overlayer_lowered  }
0x9b: {  	s22 =	simm.s32 $0x1BFF;
	s21 =	sshll.u32 s5, $0x1;
	s2 =	sadd.s32 s19, s18  }
0x9c: {  	s6 =	simm.s32 $0x0;
	s20 =	sshll.u32 s4, $0x1;
	s4 =	sadd.s32 s21, s2  }
0x9d: {  	[timem:s6], [sflag:s22] =	dma.local [hbm:s4], s20  }
0x9e: {  	_ =	swait.ge [sflag:s22], s20  }
0x9f: {  	s3 =	ssub.s32 $0x0, s20;
	[sflag:s22] =	ssyncset.done $0x0  }
0xa0: {  	[sflag:s22] =	ssyncadd.s32 s3;
	_ =	sdelay $0x1  }
0xa1: {  	s23 =	simm.s32 $0x1B8B  }
0xa2: {  	_ =	swait.ge [sflag:s23], $0x1  }
0xa3: {  	[sflag:s23] =	ssyncset.done $0x0  }
0xa4: {  	s25 =	simm.s32 $0x1B8E;
	s24 =	sld [smem:$0x3FFE];
	[sflag:s23] =	ssyncadd.s32 $0xFFFFFFFF  }
0xa5: {  	s26 =	simm.s32 $execute0_lowered;
	[smem:$0x3FD2] =	sst s25  }
0xa6: {  	s4 =	sshll.u32 s26, $0x1;
	_ =	strace $0x80000049;
	[dreg:$0x1] =	wrdreg $0xFFFFFFFF  }
0xa7: {  	s28 =	simm.s32 $_size_execute0_lowered;
	s2 =	sadd.s32 s2, s4;
	[dreg:$0x0] =	wrdreg $0x0  }
0xa8: {  	s4 =	sshll.u32 s28, $0x1;
	[dreg:$0x2] =	wrdreg s2  }
0xa9: {  	[dreg:$0x3] =	wrdreg s4  }
0xaa: {  	[dreg:$0x4] =	wrdreg $0xC0  }
0xab: {  	_ =	task [dreg:s6], $0x5FFFF  }
0xac: {  	[dreg:$0x1] =	wrdreg $0xFFFFFFFF  }
0xad: {  	[dreg:$0x0] =	wrdreg $0x60  }
0xae: {  	[dreg:$0x2] =	wrdreg s24  }
0xaf: {  	[dreg:$0x3] =	wrdreg $0x74000  }
0xb0: {  	[dreg:$0x4] =	wrdreg $0x9  }
0xb1: {  	_ =	task.clear_ibuf [dreg:s6], $0x5FFFF;
	_ =	strace $0x90000049  }
0xb2: {  	s29 =	simm.s32 $0x9;
	_ =	strace $0x8000004B  }
0xb3: {  	_ =	swait.ge [sflag:s29], $0x1  }
0xb4: {  	[sflag:s29] =	ssyncadd.s32 $0xFFFFFFFF  }
0xb5: {  	_ =	strace $0x9000004B  }
0xb6: {  	_ =	sfence  }
0xb7: {  	s30 =	sld [smem:$0x0];
	_ =	sdelay $0x2  }
0xb8: {  	s31 =	sshll.u32 s1, $0xD;
	s1 =	sshrl.u32 s1, $0x2  }
0xb9: {  	s3 =	sand.u32 $0x4000, s31;
	s1 =	sadd.s32 s1, s30  }
0xba: {  	s0 =	sor.u32 s3, s0;
	s1 =	sshll.u32 s1, $0x11  }
0xbb: {  	s0 =	sor.u32 s1, s0  }
0xbc: {  	s0 =	sadd.s32 $0x8F2B, s0  }
0xbd: {  	[sflag:s0] =	ssyncadd.remote.s32 $0x1  }
0xbe: {  	_ =	sfence.sel $0xFFFF  }
0xbf: {  	[dreg:$0x0] =	wrdreg $0xFFFFFFFF;
	(pc) =	sbr.abs _section_cstart, $3  }
0xc0: {  	[dreg:$0x1] =	wrdreg $0xFFFFFFFF  }
0xc1: {  	_ =	task.clear_ibuf [dreg:s6], $0x2FFFF;
	_ =	strace $0x9FFFFFFF  }
0xc2: {  	(tm) =	ssettm $0x7FFFFFFF  }
0xc3: {  	_ =	shalt  }
tec
execute0_lowered:
.L_overlay_start_1:
0x0: {  	(tag) =	ssettag $0x1  }
0x1: {  	s0 =	rddreg [dreg:$0x0]  }
0x2: {  	s1 =	rddreg [dreg:$0x1];
	s2 =	srdreg.scid;
	s3 =	simm.s32 $0x0  }
0x3: {  	s9 =	stileid.u32;
	s28 =	simm.s32 $0x400;
	s29 =	simm.s32 $0x2  }
0x4: {  	s30 =	simm.s32 $0x5;
	s31 =	simm.s32 $0x80;
	s11 =	simm.s32 $0x7  }
0x5: {  	s12 =	simm.s32 $0x4;
	s13 =	simm.s32 $0x280;
	s14 =	simm.s32 $0x8  }
0x6: {  	s15 =	simm.s32 $0x380;
	s10 =	simm.s32 $0x0;
	s7 =	smul.u32 $0x14000, s9  }
0x7: {  	s2 =	sand.u32 $0x1, s2;
	[smem:$0x7FF] =	sst s3;
	s16 =	smul.u32 $0x50000, s9  }
0x8: {  	s4 =	sadd.s32 $0x19600, s0;
	s6 =	smul.u32 $0x140000, s2;
	s5 =	sshll.u32 s2, $0x4  }
0x9: {  	_ =	strace $0x8000004A;
	s2 =	ssub.s32 $0x2, s2;
	s8 =	sor.u32 s9, s5  }
0xa: {  	s5 =	sadd.s32 $0x2E00, s0;
	s17 =	sshrl.u32 s2, $0x1;
	s19 =	sshrl.u32 s16, $0x2  }
0xb: {  	s7 =	sadd.s32 s7, s6;
	s6 =	smul.u32 $0x5A00, s8;
	s2 =	ssub.s32 s2, s17  }
0xc: {  	s19 =	sadd.s32 s19, s1;
	s8 =	simm.s32 $0x6;
	s7 =	sshrl.u32 s7, $0x3  }
0xd: {  	s22 =	sadd.s32 $0x7000, s19;
	s23 =	sadd.s32 $0xA800, s19;
	[dreg:$0x6] =	wrdreg s19  }
0xe: {  	s24 =	sadd.s32 $0xE000, s19;
	s25 =	sadd.s32 $0x11800, s19;
	[dreg:$0x8] =	wrdreg s22  }
0xf: {  	s26 =	smax.u32 s2, $0x1;
	s2 =	simm.s32 $0x3;
	[dreg:$0x9] =	wrdreg s23  }
0x10: {  	s0 =	sadd.s32 s7, s0;
	s18 =	sshrl.u32 s6, $0x3;
	[dreg:$0xa] =	wrdreg s24  }
0x11: {  	s7 =	sadd.s32 $0x3800, s19;
	[dreg:$0xb] =	wrdreg s25;
	s16 =	sadd.s32 $0x400, s6  }
0x12: {  	s17 =	sadd.s32 $0x500, s6;
	[dreg:$0xd] =	wrdreg s26;
	s22 =	simm.s32 $0x200  }
0x13: {  	s23 =	simm.s32 $0x3C00;
	s24 =	simm.s32 $0x9;
	s25 =	simm.s32 $0x1  }
.Ltmp0:
0x14: {  	s9 =	sadd.s32 s5, s18;
	[dreg:$0x7] =	wrdreg s7;
	(pc) =	sbr.rel .LBB2_1-.Ltmp0, $4  }
0x15: {  	s26 =	simm.s32 $0x70;
	s0 =	sadd.s32 $0x40800, s0;
	[dreg:$0x3] =	wrdreg s9  }
0x16: {  	s18 =	sadd.s32 $0x600, s6;
	s20 =	sadd.s32 $0x20, s9;
	[dreg:$0xc] =	wrdreg s0  }
0x17: {  	s21 =	sadd.s32 $0x40, s9;
	s0 =	simm.s32 $0x300;
	[dreg:$0x4] =	wrdreg s20  }
0x18: {  	v0 =	vimm.f32 $0.0e+00;
	s9 =	simm.s32 $0x180;
	[dreg:$0x5] =	wrdreg s21;
	s21 =	simm.s32 $0x100  }
.LBB2_6:
0x19: {  	_ =	swait.ge [sflag:s29], $0x100  }
0x1a: {  	[sflag:s29] =	ssyncset.done $0x0  }
0x1b: {  	[sflag:s29] =	ssyncadd.s32 $0xFFFFFF00  }
0x1c: {  	_ =	swait.ge [sflag:s30], $0x3800  }
0x1d: {  	[sflag:s30] =	ssyncset.done $0x0  }
0x1e: {  	[sflag:s30] =	ssyncadd.s32 $0xFFFFC800  }
0x1f: {  	[spmem:s1] =	stream.indirect.scatter.add.f32 [tilespmem:s28], [sflag:$0x7], $0x80, s31, s26, $0xb8;
	[tilespmem:$0x1B400] =	vst v63  }
0x20: {  	_ =	swait.ge [sflag:s14], $0x3800  }
0x21: {  	[sflag:s14] =	ssyncset.done $0x0  }
0x22: {  	[sflag:s14] =	ssyncadd.s32 $0xFFFFC800  }
0x23: {  	[tilespmem:s23], [sflag:$0x6] =	stream.indirect.gather [hbm4b:s4+s26], $0x80, s21, s26, $0xb8;
	[tilespmem:$0x1B400] =	vst v63  }
0x24: {  	_ =	swait.ge [sflag:s8], $0x3800  }
0x25: {  	[sflag:s8] =	ssyncset.done $0x0  }
0x26: {  	[sflag:s8] =	ssyncadd.s32 $0xFFFFC800  }
0x27: {  	[spmem:s1] =	stream.indirect.scatter.add.f32 [tilespmem:s23], [sflag:$0x8], $0x80, s9, s26, $0xb8;
	[tilespmem:$0x1B400] =	vst v63  }
0x28: {  	_ =	swait.ge [sflag:s11], $0x3800  }
0x29: {  	[sflag:s11] =	ssyncset.done $0x0  }
0x2a: {  	[sflag:s11] =	ssyncadd.s32 $0xFFFFC800  }
0x2b: {  	_ =	swait.ge [sflag:s14], $0x3800  }
0x2c: {  	[sflag:s14] =	ssyncset.done $0x0  }
0x2d: {  	[sflag:s14] =	ssyncadd.s32 $0xFFFFC800  }
0x2e: {  	s7 =	stileid.u32;
	[bflag:$0x0] =	sbarrier.arrive $0xFFFF  }
0x2f: {  	s7 =	sshll.u32 s7, $0x6;
	s19 =	rddreg [dreg:$0x6]  }
0x30: {  	s7 =	sor.u32 $0x1C09, s7;
	s20 =	rddreg [dreg:$0xc];
	s10 =	sshrl.u32 s19, $0x3  }
0x31: {  	[hbm:s20], [sflag:s7] =	dma.local [spmem:s10], $0x2800  }
0x32: {  	_ =	swait.ge [sflag:s24], $0x2800  }
0x33: {  	s7 =	rddreg [dreg:$0xe]  }
0x34: {  	s20 =	rddreg [dreg:$0xd];
	s10 =	sadd.s32 $0x1, s7  }
0x35: {  	p0 =	sne.s32 s10, s20  }
.Ltmp1:
0x36: {  	_ = 	snop;
	(pc) =	sbr.rel @!p0 .LBB2_7-.Ltmp1, $3  }
0x37: {  	_ =	sdelay $0x1  }
0x38: {  	[sflag:s24] =	ssyncset.done $0x0  }
0x39: {  	[sflag:s24] =	ssyncadd.s32 $0xFFFFD800  }
.LBB2_1:
0x3a: {  	[dreg:$0xe] =	wrdreg s10  }
0x3b: {  	s7 =	rddreg [dreg:$0x3]  }
0x3c: {  	[tilespmem:s3], [sflag:$0x1] =	stream.linear.gather [hbm4b:s7+s3], $0x100, $0x38;
	[tilespmem:$0x1B400] =	vst v63  }
0x3d: {  	s10 =	rddreg [dreg:$0x4]  }
0x3e: {  	[tilespmem:s21], [sflag:$0x2] =	stream.linear.gather [hbm4b:s10+s3], $0x100, $0x38;
	[tilespmem:$0x1B400] =	vst v63  }
0x3f: {  	s20 =	rddreg [dreg:$0x5]  }
0x40: {  	[tilespmem:s22], [sflag:$0x3] =	stream.linear.gather [hbm4b:s20+s3], $0x100, $0x38;
	[tilespmem:$0x1B400] =	vst v63  }
0x41: {  	s7 =	simm.s32 $0x0;
	s20 =	simm.s32 $0x200  }
.LBB2_2:
0x42: {  	p0 =	sne.s32 s20, $0xDE00;
	[tilespmem:s7+$0x3C70] =	vst v0  }
0x43: {  	[tilespmem:s7+$0x3C00] =	vst v0  }
0x44: {  	[tilespmem:s7+$0x3C10] =	vst v0  }
.Ltmp2:
0x45: {  	[tilespmem:s7+$0x3C20] =	vst v0;
	(pc) =	sbr.rel @p0 .LBB2_2-.Ltmp2, $4  }
0x46: {  	[tilespmem:s7+$0x3C30] =	vst v0  }
0x47: {  	[tilespmem:s7+$0x3C40] =	vst v0  }
0x48: {  	[tilespmem:s7+$0x3C50] =	vst v0  }
0x49: {  	[tilespmem:s7+$0x3C60] =	vst v0;
	s7 =	sshra.s32 s20, $0x2;
	s20 =	sadd.s32 $0x200, s20  }
0x4a: {  	[tilespmem:s7+$0x3C70] =	vst v0  }
0x4b: {  	[tilespmem:s7+$0x3C00] =	vst v0  }
0x4c: {  	[tilespmem:s7+$0x3C10] =	vst v0  }
0x4d: {  	[tilespmem:s7+$0x3C20] =	vst v0  }
0x4e: {  	[tilespmem:s7+$0x3C30] =	vst v0  }
0x4f: {  	[tilespmem:s7+$0x3C40] =	vst v0  }
0x50: {  	[tilespmem:s7+$0x3C50] =	vst v0  }
0x51: {  	[tilespmem:s7+$0x3C60] =	vst v0  }
0x52: {  	[spmem:s19] =	stream.linear.scatter [tilespmem:s23], [sflag:$0x9], $0x3800, $0x38;
	[tilespmem:$0x1B400] =	vst v63  }
0x53: {  	_ =	swait.ge [sflag:s24], $0x3800  }
0x54: {  	[sflag:s24] =	ssyncset.done $0x0  }
0x55: {  	s19 =	rddreg [dreg:$0x7];
	[sflag:s24] =	ssyncadd.s32 $0xFFFFC800  }
0x56: {  	[spmem:s19] =	stream.linear.scatter [tilespmem:s23], [sflag:$0x9], $0x3800, $0x38;
	[tilespmem:$0x1B400] =	vst v63  }
0x57: {  	_ =	swait.ge [sflag:s24], $0x3800  }
0x58: {  	[sflag:s24] =	ssyncset.done $0x0  }
0x59: {  	s20 =	rddreg [dreg:$0x8];
	[sflag:s24] =	ssyncadd.s32 $0xFFFFC800  }
0x5a: {  	[spmem:s20] =	stream.linear.scatter [tilespmem:s23], [sflag:$0x9], $0x3800, $0x38;
	[tilespmem:$0x1B400] =	vst v63  }
0x5b: {  	_ =	swait.ge [sflag:s24], $0x3800  }
0x5c: {  	[sflag:s24] =	ssyncset.done $0x0  }
0x5d: {  	s10 =	rddreg [dreg:$0x9];
	[sflag:s24] =	ssyncadd.s32 $0xFFFFC800  }
0x5e: {  	[spmem:s10] =	stream.linear.scatter [tilespmem:s23], [sflag:$0x9], $0x3800, $0x38;
	[tilespmem:$0x1B400] =	vst v63  }
0x5f: {  	_ =	swait.ge [sflag:s24], $0x3800  }
0x60: {  	[sflag:s24] =	ssyncset.done $0x0  }
0x61: {  	s19 =	rddreg [dreg:$0xa];
	[sflag:s24] =	ssyncadd.s32 $0xFFFFC800  }
0x62: {  	[spmem:s19] =	stream.linear.scatter [tilespmem:s23], [sflag:$0x9], $0x3800, $0x38;
	[tilespmem:$0x1B400] =	vst v63  }
0x63: {  	_ =	swait.ge [sflag:s24], $0x3800  }
0x64: {  	[sflag:s24] =	ssyncset.done $0x0  }
0x65: {  	s20 =	rddreg [dreg:$0xb];
	[sflag:s24] =	ssyncadd.s32 $0xFFFFC800  }
0x66: {  	[spmem:s20] =	stream.linear.scatter [tilespmem:s23], [sflag:$0x9], $0x2800, $0x38;
	[tilespmem:$0x1B400] =	vst v63  }
0x67: {  	_ =	swait.ge [sflag:s24], $0x2800  }
0x68: {  	[sflag:s24] =	ssyncset.done $0x0  }
0x69: {  	[sflag:s24] =	ssyncadd.s32 $0xFFFFD800  }
0x6a: {  	_ =	swait.ge [sflag:s25], $0x100  }
0x6b: {  	[sflag:s25] =	ssyncset.done $0x0  }
0x6c: {  	s20 =	simm.s32 $0x0;
	[sflag:s25] =	ssyncadd.s32 $0xFFFFFF00  }
0x6d: {  	[tilespmem:s28], [sflag:$0x5] =	stream.indirect.gather [hbm4b:s4+s26], $0x80, s20, s26, $0xb8;
	[tilespmem:$0x1B400] =	vst v63  }
0x6e: {  	[bflag:$0x0] =	sbarrier.arrive $0xFFFF  }
.LBB2_4:
0x6f: {  	_ =	swait.ge [sflag:s29], $0x100  }
0x70: {  	[sflag:s29] =	ssyncset.done $0x0  }
0x71: {  	[sflag:s29] =	ssyncadd.s32 $0xFFFFFF00  }
0x72: {  	_ =	swait.ge [sflag:s30], $0x3800  }
0x73: {  	p0 =	sne.s32 s20, $0x0;
	[sflag:s30] =	ssyncset.done $0x0  }
0x74: {  	s7 =	simm.s32 @p0 $0x8;
	[sflag:s30] =	ssyncadd.s32 $0xFFFFC800  }
0x75: {  	[spmem:s1] =	stream.indirect.scatter.add.f32 [tilespmem:s28], [sflag:$0x7], $0x80, s31, s26, $0xb8;
	[tilespmem:$0x1B400] =	vst v63  }
0x76: {  	_ =	swait.ge @p0 [sflag:s7], $0x3800  }
0x77: {  	s10 =	simm.s32 @p0 $0x100;
	[sflag:s7] =	ssyncset.done @p0 $0x0  }
0x78: {  	s19 =	simm.s32 @p0 $0x3C00;
	[sflag:s7] =	ssyncadd.s32 @p0 $0xFFFFC800;
	s7 =	simm.s32 @p0 $0x70  }
0x79: {  	[tilespmem:s19], [sflag:$0x6] =	stream.indirect.gather @p0 [hbm4b:s4+s7], $0x80, s10, s7, $0xb8;
	[tilespmem:$0x1B400] =	vst v63  }
0x7a: {  	s7 =	simm.s32 @!p0 $0x70;
	s10 =	simm.s32 @!p0 $0x100;
	s19 =	simm.s32 @!p0 $0x3C00  }
0x7b: {  	[tilespmem:s19], [sflag:$0x6] =	stream.indirect.gather @!p0 [hbm4b:s4+s7], $0x80, s10, s7, $0xb8;
	[tilespmem:$0x1B400] =	vst v63  }
0x7c: {  	s7 =	sadd.s32 @p0 $0x300, s20  }
0x7d: {  	s7 =	simm.s32 @!p0 $0x300  }
0x7e: {  	s7 =	sadd.s32 s6, s7  }
0x7f: {  	s7 =	sshrl.u32 s7, $0x3  }
0x80: {  	s7 =	sadd.s32 s5, s7  }
0x81: {  	[tilespmem:s0], [sflag:$0x4] =	stream.linear.gather [hbm4b:s7+s3], $0x100, $0x38;
	[tilespmem:$0x1B400] =	vst v63  }
0x82: {  	_ =	swait.ge [sflag:s2], $0x100  }
0x83: {  	[sflag:s2] =	ssyncset.done $0x0  }
0x84: {  	[sflag:s2] =	ssyncadd.s32 $0xFFFFFF00  }
0x85: {  	_ =	swait.ge [sflag:s8], $0x3800  }
0x86: {  	[sflag:s8] =	ssyncset.done $0x0  }
0x87: {  	s7 =	smov.u32 s20;
	[sflag:s8] =	ssyncadd.s32 $0xFFFFC800  }
0x88: {  	[spmem:s1] =	stream.indirect.scatter.add.f32 [tilespmem:s23], [sflag:$0x8], $0x80, s9, s26, $0xb8;
	[tilespmem:$0x1B400] =	vst v63  }
0x89: {  	s7 =	simm.s32 @!p0 $0x0;
	_ =	swait.ge [sflag:s11], $0x3800  }
0x8a: {  	s19 =	sadd.s32 s7, s16;
	[sflag:s11] =	ssyncset.done $0x0  }
0x8b: {  	s10 =	sshrl.u32 s19, $0x3;
	[sflag:s11] =	ssyncadd.s32 $0xFFFFC800  }
0x8c: {  	[tilespmem:s28], [sflag:$0x5] =	stream.indirect.gather [hbm4b:s4+s26], $0x80, s22, s26, $0xb8;
	[tilespmem:$0x1B400] =	vst v63  }
0x8d: {  	s10 =	sadd.s32 s5, s10  }
0x8e: {  	[tilespmem:s3], [sflag:$0x1] =	stream.linear.gather [hbm4b:s10+s3], $0x100, $0x38;
	[tilespmem:$0x1B400] =	vst v63  }
0x8f: {  	_ =	swait.ge [sflag:s12], $0x100  }
0x90: {  	[sflag:s12] =	ssyncset.done $0x0  }
0x91: {  	[sflag:s12] =	ssyncadd.s32 $0xFFFFFF00  }
0x92: {  	_ =	swait.ge [sflag:s30], $0x3800  }
0x93: {  	[sflag:s30] =	ssyncset.done $0x0  }
0x94: {  	[sflag:s30] =	ssyncadd.s32 $0xFFFFC800  }
0x95: {  	[spmem:s1] =	stream.indirect.scatter.add.f32 [tilespmem:s28], [sflag:$0x7], $0x80, s13, s26, $0xb8;
	[tilespmem:$0x1B400] =	vst v63  }
0x96: {  	_ =	swait.ge [sflag:s14], $0x3800  }
0x97: {  	s19 =	sadd.s32 s7, s17;
	[sflag:s14] =	ssyncset.done $0x0  }
0x98: {  	s10 =	sshrl.u32 s19, $0x3;
	[sflag:s14] =	ssyncadd.s32 $0xFFFFC800  }
0x99: {  	[tilespmem:s23], [sflag:$0x6] =	stream.indirect.gather [hbm4b:s4+s26], $0x80, s0, s26, $0xb8;
	[tilespmem:$0x1B400] =	vst v63  }
0x9a: {  	s10 =	sadd.s32 s5, s10  }
0x9b: {  	[tilespmem:s21], [sflag:$0x2] =	stream.linear.gather [hbm4b:s10+s3], $0x100, $0x38;
	[tilespmem:$0x1B400] =	vst v63  }
0x9c: {  	_ =	swait.ge [sflag:s25], $0x100  }
0x9d: {  	[sflag:s25] =	ssyncset.done $0x0  }
0x9e: {  	[sflag:s25] =	ssyncadd.s32 $0xFFFFFF00  }
0x9f: {  	_ =	swait.ge [sflag:s8], $0x3800  }
0xa0: {  	[sflag:s8] =	ssyncset.done $0x0  }
0xa1: {  	p0 =	seq.s32 s20, $0x5400;
	[sflag:s8] =	ssyncadd.s32 $0xFFFFC800  }
0xa2: {  	[spmem:s1] =	stream.indirect.scatter.add.f32 [tilespmem:s23], [sflag:$0x8], $0x80, s15, s26, $0xb8;
	[tilespmem:$0x1B400] =	vst v63  }
.Ltmp3:
0xa3: {  	_ = 	snop;
	(pc) =	sbr.rel @p0 .LBB2_6-.Ltmp3, $4  }
0xa4: {  	_ =	swait.ge [sflag:s11], $0x3800  }
0xa5: {  	[sflag:s11] =	ssyncset.done $0x0  }
0xa6: {  	[sflag:s11] =	ssyncadd.s32 $0xFFFFC800  }
0xa7: {  	[tilespmem:s28], [sflag:$0x5] =	stream.indirect.gather [hbm4b:s4+s26], $0x80, s3, s26, $0xb8;
	[tilespmem:$0x1B400] =	vst v63  }
.Ltmp4:
0xa8: {  	(pc) =	sbr.rel .LBB2_4-.Ltmp4, $4  }
0xa9: {  	s7 =	sadd.s32 s7, s18  }
0xaa: {  	s7 =	sshrl.u32 s7, $0x3  }
0xab: {  	s20 =	sadd.s32 $0x400, s20;
	s7 =	sadd.s32 s5, s7  }
0xac: {  	[tilespmem:s22], [sflag:$0x3] =	stream.linear.gather [hbm4b:s7+s3], $0x100, $0x38;
	[tilespmem:$0x1B400] =	vst v63  }
.LBB2_7:
0xad: {  	_ =	sfence.sel $0x180000  }
0xae: {  	[bflag:$0x0] =	sbarrier.arrive $0xFFFF  }
0xaf: {  	_ =	strace $0x9000004A  }
0xb0: {  	s0 =	stileid.u32;
	[bflag:$0x2] =	sbarrier.arrive $0xFFFF  }
0xb1: {  	p0 =	sne.s32 s0, $0x0;
	s0 =	rddreg [dreg:$0x2]  }
0xb2: {  	s0 =	sadd.s32 @!p0 $0x100000, s0  }
0xb3: {  	[sflag:s0] =	ssyncadd.tile.s32 @!p0 $0x1;
	_ =	shalt  }
.Lfunc_end2:
_tile_overlayer_lowered:
.L_overlay_start_2:
0xb4: {  	(tag) =	ssettag $0x2  }
0xb5: {  	s0 =	rddreg [dreg:$0x0];
	s2 =	stileid.u32  }
0xb6: {  	s1 =	rddreg [dreg:$0x1];
	p0 =	sne.s32 s2, $0x0  }
0xb7: {  	s3 =	rddreg [dreg:$0x2];
	[bflag:$0x3] =	sbarrier.arrive $0xFFFF;
	s2 =	simm.s32 @!p0 $0x1C09  }
0xb8: {  	[timem:s3], [sflag:s2] =	dma.local @!p0 [hbm:s0], s1  }
0xb9: {  	s0 =	simm.s32 @!p0 $0x9  }
0xba: {  	_ =	swait.ge @!p0 [sflag:s0], s1  }
0xbb: {  	s1 =	ssub.s32 @!p0 $0x0, s1;
	[sflag:s0] =	ssyncset.done @!p0 $0x0  }
0xbc: {  	[sflag:s0] =	ssyncadd.s32 @!p0 s1  }
0xbd: {  	[bflag:$0x3] =	sbarrier.arrive $0xFFFF  }
0xbe: {  	_ =	shalt  }

// kernel: kernel.16.cloned.1.call-start
scs
__scs_entry_jumppad:
0x0: {  	(pc) =	sbr.rel $0x88, $3  }
0x1: {  	(tag) =	ssettag $0x0;
	lr =	simm.s32 $0x1  }
0x2: {  	[smem:$0x3F96] =	sst lr;
	_ =	strace $0xD0000000  }
0x3: {  	_ = 	snop  }
0x4: {  	_ = 	snop  }
0x5: {  	_ = 	snop  }
0x6: {  	_ = 	snop  }
0x7: {  	_ = 	snop  }
__scs_overlays_trampoline_lowered:
0x8: {  	[smem:$0x3FA5] =	sst s0  }
0x9: {  	[smem:$0x3FA6] =	sst s1  }
0xa: {  	[smem:$0x3FA7] =	sst s2  }
0xb: {  	[smem:$0x3FA8] =	sst s3  }
0xc: {  	[smem:$0x3FA9] =	sst s4  }
0xd: {  	[smem:$0x3FAA] =	sst s5  }
0xe: {  	[smem:$0x3FAB] =	sst s6  }
0xf: {  	[smem:$0x3FAC] =	sst s7  }
0x10: {  	[smem:$0x3FAD] =	sst s8  }
0x11: {  	[smem:$0x3FAE] =	sst s9;
	s0 =	simm.s32 @!p0 $0x0  }
0x12: {  	s1 =	sld [smem:$0x3F94];
	s0 =	simm.s32 @p0 $0x1  }
0x13: {  	[smem:$0x3FAF] =	sst s0;
	s0 =	simm.s32 @!p1 $0x0  }
0x14: {  	s2 =	sld [smem:$0x3F93];
	s0 =	simm.s32 @p1 $0x1  }
0x15: {  	[smem:$0x3FB0] =	sst s0;
	s0 =	simm.s32 @!p2 $0x0  }
0x16: {  	s3 =	sld [smem:$0x3FDB];
	s0 =	simm.s32 @p2 $0x1  }
0x17: {  	s4 =	simm.s32 $0x1BF5;
	[smem:$0x3FB2] =	sst s0  }
0x18: {  	s0 =	sld [smem:$0x3F95];
	_ =	swait.ge [sflag:s4], $0x0  }
0x19: {  	s7 =	sld [smem:$0x3F96]  }
0x1a: {  	s8 =	sadd.s32 $0xFFFFE003, lr  }
0x1b: {  	s9 =	sadd.s32 $0xFFFFFEF7, lr;
	s5 =	simm.s32 $0xFFFFFFFF;
	p2 =	slt.u32 s8, $0xFFFFF086  }
0x1c: {  	p1 =	slt.u32 s9, $0xF7A;
	s5 =	simm.s32 @!p2 $0x0  }
0x1d: {  	s5 =	simm.s32 @p1 $0x1;
	p0 =	seq.s32 s7, s2  }
0x1e: {  	s7 =	smul.u32 @!p0 $0xF7A, s2;
	p2 =	seq.s32 @!p0 s5, $0x0  }
0x1f: {  	s9 =	smul.u32 $0xF7A, s1;
	s8 =	simm.s32 @!p0 $0x1BF5;
	p2 =	por !p2, p0  }
0x20: {  	[sflag:s8] =	ssyncset.s32 @!p0 $0xFFFFF086;
	s6 =	sadd.s32 @!p0 s3, s7;
	s7 =	simm.s32 @!p0 $0x108  }
0x21: {  	s3 =	sadd.s32 s3, s9;
	s6 =	sadd.s32 @!p0 $0x88, s6;
	s7 =	simm.s32 @p2 $0x1082  }
0x22: {  	[simem:s7], [sflag:s8] =	dma.local @!p0 [hbm:s6], $0xF7A  }
0x23: {  	s9 =	sor.u32 $0xD0000000, s2;
	s6 =	simm.s32 $0x108;
	_ =	swait.ge @!p0 [sflag:s8], $0x0  }
0x24: {  	s3 =	sadd.s32 $0x88, s3;
	s6 =	simm.s32 @!p1 $0x1082;
	[sflag:s4] =	ssyncset.s32 $0xFFFFF086  }
0x25: {  	[simem:s6], [sflag:s4] =	dma.local [hbm:s3], $0xF7A  }
0x26: {  	[smem:$0x3F96] =	sst s1;
	(tag) =	ssettag s2;
	_ =	strace s9  }
0x27: {  	s1 =	sld [smem:$0x3FA6]  }
0x28: {  	s2 =	sld [smem:$0x3FA7]  }
0x29: {  	s4 =	sld [smem:$0x3FA9]  }
0x2a: {  	p0 =	seq.s32 s5, $0x0;
	s5 =	sld [smem:$0x3FAA]  }
0x2b: {  	s6 =	sld [smem:$0x3FAB]  }
0x2c: {  	s7 =	sld [smem:$0x3FAC]  }
0x2d: {  	s3 =	simm.s32 $0x108;
	s8 =	sld [smem:$0x3FAD]  }
0x2e: {  	s3 =	simm.s32 @!p0 $0x1082;
	s9 =	sld [smem:$0x3FAE]  }
0x2f: {  	lr =	sadd.s32 s0, s3;
	s0 =	sld [smem:$0x3FA5]  }
0x30: {  	s3 =	sld [smem:$0x3FA8]  }
0x31: {  	[smem:$0x3FB1] =	sst s10  }
0x32: {  	s10 =	sld [smem:$0x3FAF];
	_ =	sdelay $0x3  }
0x33: {  	p0 =	seq.s32 s10, $0x1;
	s10 =	sld [smem:$0x3FB1];
	_ =	sdelay $0x3  }
0x34: {  	[smem:$0x3FB1] =	sst s10  }
0x35: {  	s10 =	sld [smem:$0x3FB0];
	_ =	sdelay $0x3  }
0x36: {  	p1 =	seq.s32 s10, $0x1;
	s10 =	sld [smem:$0x3FB1];
	_ =	sdelay $0x3  }
0x37: {  	[smem:$0x3FB1] =	sst s10  }
0x38: {  	s10 =	sld [smem:$0x3FB2]  }
0x39: {  	_ = 	snop;
	(pc) =	sbr.ind lr, $3  }
0x3a: {  	_ = 	snop  }
0x3b: {  	_ = 	snop  }
0x3c: {  	p2 =	seq.s32 s10, $0x1;
	s10 =	sld [smem:$0x3FB1]  }
0x3d: {  	_ =	shalt  }
0x3e: {  	_ =	shalt  }
0x3f: {  	_ =	shalt  }
0x40: {  	_ =	shalt  }
0x41: {  	_ =	shalt  }
0x42: {  	_ =	shalt  }
0x43: {  	_ =	shalt  }
0x44: {  	_ =	shalt  }
0x45: {  	_ =	shalt  }
0x46: {  	_ =	shalt  }
0x47: {  	_ =	shalt  }
0x48: {  	_ =	shalt  }
0x49: {  	_ =	shalt  }
0x4a: {  	_ =	shalt  }
0x4b: {  	_ =	shalt  }
0x4c: {  	_ =	shalt  }
0x4d: {  	_ =	shalt  }
0x4e: {  	_ =	shalt  }
0x4f: {  	_ =	shalt  }
0x50: {  	_ =	shalt  }
0x51: {  	_ =	shalt  }
0x52: {  	_ =	shalt  }
0x53: {  	_ =	shalt  }
0x54: {  	_ =	shalt  }
0x55: {  	_ =	shalt  }
0x56: {  	_ =	shalt  }
0x57: {  	_ =	shalt  }
0x58: {  	_ =	shalt  }
0x59: {  	_ =	shalt  }
0x5a: {  	_ =	shalt  }
0x5b: {  	_ =	shalt  }
0x5c: {  	_ =	shalt  }
0x5d: {  	_ =	shalt  }
0x5e: {  	_ =	shalt  }
0x5f: {  	_ =	shalt  }
0x60: {  	_ =	shalt  }
0x61: {  	_ =	shalt  }
0x62: {  	_ =	shalt  }
0x63: {  	_ =	shalt  }
0x64: {  	_ =	shalt  }
0x65: {  	_ =	shalt  }
0x66: {  	_ =	shalt  }
0x67: {  	_ =	shalt  }
0x68: {  	_ =	shalt  }
0x69: {  	_ =	shalt  }
0x6a: {  	_ =	shalt  }
0x6b: {  	_ =	shalt  }
0x6c: {  	_ =	shalt  }
0x6d: {  	_ =	shalt  }
0x6e: {  	_ =	shalt  }
0x6f: {  	_ =	shalt  }
0x70: {  	_ =	shalt  }
0x71: {  	_ =	shalt  }
0x72: {  	_ =	shalt  }
0x73: {  	_ =	shalt  }
0x74: {  	_ =	shalt  }
0x75: {  	_ =	shalt  }
0x76: {  	_ =	shalt  }
0x77: {  	_ =	shalt  }
0x78: {  	_ =	shalt  }
0x79: {  	_ =	shalt  }
0x7a: {  	_ =	shalt  }
0x7b: {  	_ =	shalt  }
0x7c: {  	_ =	shalt  }
0x7d: {  	_ =	shalt  }
0x7e: {  	_ =	shalt  }
0x7f: {  	_ =	shalt  }
0x80: {  	_ =	shalt  }
0x81: {  	_ =	shalt  }
0x82: {  	_ =	shalt  }
0x83: {  	_ =	shalt  }
0x84: {  	_ =	shalt  }
0x85: {  	_ =	shalt  }
0x86: {  	_ =	shalt  }
0x87: {  	_ =	shalt  }
.Lfunc_end0:
.L_simem_size_0:
called_computation.2_lowered:
.L_overlay_start_0:
0x88: {  	s2 =	sld [smem:$0x3FD9]  }
0x89: {  	s3 =	sld [smem:$0x3FFE];
	_ =	sdelay $0x1  }
0x8a: {  	s1 =	srdreg.scid  }
0x8b: {  	s0 =	sand.u32 $0x1, s1  }
0x8c: {  	s16 =	sshll.u32 s0, $0xA;
	s2 =	sadd.s32 s3, s2  }
0x8d: {  	s2 =	sadd.s32 s2, s16  }
0x8e: {  	[smem:$0x3FBD] =	sst s2  }
0x8f: {  	_ = 	snop  }
0x90: {  	(tm) =	ssettm $0x1  }
0x91: {  	s17 =	sld [smem:$0x3FFB];
	_ =	sdelay $0x3  }
0x92: {  	_ =	strace s17  }
0x93: {  	s2 =	sld [smem:$0x3FFC];
	_ =	sdelay $0x3  }
0x94: {  	_ =	strace s2  }
0x95: {  	s2 =	sld [smem:$0x3FFD];
	_ =	sdelay $0x3  }
0x96: {  	_ =	strace s2  }
0x97: {  	_ =	strace $0x8FFFFFFF  }
0x98: {  	s18 =	sld [smem:$0x3FDB];
	_ =	sdelay $0x1  }
0x99: {  	s19 =	simm.s32 $_scs_section_size  }
0x9a: {  	s4 =	simm.s32 $_size__tile_overlayer_lowered;
	s5 =	simm.s32 $_tile_overlayer_lowered  }
0x9b: {  	s22 =	simm.s32 $0x1BFF;
	s21 =	sshll.u32 s5, $0x1;
	s2 =	sadd.s32 s19, s18  }
0x9c: {  	s6 =	simm.s32 $0x0;
	s20 =	sshll.u32 s4, $0x1;
	s4 =	sadd.s32 s21, s2  }
0x9d: {  	[timem:s6], [sflag:s22] =	dma.local [hbm:s4], s20  }
0x9e: {  	_ =	swait.ge [sflag:s22], s20  }
0x9f: {  	s3 =	ssub.s32 $0x0, s20;
	[sflag:s22] =	ssyncset.done $0x0  }
0xa0: {  	[sflag:s22] =	ssyncadd.s32 s3;
	_ =	sdelay $0x1  }
0xa1: {  	s23 =	simm.s32 $0x1B8B  }
0xa2: {  	_ =	swait.ge [sflag:s23], $0x1  }
0xa3: {  	[sflag:s23] =	ssyncset.done $0x0  }
0xa4: {  	s25 =	simm.s32 $0x1B8E;
	s24 =	sld [smem:$0x3FFE];
	[sflag:s23] =	ssyncadd.s32 $0xFFFFFFFF  }
0xa5: {  	s26 =	simm.s32 $execute0_lowered;
	[smem:$0x3FD2] =	sst s25  }
0xa6: {  	s4 =	sshll.u32 s26, $0x1;
	_ =	strace $0x8000004C;
	[dreg:$0x1] =	wrdreg $0xFFFFFFFF  }
0xa7: {  	s28 =	simm.s32 $_size_execute0_lowered;
	s2 =	sadd.s32 s2, s4;
	[dreg:$0x0] =	wrdreg $0x0  }
0xa8: {  	s4 =	sshll.u32 s28, $0x1;
	[dreg:$0x2] =	wrdreg s2  }
0xa9: {  	[dreg:$0x3] =	wrdreg s4  }
0xaa: {  	[dreg:$0x4] =	wrdreg $0xC0  }
0xab: {  	_ =	task [dreg:s6], $0x5FFFF  }
0xac: {  	[dreg:$0x1] =	wrdreg $0xFFFFFFFF  }
0xad: {  	[dreg:$0x0] =	wrdreg $0x60  }
0xae: {  	[dreg:$0x2] =	wrdreg s24  }
0xaf: {  	[dreg:$0x3] =	wrdreg $0x5D800  }
0xb0: {  	[dreg:$0x4] =	wrdreg $0x9  }
0xb1: {  	_ =	task.clear_ibuf [dreg:s6], $0x5FFFF;
	_ =	strace $0x9000004C  }
0xb2: {  	s29 =	simm.s32 $0x9;
	_ =	strace $0x8000004E  }
0xb3: {  	_ =	swait.ge [sflag:s29], $0x1  }
0xb4: {  	[sflag:s29] =	ssyncadd.s32 $0xFFFFFFFF  }
0xb5: {  	_ =	strace $0x9000004E  }
0xb6: {  	_ =	sfence  }
0xb7: {  	s30 =	sld [smem:$0x0];
	_ =	sdelay $0x2  }
0xb8: {  	s31 =	sshll.u32 s1, $0xD;
	s1 =	sshrl.u32 s1, $0x2  }
0xb9: {  	s3 =	sand.u32 $0x4000, s31;
	s1 =	sadd.s32 s1, s30  }
0xba: {  	s0 =	sor.u32 s3, s0;
	s1 =	sshll.u32 s1, $0x11  }
0xbb: {  	s0 =	sor.u32 s1, s0  }
0xbc: {  	s0 =	sadd.s32 $0x8F2B, s0  }
0xbd: {  	[sflag:s0] =	ssyncadd.remote.s32 $0x1  }
0xbe: {  	_ =	sfence.sel $0xFFFF  }
0xbf: {  	[dreg:$0x0] =	wrdreg $0xFFFFFFFF;
	(pc) =	sbr.abs _section_cstart, $3  }
0xc0: {  	[dreg:$0x1] =	wrdreg $0xFFFFFFFF  }
0xc1: {  	_ =	task.clear_ibuf [dreg:s6], $0x2FFFF;
	_ =	strace $0x9FFFFFFF  }
0xc2: {  	(tm) =	ssettm $0x7FFFFFFF  }
0xc3: {  	_ =	shalt  }
tec
execute0_lowered:
.L_overlay_start_1:
0x0: {  	(tag) =	ssettag $0x1  }
0x1: {  	s5 =	rddreg [dreg:$0x0]  }
0x2: {  	s1 =	rddreg [dreg:$0x1]  }
0x3: {  	s2 =	srdreg.scid;
	s0 =	rddreg [dreg:$0x2];
	s3 =	simm.s32 $0x0  }
0x4: {  	s11 =	simm.s32 $0x1;
	s12 =	simm.s32 $0x70;
	s13 =	simm.s32 $0x5A00  }
0x5: {  	s14 =	simm.s32 $0x5A80;
	s15 =	simm.s32 $0x2;
	s16 =	simm.s32 $0x5880  }
0x6: {  	s17 =	simm.s32 $0x5900;
	s18 =	simm.s32 $0x5980;
	s21 =	simm.s32 $0x20  }
0x7: {  	s22 =	simm.s32 $0x10;
	s23 =	simm.s32 $0x0;
	s6 =	sand.u32 $0x1, s2  }
0x8: {  	s2 =	stileid.u32;
	[smem:$0x7FF] =	sst s3;
	s4 =	sshll.u32 s6, $0x4  }
0x9: {  	s7 =	smul.u32 $0x500, s2;
	_ =	strace $0x8000004D;
	s9 =	sshll.u32 s6, $0x7  }
0xa: {  	s30 =	smul.u32 $0xA00, s2;
	s6 =	ssub.s32 $0x2, s6;
	s19 =	sshll.u32 s2, $0x6  }
0xb: {  	s4 =	sor.u32 s2, s4;
	s31 =	sshrl.u32 s6, $0x1;
	s19 =	sor.u32 $0x1C03, s19  }
0xc: {  	s8 =	smul.u32 $0xB40, s4;
	s4 =	sadd.s32 $0x19600, s5;
	s7 =	sor.u32 s9, s7  }
0xd: {  	s9 =	sshrl.u32 s30, $0x2;
	s10 =	ssub.s32 s6, s31;
	s7 =	sshrl.u32 s7, $0x3  }
0xe: {  	s6 =	sadd.s32 s9, s1;
	s9 =	simm.s32 $0x5B00;
	s8 =	sadd.s32 s8, s5  }
0xf: {  	s7 =	sadd.s32 s7, s5;
	s20 =	sshrl.u32 s6, $0x3;
	s5 =	sadd.s32 $0x2E00, s8  }
0x10: {  	v0 =	vimm.f32 $0.0e+00;
	s7 =	sadd.s32 $0x19C00, s7;
	s8 =	smax.u32 s10, $0x1;
	s10 =	simm.s32 $0x3  }
.LBB2_1:
0x11: {  	[tilespmem:s3], [sflag:$0x1] =	stream.linear.gather [hbm4b:s5+s3], $0x5A00, $0x38;
	[tilespmem:$0x6000] =	vst v63  }
0x12: {  	[tilespmem:$0x5B00] =	vst v0  }
0x13: {  	[tilespmem:$0x5B10] =	vst v0  }
0x14: {  	[tilespmem:$0x5B20] =	vst v0  }
0x15: {  	[tilespmem:$0x5B30] =	vst v0  }
0x16: {  	[tilespmem:$0x5B40] =	vst v0  }
0x17: {  	[tilespmem:$0x5B50] =	vst v0  }
0x18: {  	[tilespmem:$0x5B60] =	vst v0  }
0x19: {  	[tilespmem:$0x5B70] =	vst v0  }
0x1a: {  	[tilespmem:$0x5B80] =	vst v0  }
0x1b: {  	[tilespmem:$0x5B90] =	vst v0  }
0x1c: {  	[tilespmem:$0x5BA0] =	vst v0  }
0x1d: {  	[tilespmem:$0x5BB0] =	vst v0  }
0x1e: {  	[tilespmem:$0x5BC0] =	vst v0  }
0x1f: {  	[tilespmem:$0x5BD0] =	vst v0  }
0x20: {  	[tilespmem:$0x5BE0] =	vst v0  }
0x21: {  	[tilespmem:$0x5BF0] =	vst v0  }
0x22: {  	[tilespmem:$0x5C00] =	vst v0  }
0x23: {  	[tilespmem:$0x5C10] =	vst v0  }
0x24: {  	[tilespmem:$0x5C20] =	vst v0  }
0x25: {  	[tilespmem:$0x5C30] =	vst v0  }
0x26: {  	[tilespmem:$0x5C40] =	vst v0  }
0x27: {  	[tilespmem:$0x5C50] =	vst v0  }
0x28: {  	[tilespmem:$0x5C60] =	vst v0  }
0x29: {  	[tilespmem:$0x5C70] =	vst v0  }
0x2a: {  	[tilespmem:$0x5C80] =	vst v0  }
0x2b: {  	[tilespmem:$0x5C90] =	vst v0  }
0x2c: {  	[tilespmem:$0x5CA0] =	vst v0  }
0x2d: {  	[tilespmem:$0x5CB0] =	vst v0  }
0x2e: {  	[tilespmem:$0x5CC0] =	vst v0  }
0x2f: {  	[tilespmem:$0x5CD0] =	vst v0  }
0x30: {  	[tilespmem:$0x5CE0] =	vst v0  }
0x31: {  	[tilespmem:$0x5CF0] =	vst v0  }
0x32: {  	[tilespmem:$0x5D00] =	vst v0  }
0x33: {  	[tilespmem:$0x5D10] =	vst v0  }
0x34: {  	[tilespmem:$0x5D20] =	vst v0  }
0x35: {  	[tilespmem:$0x5D30] =	vst v0  }
0x36: {  	[tilespmem:$0x5D40] =	vst v0  }
0x37: {  	[tilespmem:$0x5D50] =	vst v0  }
0x38: {  	[tilespmem:$0x5D60] =	vst v0  }
0x39: {  	[tilespmem:$0x5D70] =	vst v0  }
0x3a: {  	[spmem:s6] =	stream.linear.scatter [tilespmem:s9], [sflag:$0x3], $0x280, $0x38;
	[tilespmem:$0x6000] =	vst v63  }
0x3b: {  	_ =	swait.ge [sflag:s10], $0x280  }
0x3c: {  	[sflag:s10] =	ssyncset.done $0x0  }
0x3d: {  	[sflag:s10] =	ssyncadd.s32 $0xFFFFFD80  }
0x3e: {  	_ =	swait.ge [sflag:s11], $0x5A00  }
0x3f: {  	[sflag:s11] =	ssyncset.done $0x0  }
0x40: {  	[sflag:s11] =	ssyncadd.s32 $0xFFFFA600  }
0x41: {  	[bflag:$0x0] =	sbarrier.arrive $0xFFFF  }
0x42: {  	[tilespmem:s13], [sflag:$0x1] =	stream.indirect.gather [hbm4b:s4+s12], $0x1, s3, s12, $0xb8;
	[tilespmem:$0x6000] =	vst v63  }
0x43: {  	s24 =	simm.s32 $0x100  }
0x44: {  	[tilespmem:s14], [sflag:$0x2] =	stream.indirect.gather [hbm4b:s4+s12], $0x1, s24, s12, $0xb8;
	[tilespmem:$0x6000] =	vst v63  }
0x45: {  	_ =	swait.ge [sflag:s11], $0x70  }
0x46: {  	[sflag:s11] =	ssyncset.done $0x0  }
0x47: {  	s29 =	simm.s32 $0x80;
	[sflag:s11] =	ssyncadd.s32 $0xFFFFFF90  }
0x48: {  	[spmem:s1] =	stream.indirect.scatter.add.f32 [tilespmem:s13], [sflag:$0x3], $0x1, s29, s12, $0xb8;
	[tilespmem:$0x6000] =	vst v63  }
0x49: {  	_ =	swait.ge [sflag:s10], $0x70  }
0x4a: {  	[sflag:s10] =	ssyncset.done $0x0  }
0x4b: {  	s30 =	simm.s32 $0x200;
	[sflag:s10] =	ssyncadd.s32 $0xFFFFFF90  }
0x4c: {  	[tilespmem:s13], [sflag:$0x1] =	stream.indirect.gather [hbm4b:s4+s12], $0x1, s30, s12, $0xb8;
	[tilespmem:$0x6000] =	vst v63  }
0x4d: {  	_ =	swait.ge [sflag:s15], $0x70  }
0x4e: {  	[sflag:s15] =	ssyncset.done $0x0  }
0x4f: {  	s31 =	simm.s32 $0x180;
	[sflag:s15] =	ssyncadd.s32 $0xFFFFFF90  }
0x50: {  	[spmem:s1] =	stream.indirect.scatter.add.f32 [tilespmem:s14], [sflag:$0x3], $0x1, s31, s12, $0xb8;
	[tilespmem:$0x6000] =	vst v63  }
0x51: {  	_ =	swait.ge [sflag:s10], $0x70  }
0x52: {  	s25 =	simm.s32 $0xFFFEB000;
	s24 =	simm.s32 $0xFFFFAA00;
	[sflag:s10] =	ssyncset.done $0x0  }
.LBB2_2:
0x53: {  	s26 =	sadd.s32 $0x5900, s24  }
0x54: {  	[sflag:s10] =	ssyncadd.s32 $0xFFFFFF90;
	s28 =	smov.u32 s25;
	s29 =	sadd.s32 $0x800, s25  }
0x55: {  	[tilespmem:s14], [sflag:$0x2] =	stream.indirect.gather [hbm4b:s4+s12], $0x1, s26, s12, $0xb8;
	[tilespmem:$0x6000] =	vst v63  }
0x56: {  	p0 =	sne.s32 s25, $0xFFFFF800;
	_ =	swait.ge [sflag:s11], $0x70  }
0x57: {  	[sflag:s11] =	ssyncset.done $0x0  }
0x58: {  	s25 =	sadd.s32 $0x5880, s24;
	[sflag:s11] =	ssyncadd.s32 $0xFFFFFF90  }
0x59: {  	[spmem:s1] =	stream.indirect.scatter.add.f32 [tilespmem:s13], [sflag:$0x3], $0x1, s25, s12, $0xb8;
	[tilespmem:$0x6000] =	vst v63  }
0x5a: {  	_ =	swait.ge [sflag:s10], $0x70  }
0x5b: {  	[sflag:s10] =	ssyncset.done $0x0  }
0x5c: {  	s25 =	sadd.s32 $0x5A00, s24;
	[sflag:s10] =	ssyncadd.s32 $0xFFFFFF90  }
0x5d: {  	[tilespmem:s13], [sflag:$0x1] =	stream.indirect.gather [hbm4b:s4+s12], $0x1, s25, s12, $0xb8;
	[tilespmem:$0x6000] =	vst v63  }
0x5e: {  	_ =	swait.ge [sflag:s15], $0x70  }
.Ltmp0:
0x5f: {  	[sflag:s15] =	ssyncset.done $0x0;
	(pc) =	sbr.rel @p0 .LBB2_2-.Ltmp0, $4  }
0x60: {  	s24 =	sadd.s32 $0x5980, s24;
	[sflag:s15] =	ssyncadd.s32 $0xFFFFFF90  }
0x61: {  	[spmem:s1] =	stream.indirect.scatter.add.f32 [tilespmem:s14], [sflag:$0x3], $0x1, s24, s12, $0xb8;
	[tilespmem:$0x6000] =	vst v63  }
0x62: {  	_ =	swait.ge [sflag:s10], $0x70  }
0x63: {  	s25 =	smov.u32 s29;
	s24 =	sshra.s32 s28, $0x2;
	[sflag:s10] =	ssyncset.done $0x0  }
0x64: {  	s25 =	sadd.s32 $0x5900, s24;
	[sflag:s10] =	ssyncadd.s32 $0xFFFFFF90  }
0x65: {  	[tilespmem:s14], [sflag:$0x2] =	stream.indirect.gather [hbm4b:s4+s12], $0x1, s25, s12, $0xb8;
	[tilespmem:$0x6000] =	vst v63  }
0x66: {  	_ =	swait.ge [sflag:s11], $0x70  }
0x67: {  	[sflag:s11] =	ssyncset.done $0x0  }
0x68: {  	s29 =	sadd.s32 $0x5880, s24;
	[sflag:s11] =	ssyncadd.s32 $0xFFFFFF90  }
0x69: {  	[spmem:s1] =	stream.indirect.scatter.add.f32 [tilespmem:s13], [sflag:$0x3], $0x1, s29, s12, $0xb8;
	[tilespmem:$0x6000] =	vst v63  }
0x6a: {  	_ =	swait.ge [sflag:s10], $0x70  }
0x6b: {  	[sflag:s10] =	ssyncset.done $0x0  }
0x6c: {  	s30 =	sadd.s32 $0x5A00, s24;
	[sflag:s10] =	ssyncadd.s32 $0xFFFFFF90  }
0x6d: {  	[tilespmem:s13], [sflag:$0x1] =	stream.indirect.gather [hbm4b:s4+s12], $0x1, s30, s12, $0xb8;
	[tilespmem:$0x6000] =	vst v63  }
0x6e: {  	_ =	swait.ge [sflag:s15], $0x70  }
0x6f: {  	[sflag:s15] =	ssyncset.done $0x0  }
0x70: {  	s31 =	sadd.s32 $0x5980, s24;
	[sflag:s15] =	ssyncadd.s32 $0xFFFFFF90  }
0x71: {  	[spmem:s1] =	stream.indirect.scatter.add.f32 [tilespmem:s14], [sflag:$0x3], $0x1, s31, s12, $0xb8;
	[tilespmem:$0x6000] =	vst v63  }
0x72: {  	_ =	swait.ge [sflag:s10], $0x70  }
0x73: {  	[sflag:s10] =	ssyncset.done $0x0  }
0x74: {  	[sflag:s10] =	ssyncadd.s32 $0xFFFFFF90  }
0x75: {  	_ =	swait.ge [sflag:s11], $0x70  }
0x76: {  	[sflag:s11] =	ssyncset.done $0x0  }
0x77: {  	[sflag:s11] =	ssyncadd.s32 $0xFFFFFF90  }
0x78: {  	[spmem:s1] =	stream.indirect.scatter.add.f32 [tilespmem:s13], [sflag:$0x3], $0x1, s16, s12, $0xb8;
	[tilespmem:$0x6000] =	vst v63  }
0x79: {  	_ =	swait.ge [sflag:s10], $0x70  }
0x7a: {  	[sflag:s10] =	ssyncset.done $0x0  }
0x7b: {  	[sflag:s10] =	ssyncadd.s32 $0xFFFFFF90  }
0x7c: {  	[tilespmem:s14], [sflag:$0x2] =	stream.indirect.gather [hbm4b:s4+s12], $0x1, s17, s12, $0xb8;
	[tilespmem:$0x6000] =	vst v63  }
0x7d: {  	_ =	swait.ge [sflag:s15], $0x70  }
0x7e: {  	[sflag:s15] =	ssyncset.done $0x0  }
0x7f: {  	[sflag:s15] =	ssyncadd.s32 $0xFFFFFF90  }
0x80: {  	[spmem:s1] =	stream.indirect.scatter.add.f32 [tilespmem:s14], [sflag:$0x3], $0x1, s18, s12, $0xb8;
	[tilespmem:$0x6000] =	vst v63  }
0x81: {  	_ =	swait.ge [sflag:s10], $0x70  }
0x82: {  	s23 =	sadd.s32 $0x1, s23;
	[sflag:s10] =	ssyncset.done $0x0  }
0x83: {  	p0 =	sne.s32 s23, s8;
	[sflag:s10] =	ssyncadd.s32 $0xFFFFFF90  }
.Ltmp1:
0x84: {  	[bflag:$0x0] =	sbarrier.arrive $0xFFFF;
	(pc) =	sbr.rel @p0 .LBB2_1-.Ltmp1, $4  }
0x85: {  	[hbm:s7@s21], [sflag:s19] =	dma.strided [spmem:s20@s22], $0x50, s11, $0x10   }
0x86: {  	_ =	swait.ge [sflag:s10], $0x50  }
0x87: {  	[sflag:s10] =	ssyncset.done $0x0  }
0x88: {  	[sflag:s10] =	ssyncadd.s32 $0xFFFFFFB0  }
0x89: {  	_ =	sfence.sel $0x180000  }
0x8a: {  	[bflag:$0x0] =	sbarrier.arrive $0xFFFF  }
0x8b: {  	p0 =	sne.s32 s2, $0x0;
	_ =	strace $0x9000004D  }
0x8c: {  	s0 =	sadd.s32 @!p0 $0x100000, s0;
	[bflag:$0x2] =	sbarrier.arrive $0xFFFF  }
0x8d: {  	[sflag:s0] =	ssyncadd.tile.s32 @!p0 $0x1;
	_ =	shalt  }
.Lfunc_end2:
_tile_overlayer_lowered:
.L_overlay_start_2:
0x8e: {  	(tag) =	ssettag $0x2  }
0x8f: {  	s0 =	rddreg [dreg:$0x0];
	s2 =	stileid.u32  }
0x90: {  	s1 =	rddreg [dreg:$0x1];
	p0 =	sne.s32 s2, $0x0  }
0x91: {  	s3 =	rddreg [dreg:$0x2];
	[bflag:$0x3] =	sbarrier.arrive $0xFFFF;
	s2 =	simm.s32 @!p0 $0x1C03  }
0x92: {  	[timem:s3], [sflag:s2] =	dma.local @!p0 [hbm:s0], s1  }
0x93: {  	s0 =	simm.s32 @!p0 $0x3  }
0x94: {  	_ =	swait.ge @!p0 [sflag:s0], s1  }
0x95: {  	s1 =	ssub.s32 @!p0 $0x0, s1;
	[sflag:s0] =	ssyncset.done @!p0 $0x0  }
0x96: {  	[sflag:s0] =	ssyncadd.s32 @!p0 s1  }
0x97: {  	[bflag:$0x3] =	sbarrier.arrive $0xFFFF  }
0x98: {  	_ =	shalt  }

</sc_bundles>
